<compile_context>
chip_gen: v7x
topology: tpu7x:2x2x1
jax: 0.10.2.dev20260603
libtpu: 0.0.44.dev20260713+nightly
codegen_flags: <defaults>
</compile_context>

<pallas_src>
import functools

import jax
import jax.numpy as jnp
from jax import lax
from jax.experimental import pallas as pl
from jax.experimental.pallas import tpu as pltpu
from jax.experimental.pallas import tpu_sc as plsc

_NC = 2
_NS = 16
_NW = _NC * _NS
_CHUNK = 128
_L = 16


def _sc_mesh_kernel(out_shape, scratch):
  mesh = plsc.VectorSubcoreMesh(core_axis_name="c", subcore_axis_name="s")
  return functools.partial(
      pl.kernel, mesh=mesh, out_type=out_shape, scratch_types=scratch)


def _sc_gather_scatter_s(x, src_p, dst_p, z_s):
  n, d = x.shape
  e_pad = src_p.shape[0]
  ept = e_pad // _NW
  nchunk = ept // _CHUNK
  npad = z_s.shape[0]
  zrows = npad // _NS

  @_sc_mesh_kernel(
      jax.ShapeDtypeStruct((_NC, npad, d), jnp.float32),
      [
          pltpu.VMEM((_CHUNK,), jnp.int32),
          pltpu.VMEM((_CHUNK,), jnp.int32),
          pltpu.VMEM((_CHUNK, d), jnp.float32),
          pltpu.VMEM_SHARED((npad, d), jnp.float32),
          pltpu.SemaphoreType.DMA,
      ])
  def body(x_hbm, src_hbm, dst_hbm, zs_hbm, s_out, idx_v, dst_v, rows_v,
           acc_s, sem):
    c = lax.axis_index("c")
    s = lax.axis_index("s")
    wid = c * _NS + s

    pltpu.sync_copy(zs_hbm.at[pl.ds(s * zrows, zrows)],
                    acc_s.at[pl.ds(s * zrows, zrows)])
    plsc.subcore_barrier()

    def chunk(k, carry):
      off = wid * ept + k * _CHUNK
      pltpu.sync_copy(src_hbm.at[pl.ds(off, _CHUNK)], idx_v)
      pltpu.sync_copy(dst_hbm.at[pl.ds(off, _CHUNK)], dst_v)
      pltpu.async_copy(x_hbm.at[idx_v], rows_v, sem).wait()
      pltpu.sync_copy(rows_v, acc_s.at[dst_v], add=True)
      return carry

    lax.fori_loop(0, nchunk, chunk, 0)
    plsc.subcore_barrier()

    pltpu.sync_copy(acc_s.at[pl.ds(s * zrows, zrows)],
                    s_out.at[c, pl.ds(s * zrows, zrows)])

  return body(x, src_p, dst_p, z_s)


def _sc_scatter_t(eapk, dst_p, z_s, de):
  e_pad = dst_p.shape[0]
  ept = e_pad // _NW
  nchunk = ept // _CHUNK
  npad = z_s.shape[0]
  zrows = npad // _NS
  perrow = 128 // de
  krows = _CHUNK // perrow

  @_sc_mesh_kernel(
      jax.ShapeDtypeStruct((_NC, npad, 128), jnp.float32),
      [
          pltpu.VMEM((_CHUNK,), jnp.int32),
          pltpu.VMEM((krows, 128), jnp.float32),
          pltpu.VMEM((_CHUNK, 128), jnp.float32),
          pltpu.VMEM_SHARED((npad, 128), jnp.float32),
          pltpu.SemaphoreType.DMA,
      ])
  def body(eapk_hbm, dst_hbm, zs_hbm, t_out, dst_v, eapk_v, ea128_v,
           acc_t, sem):
    c = lax.axis_index("c")
    s = lax.axis_index("s")
    wid = c * _NS + s

    def zrow(i, carry):
      for j in range(perrow):
        ea128_v[i, pl.ds(j * _L, _L)] = jnp.zeros((_L,), jnp.float32)
      return carry
    lax.fori_loop(0, _CHUNK, zrow, 0)

    pltpu.sync_copy(zs_hbm.at[pl.ds(s * zrows, zrows)],
                    acc_t.at[pl.ds(s * zrows, zrows)])
    plsc.subcore_barrier()

    def chunk(k, carry):
      off = wid * ept + k * _CHUNK
      pltpu.sync_copy(dst_hbm.at[pl.ds(off, _CHUNK)], dst_v)
      pltpu.sync_copy(
          eapk_hbm.at[pl.ds(wid * (ept // perrow) + k * krows, krows)],
          eapk_v)
      for t in range(krows):
        for j in range(perrow):
          ea128_v[t * perrow + j, pl.ds(0, de)] = (
              eapk_v[t, pl.ds(j * de, de)])
      pltpu.sync_copy(ea128_v, acc_t.at[dst_v], add=True)
      return carry

    lax.fori_loop(0, nchunk, chunk, 0)
    plsc.subcore_barrier()

    pltpu.sync_copy(acc_t.at[pl.ds(s * zrows, zrows)],
                    t_out.at[c, pl.ds(s * zrows, zrows)])

  return body(eapk, dst_p, z_s)


def _tc_dense(x, s_parts, t_parts, batch3, w_self, w_msg, w_edge_p, b_msg2,
              wp_t, bp2, *, bn, g):
  n, d = x.shape
  h = w_self.shape[1]
  nb = n // bn

  tw = t_parts.shape[2]

  def body(x_ref, s_ref, t_ref, b_ref, ws_ref, wm_ref, we_ref, bm_ref,
           wp_ref, bp_ref, out_ref, gsum_ref, cnt_ref):
    i = pl.program_id(0)

    @pl.when(i == 0)
    def _():
      gsum_ref[...] = jnp.zeros_like(gsum_ref)
      cnt_ref[...] = jnp.zeros_like(cnt_ref)

    xb = x_ref[...]
    sb = s_ref[0] + s_ref[1]
    tb = t_ref[0] + t_ref[1]
    def split_dot(v, w_ref):
      v_hi = v.astype(jnp.bfloat16).astype(jnp.float32)
      return (jnp.dot(v_hi, w_ref[...], preferred_element_type=jnp.float32)
              + jnp.dot(v - v_hi, w_ref[...],
                        preferred_element_type=jnp.float32))

    hb = (jnp.dot(xb, ws_ref[...], preferred_element_type=jnp.float32)
          + split_dot(sb, wm_ref) + split_dot(tb, we_ref) + bm_ref[...])
    hb = jnp.where(hb > 0, hb, 0.01 * hb)

    bvals = b_ref[...].reshape(1, bn)
    seg = lax.broadcasted_iota(jnp.int32, (g, bn), 0)
    oneh = (seg == bvals).astype(jnp.float32)
    hb_hi = hb.astype(jnp.bfloat16).astype(jnp.float32)
    hb_lo = hb - hb_hi
    gsum_ref[...] += (
        jnp.dot(oneh, hb_hi, preferred_element_type=jnp.float32)
        + jnp.dot(oneh, hb_lo, preferred_element_type=jnp.float32))
    cnt_ref[...] += jnp.sum(oneh, axis=1, keepdims=True)

    @pl.when(i == nb - 1)
    def _():
      gmean = gsum_ref[...] / jnp.maximum(cnt_ref[...], 1.0)
      nrm = jnp.sqrt(jnp.sum(gmean * gmean, axis=1, keepdims=True))
      embs = gmean / jnp.maximum(nrm, 1e-12)
      embs_r = embs.astype(jnp.bfloat16).astype(jnp.float32)
      wp_r = wp_ref[...].astype(jnp.bfloat16).astype(jnp.float32)
      val = jnp.sum(embs_r * wp_r, axis=1, keepdims=True)
      out_ref[...] = val + bp_ref[...]

  return pl.pallas_call(
      body,
      grid=(nb,),
      in_specs=[
          pl.BlockSpec((bn, d), lambda i: (i, 0)),
          pl.BlockSpec((_NC, bn, d), lambda i: (0, i, 0)),
          pl.BlockSpec((_NC, bn, tw), lambda i: (0, i, 0)),
          pl.BlockSpec((1, 1, bn), lambda i: (i, 0, 0)),
          pl.BlockSpec((d, h), lambda i: (0, 0)),
          pl.BlockSpec((d, h), lambda i: (0, 0)),
          pl.BlockSpec((tw, h), lambda i: (0, 0)),
          pl.BlockSpec((1, h), lambda i: (0, 0)),
          pl.BlockSpec((1, h), lambda i: (0, 0)),
          pl.BlockSpec((1, h), lambda i: (0, 0)),
      ],
      out_specs=pl.BlockSpec((g, h), lambda i: (0, 0)),
      out_shape=jax.ShapeDtypeStruct((g, h), jnp.float32),
      scratch_shapes=[
          pltpu.VMEM((g, h), jnp.float32),
          pltpu.VMEM((g, 1), jnp.float32),
      ],
      compiler_params=pltpu.CompilerParams(
          dimension_semantics=("arbitrary",)),
  )(x, s_parts, t_parts, batch3, w_self, w_msg, w_edge_p, b_msg2, wp_t, bp2)


def kernel(x, edge_index, edge_attr, batch, W_self, W_msg, W_edge, b_msg,
           Wp, bp):
  n, d = x.shape
  e = edge_index.shape[1]
  de = edge_attr.shape[1]
  h = W_self.shape[1]
  g = 64

  per_tile = -(-e // (_NW * _CHUNK)) * _CHUNK
  e_pad = per_tile * _NW
  pad = e_pad - e
  npad = -(-(n + 1) // (_NS * 8)) * (_NS * 8)
  src_p = jnp.concatenate([edge_index[0], jnp.zeros((pad,), jnp.int32)])
  dst_pad = n + jnp.arange(pad, dtype=jnp.int32) % (npad - n)
  dst_p = jnp.concatenate([edge_index[1], dst_pad])
  x_r = x.astype(jnp.bfloat16).astype(jnp.float32)
  ea_r = edge_attr.astype(jnp.bfloat16).astype(jnp.float32)
  ea_p = jnp.concatenate(
      [ea_r, jnp.zeros((pad, de), jnp.float32)], axis=0)
  eapk = ea_p.reshape(e_pad * de // 128, 128)
  z_s = jnp.zeros((npad, d), jnp.float32)

  s_parts = _sc_gather_scatter_s(x_r, src_p, dst_p, z_s)
  t_parts = _sc_scatter_t(eapk, dst_p, z_s, de)
  tw = t_parts.shape[2]

  bn = 400
  batch3 = batch.reshape(n // bn, 1, bn)
  b_msg2 = b_msg.reshape(1, h)
  wp_t = Wp.reshape(1, h)
  bp2 = jnp.broadcast_to(bp.reshape(1, 1), (1, h))
  w_edge_p = jnp.zeros((tw, h), jnp.float32).at[:de].set(W_edge)

  out_full = _tc_dense(x, s_parts, t_parts, batch3, W_self, W_msg,
                       w_edge_p, b_msg2, wp_t, bp2, bn=bn, g=g)
  return out_full[:, :1]

# --- scband reference (transcript-rebuilt; emitter-appended) ---
"""Pipeline reference for scband-cross-mod-net-11287174054556 (READ-ONLY COPY).

The authoritative reference and input builder live on the scoring server;
editing this copy changes nothing except your own understanding.
"""

import jax, jax.numpy as jnp
import numpy as np

N = 10000
E = 320000
D = 128
DE = 16
H = 128
G = 64
DOUT = 1


def setup_inputs(seed: int = 0) -> dict:
    key = jax.random.key(seed)
    ks = jax.random.split(key, 10)
    x = jax.random.normal(ks[0], (N, D), dtype=jnp.float32)
    edge_index = jax.random.randint(ks[1], (2, E), 0, N, dtype=jnp.int32)
    edge_attr = jax.random.normal(ks[2], (E, DE), dtype=jnp.float32)
    batch = jnp.sort(jax.random.randint(ks[3], (N,), 0, G, dtype=jnp.int32))
    W_self = jax.random.normal(ks[4], (D, H), dtype=jnp.float32) * (1.0 / np.sqrt(D))
    W_msg = jax.random.normal(ks[5], (D, H), dtype=jnp.float32) * (1.0 / np.sqrt(D))
    W_edge = jax.random.normal(ks[6], (DE, H), dtype=jnp.float32) * (1.0 / np.sqrt(DE))
    b_msg = jnp.zeros((H,), dtype=jnp.float32)
    Wp = jax.random.normal(ks[7], (H, DOUT), dtype=jnp.float32) * (1.0 / np.sqrt(H))
    bp = jnp.zeros((DOUT,), dtype=jnp.float32)
    return {"x": x, "edge_index": edge_index, "edge_attr": edge_attr, "batch": batch,
            "W_self": W_self, "W_msg": W_msg, "W_edge": W_edge, "b_msg": b_msg,
            "Wp": Wp, "bp": bp}


def reference(x, edge_index, edge_attr, batch, W_self, W_msg, W_edge, b_msg, Wp, bp):
    # emb_net: edge-conditioned message passing + global mean pool
    src = edge_index[0]
    dst = edge_index[1]
    msg = jnp.take(x, src, axis=0) @ W_msg + edge_attr @ W_edge  # gather + dense
    agg = jax.ops.segment_sum(msg, dst, num_segments=N)          # scatter-add
    h = x @ W_self + agg + b_msg
    h = jnp.where(h > 0, h, 0.01 * h)  # leaky_relu
    # global mean pool per graph
    gsum = jax.ops.segment_sum(h, batch, num_segments=G)
    cnt = jax.ops.segment_sum(jnp.ones((N, 1), dtype=jnp.float32), batch, num_segments=G)
    gmean = gsum / jnp.maximum(cnt, 1.0)
    # F.normalize(p=2, dim=1) with eps=1e-12
    nrm = jnp.maximum(jnp.linalg.norm(gmean, axis=1, keepdims=True), 1e-12)
    embs = gmean / nrm
    # pred_net: Linear(dim_hidden, dim_out)
    out = embs @ Wp + bp
    return out

if __name__ == "__main__":
    import jax
    _d = setup_inputs()
    print(jax.jit(kernel)(*tuple(_d.values())))

</pallas_src>

<mosaic_0001>
#map = affine_map<(d0, d1) -> (0, 0)>
#map1 = affine_map<(d0, d1) -> (0)>
#map2 = affine_map<(d0, d1) -> (0, 0, 0)>
module attributes {stable_mosaic.version = 14 : i64} {
  func.func @body(%arg0: i32, %arg1: i32, %arg2: memref<10000x128xf32, #tpu.memory_space<hbm>>, %arg3: memref<323584xi32, #tpu.memory_space<hbm>>, %arg4: memref<323584xi32, #tpu.memory_space<hbm>>, %arg5: memref<10112x128xf32, #tpu.memory_space<hbm>>, %arg6: memref<2x10112x128xf32, #tpu.memory_space<hbm>>, %arg7: memref<128xi32, #tpu.memory_space<vmem>>, %arg8: memref<128xi32, #tpu.memory_space<vmem>>, %arg9: memref<128x128xf32, #tpu.memory_space<vmem>>, %arg10: memref<10112x128xf32, #tpu.memory_space<vmem_shared>>, %arg11: memref<!tpu.dma_semaphore, #tpu.memory_space<semaphore_mem>>) attributes {dimension_semantics = [#tpu.dimension_semantics<core_parallel>, #tpu.dimension_semantics<subcore_parallel>], iteration_bounds = array<i64: 2, 16>, scalar_prefetch = 0 : i64, scratch_operands = 5 : i64, tpu.core_type = #tpu.core_type<sc_vector_subcore>, window_params = [{transform_indices = #map}, {transform_indices = #map1}, {transform_indices = #map1}, {transform_indices = #map}, {transform_indices = #map2}]} {
    %mul3A = arith.constant 16 : i32
    %mul3A_0 = arith.muli %arg0, %mul3A : i32
    %add3A = arith.addi %mul3A_0, %arg1 : i32
    %mul3A_1 = arith.constant 632 : i32
    %mul3A_2 = arith.muli %arg1, %mul3A_1 : i32
    %mul3A_3 = arith.constant 632 : i32
    %mul3A_4 = arith.muli %arg1, %mul3A_3 : i32
    "tpu.region"() ({
      %run_scoped3A = tpu.sem_alloc : memref<!tpu.dma_semaphore, #tpu.memory_space<semaphore_mem>>
      %dma_start3A = arith.constant 0 : i32
      %dma_start3A_15 = tpu.memref_slice %arg10[%mul3A_4, %dma_start3A] : memref<10112x128xf32, #tpu.memory_space<vmem_shared>> -> memref<632x128xf32, #tpu.memory_space<vmem_shared>>
      %dma_start3A_16 = arith.constant 0 : i32
      %dma_start3A_17 = tpu.memref_slice %arg5[%mul3A_2, %dma_start3A_16] : memref<10112x128xf32, #tpu.memory_space<hbm>> -> memref<632x128xf32, #tpu.memory_space<hbm>>
      tpu.enqueue_dma source(%dma_start3A_17 : memref<632x128xf32, #tpu.memory_space<hbm>>) target(%dma_start3A_15 : memref<632x128xf32, #tpu.memory_space<vmem_shared>>) target_semaphore(%run_scoped3A : memref<!tpu.dma_semaphore, #tpu.memory_space<semaphore_mem>>)
      %dma_wait3A = arith.constant 0 : i32
      %dma_wait3A_18 = tpu.memref_slice %arg10[%mul3A_4, %dma_wait3A] : memref<10112x128xf32, #tpu.memory_space<vmem_shared>> -> memref<632x128xf32, #tpu.memory_space<vmem_shared>>
      %dma_wait3A_19 = arith.constant 0 : i32
      %dma_wait3A_20 = tpu.memref_slice %arg5[%mul3A_2, %dma_wait3A_19] : memref<10112x128xf32, #tpu.memory_space<hbm>> -> memref<632x128xf32, #tpu.memory_space<hbm>>
      tpu.wait_dma2 semaphore(%run_scoped3A : memref<!tpu.dma_semaphore, #tpu.memory_space<semaphore_mem>>) src(%dma_wait3A_20 : memref<632x128xf32, #tpu.memory_space<hbm>>) dst(%dma_wait3A_18 : memref<632x128xf32, #tpu.memory_space<vmem_shared>>)
      tpu.yield
    }) : () -> ()
    %barrier3A = arith.constant 0 : index
    tpu.barrier barrier_id(%barrier3A)
    %scan3A = arith.constant 0 : i32
    %scan3A_5 = arith.constant 0 : i32
    %scan3A_6 = arith.constant 79 : i32
    %scan3A_7 = arith.addi %scan3A_5, %scan3A_6 : i32
    %scan3A_8 = arith.constant 1 : i32
    scf.for %scan3A_15 = %scan3A_5 to %scan3A_7 step %scan3A_8  : i32 {
      %mul3A_16 = arith.constant 10112 : i32
      %mul3A_17 = arith.muli %add3A, %mul3A_16 : i32
      %mul3A_18 = arith.constant 128 : i32
      %mul3A_19 = arith.muli %scan3A_15, %mul3A_18 : i32
      %add3A_20 = arith.addi %mul3A_17, %mul3A_19 : i32
      "tpu.region"() ({
        %run_scoped3A = tpu.sem_alloc : memref<!tpu.dma_semaphore, #tpu.memory_space<semaphore_mem>>
        %dma_start3A_25 = tpu.memref_slice %arg3[%add3A_20] : memref<323584xi32, #tpu.memory_space<hbm>> -> memref<128xi32, #tpu.memory_space<hbm>>
        %dma_start3A_26 = tpu.memref_slice %arg3[%add3A_20] : memref<323584xi32, #tpu.memory_space<hbm>> -> memref<128xi32, #tpu.memory_space<hbm>>
        tpu.enqueue_dma source(%dma_start3A_26 : memref<128xi32, #tpu.memory_space<hbm>>) target(%arg7 : memref<128xi32, #tpu.memory_space<vmem>>) target_semaphore(%run_scoped3A : memref<!tpu.dma_semaphore, #tpu.memory_space<semaphore_mem>>)
        %dma_wait3A_27 = tpu.memref_slice %arg3[%add3A_20] : memref<323584xi32, #tpu.memory_space<hbm>> -> memref<128xi32, #tpu.memory_space<hbm>>
        %dma_wait3A_28 = tpu.memref_slice %arg3[%add3A_20] : memref<323584xi32, #tpu.memory_space<hbm>> -> memref<128xi32, #tpu.memory_space<hbm>>
        tpu.wait_dma2 semaphore(%run_scoped3A : memref<!tpu.dma_semaphore, #tpu.memory_space<semaphore_mem>>) src(%dma_wait3A_28 : memref<128xi32, #tpu.memory_space<hbm>>) dst(%arg7 : memref<128xi32, #tpu.memory_space<vmem>>)
        tpu.yield
      }) : () -> ()
      "tpu.region"() ({
        %run_scoped3A = tpu.sem_alloc : memref<!tpu.dma_semaphore, #tpu.memory_space<semaphore_mem>>
        %dma_start3A_25 = tpu.memref_slice %arg4[%add3A_20] : memref<323584xi32, #tpu.memory_space<hbm>> -> memref<128xi32, #tpu.memory_space<hbm>>
        %dma_start3A_26 = tpu.memref_slice %arg4[%add3A_20] : memref<323584xi32, #tpu.memory_space<hbm>> -> memref<128xi32, #tpu.memory_space<hbm>>
        tpu.enqueue_dma source(%dma_start3A_26 : memref<128xi32, #tpu.memory_space<hbm>>) target(%arg8 : memref<128xi32, #tpu.memory_space<vmem>>) target_semaphore(%run_scoped3A : memref<!tpu.dma_semaphore, #tpu.memory_space<semaphore_mem>>)
        %dma_wait3A_27 = tpu.memref_slice %arg4[%add3A_20] : memref<323584xi32, #tpu.memory_space<hbm>> -> memref<128xi32, #tpu.memory_space<hbm>>
        %dma_wait3A_28 = tpu.memref_slice %arg4[%add3A_20] : memref<323584xi32, #tpu.memory_space<hbm>> -> memref<128xi32, #tpu.memory_space<hbm>>
        tpu.wait_dma2 semaphore(%run_scoped3A : memref<!tpu.dma_semaphore, #tpu.memory_space<semaphore_mem>>) src(%dma_wait3A_28 : memref<128xi32, #tpu.memory_space<hbm>>) dst(%arg8 : memref<128xi32, #tpu.memory_space<vmem>>)
        tpu.yield
      }) : () -> ()
      %dma_start3A = arith.constant 0 : i32
      %dma_start3A_21 = arith.constant 0 : i32
      %dma_start3A_22 = tpu.memref_slice %arg2[%dma_start3A, %dma_start3A_21] : memref<10000x128xf32, #tpu.memory_space<hbm>> -> memref<10000x128xf32, #tpu.memory_space<hbm>>
      tpu.enqueue_indirect_dma source(%dma_start3A_22 : memref<10000x128xf32, #tpu.memory_space<hbm>>) target(%arg9 : memref<128x128xf32, #tpu.memory_space<vmem>>) offsets(%arg7 : memref<128xi32, #tpu.memory_space<vmem>>) semaphore(%arg11 : memref<!tpu.dma_semaphore, #tpu.memory_space<semaphore_mem>>)
      %dma_wait3A = arith.constant 0 : i32
      %dma_wait3A_23 = arith.constant 0 : i32
      %dma_wait3A_24 = tpu.memref_slice %arg2[%dma_wait3A, %dma_wait3A_23] : memref<10000x128xf32, #tpu.memory_space<hbm>> -> memref<10000x128xf32, #tpu.memory_space<hbm>>
      tpu.wait_indirect_dma semaphore(%arg11 : memref<!tpu.dma_semaphore, #tpu.memory_space<semaphore_mem>>) src(%dma_wait3A_24 : memref<10000x128xf32, #tpu.memory_space<hbm>>) dst(%arg9 : memref<128x128xf32, #tpu.memory_space<vmem>>)
      "tpu.region"() ({
        %run_scoped3A = tpu.sem_alloc : memref<!tpu.dma_semaphore, #tpu.memory_space<semaphore_mem>>
        %dma_start3A_25 = arith.constant 0 : i32
        %dma_start3A_26 = arith.constant 0 : i32
        %dma_start3A_27 = tpu.memref_slice %arg10[%dma_start3A_25, %dma_start3A_26] : memref<10112x128xf32, #tpu.memory_space<vmem_shared>> -> memref<10112x128xf32, #tpu.memory_space<vmem_shared>>
        tpu.enqueue_indirect_dma source(%arg9 : memref<128x128xf32, #tpu.memory_space<vmem>>) target(%dma_start3A_27 : memref<10112x128xf32, #tpu.memory_space<vmem_shared>>) offsets(%arg8 : memref<128xi32, #tpu.memory_space<vmem>>) semaphore(%run_scoped3A : memref<!tpu.dma_semaphore, #tpu.memory_space<semaphore_mem>>) {add = true}
        %dma_wait3A_28 = arith.constant 0 : i32
        %dma_wait3A_29 = arith.constant 0 : i32
        %dma_wait3A_30 = tpu.memref_slice %arg10[%dma_wait3A_28, %dma_wait3A_29] : memref<10112x128xf32, #tpu.memory_space<vmem_shared>> -> memref<10112x128xf32, #tpu.memory_space<vmem_shared>>
        tpu.wait_indirect_dma semaphore(%run_scoped3A : memref<!tpu.dma_semaphore, #tpu.memory_space<semaphore_mem>>) src(%arg9 : memref<128x128xf32, #tpu.memory_space<vmem>>) dst(%dma_wait3A_30 : memref<10112x128xf32, #tpu.memory_space<vmem_shared>>)
        tpu.yield
      }) : () -> ()
    }
    %scan3A_9 = arith.constant 79 : i32
    %barrier3A_10 = arith.constant 0 : index
    tpu.barrier barrier_id(%barrier3A_10)
    %mul3A_11 = arith.constant 632 : i32
    %mul3A_12 = arith.muli %arg1, %mul3A_11 : i32
    %mul3A_13 = arith.constant 632 : i32
    %mul3A_14 = arith.muli %arg1, %mul3A_13 : i32
    "tpu.region"() ({
      %run_scoped3A = tpu.sem_alloc : memref<!tpu.dma_semaphore, #tpu.memory_space<semaphore_mem>>
      %dma_start3A = arith.constant 0 : i32
      %dma_start3A_15 = tpu.memref_slice %arg6[%arg0, %mul3A_14, %dma_start3A] : memref<2x10112x128xf32, #tpu.memory_space<hbm>> -> memref<1x632x128xf32, #tpu.memory_space<hbm>>
      %dma_start3A_16 = tpu.memref_squeeze %dma_start3A_15 : memref<1x632x128xf32, #tpu.memory_space<hbm>> -> memref<632x128xf32, #tpu.memory_space<hbm>>
      %dma_start3A_17 = arith.constant 0 : i32
      %dma_start3A_18 = tpu.memref_slice %arg10[%mul3A_12, %dma_start3A_17] : memref<10112x128xf32, #tpu.memory_space<vmem_shared>> -> memref<632x128xf32, #tpu.memory_space<vmem_shared>>
      tpu.enqueue_dma source(%dma_start3A_18 : memref<632x128xf32, #tpu.memory_space<vmem_shared>>) target(%dma_start3A_16 : memref<632x128xf32, #tpu.memory_space<hbm>>) target_semaphore(%run_scoped3A : memref<!tpu.dma_semaphore, #tpu.memory_space<semaphore_mem>>)
      %dma_wait3A = arith.constant 0 : i32
      %dma_wait3A_19 = tpu.memref_slice %arg6[%arg0, %mul3A_14, %dma_wait3A] : memref<2x10112x128xf32, #tpu.memory_space<hbm>> -> memref<1x632x128xf32, #tpu.memory_space<hbm>>
      %dma_wait3A_20 = tpu.memref_squeeze %dma_wait3A_19 : memref<1x632x128xf32, #tpu.memory_space<hbm>> -> memref<632x128xf32, #tpu.memory_space<hbm>>
      %dma_wait3A_21 = arith.constant 0 : i32
      %dma_wait3A_22 = tpu.memref_slice %arg10[%mul3A_12, %dma_wait3A_21] : memref<10112x128xf32, #tpu.memory_space<vmem_shared>> -> memref<632x128xf32, #tpu.memory_space<vmem_shared>>
      tpu.wait_dma2 semaphore(%run_scoped3A : memref<!tpu.dma_semaphore, #tpu.memory_space<semaphore_mem>>) src(%dma_wait3A_22 : memref<632x128xf32, #tpu.memory_space<vmem_shared>>) dst(%dma_wait3A_20 : memref<632x128xf32, #tpu.memory_space<hbm>>)
      tpu.yield
    }) : () -> ()
    return
  }
}

#map = affine_map<(d0, d1) -> (0, 0)>
#map1 = affine_map<(d0, d1) -> (0)>
#map2 = affine_map<(d0, d1) -> (0, 0, 0)>
module attributes {stable_mosaic.version = 14 : i64} {
  func.func @body(%arg0: i32, %arg1: i32, %arg2: memref<40448x128xf32, #tpu.memory_space<hbm>>, %arg3: memref<323584xi32, #tpu.memory_space<hbm>>, %arg4: memref<10112x128xf32, #tpu.memory_space<hbm>>, %arg5: memref<2x10112x128xf32, #tpu.memory_space<hbm>>, %arg6: memref<128xi32, #tpu.memory_space<vmem>>, %arg7: memref<16x128xf32, #tpu.memory_space<vmem>>, %arg8: memref<128x128xf32, #tpu.memory_space<vmem>>, %arg9: memref<10112x128xf32, #tpu.memory_space<vmem_shared>>, %arg10: memref<!tpu.dma_semaphore, #tpu.memory_space<semaphore_mem>>) attributes {dimension_semantics = [#tpu.dimension_semantics<core_parallel>, #tpu.dimension_semantics<subcore_parallel>], iteration_bounds = array<i64: 2, 16>, scalar_prefetch = 0 : i64, scratch_operands = 5 : i64, tpu.core_type = #tpu.core_type<sc_vector_subcore>, window_params = [{transform_indices = #map}, {transform_indices = #map1}, {transform_indices = #map}, {transform_indices = #map2}]} {
    %mul3A = arith.constant 16 : i32
    %mul3A_0 = arith.muli %arg0, %mul3A : i32
    %add3A = arith.addi %mul3A_0, %arg1 : i32
    %scan3A = arith.constant 0 : i32
    %scan3A_1 = arith.constant 0 : i32
    %scan3A_2 = arith.constant 128 : i32
    %scan3A_3 = arith.addi %scan3A_1, %scan3A_2 : i32
    %scan3A_4 = arith.constant 1 : i32
    scf.for %scan3A_21 = %scan3A_1 to %scan3A_3 step %scan3A_4  : i32 {
      %broadcast_in_dim3A = arith.constant 0.000000e+00 : f32
      %broadcast_in_dim3A_22 = vector.broadcast %broadcast_in_dim3A : f32 to vector<16xf32>
      %swap3A = arith.index_cast %scan3A_21 : i32 to index
      %swap3A_23 = arith.constant 0 : index
      %swap3A_24 = tpu.vector_load %arg8[%swap3A, %swap3A_23] {strides = array<i32>} : memref<128x128xf32, #tpu.memory_space<vmem>>, vector<1x16xf32>,
      %swap3A_25 = vector.shape_cast %swap3A_24 : vector<1x16xf32> to vector<16xf32>
      %swap3A_26 = vector.shape_cast %broadcast_in_dim3A_22 : vector<16xf32> to vector<1x16xf32>
      tpu.vector_store %arg8[%swap3A, %swap3A_23], %swap3A_26 {strides = array<i32>} : memref<128x128xf32, #tpu.memory_space<vmem>>, vector<1x16xf32>,
      %broadcast_in_dim3A_27 = arith.constant 0.000000e+00 : f32
      %broadcast_in_dim3A_28 = vector.broadcast %broadcast_in_dim3A_27 : f32 to vector<16xf32>
      %swap3A_29 = arith.index_cast %scan3A_21 : i32 to index
      %swap3A_30 = arith.constant 16 : index
      %swap3A_31 = tpu.vector_load %arg8[%swap3A_29, %swap3A_30] {strides = array<i32>} : memref<128x128xf32, #tpu.memory_space<vmem>>, vector<1x16xf32>,
      %swap3A_32 = vector.shape_cast %swap3A_31 : vector<1x16xf32> to vector<16xf32>
      %swap3A_33 = vector.shape_cast %broadcast_in_dim3A_28 : vector<16xf32> to vector<1x16xf32>
      tpu.vector_store %arg8[%swap3A_29, %swap3A_30], %swap3A_33 {strides = array<i32>} : memref<128x128xf32, #tpu.memory_space<vmem>>, vector<1x16xf32>,
      %broadcast_in_dim3A_34 = arith.constant 0.000000e+00 : f32
      %broadcast_in_dim3A_35 = vector.broadcast %broadcast_in_dim3A_34 : f32 to vector<16xf32>
      %swap3A_36 = arith.index_cast %scan3A_21 : i32 to index
      %swap3A_37 = arith.constant 32 : index
      %swap3A_38 = tpu.vector_load %arg8[%swap3A_36, %swap3A_37] {strides = array<i32>} : memref<128x128xf32, #tpu.memory_space<vmem>>, vector<1x16xf32>,
      %swap3A_39 = vector.shape_cast %swap3A_38 : vector<1x16xf32> to vector<16xf32>
      %swap3A_40 = vector.shape_cast %broadcast_in_dim3A_35 : vector<16xf32> to vector<1x16xf32>
      tpu.vector_store %arg8[%swap3A_36, %swap3A_37], %swap3A_40 {strides = array<i32>} : memref<128x128xf32, #tpu.memory_space<vmem>>, vector<1x16xf32>,
      %broadcast_in_dim3A_41 = arith.constant 0.000000e+00 : f32
      %broadcast_in_dim3A_42 = vector.broadcast %broadcast_in_dim3A_41 : f32 to vector<16xf32>
      %swap3A_43 = arith.index_cast %scan3A_21 : i32 to index
      %swap3A_44 = arith.constant 48 : index
      %swap3A_45 = tpu.vector_load %arg8[%swap3A_43, %swap3A_44] {strides = array<i32>} : memref<128x128xf32, #tpu.memory_space<vmem>>, vector<1x16xf32>,
      %swap3A_46 = vector.shape_cast %swap3A_45 : vector<1x16xf32> to vector<16xf32>
      %swap3A_47 = vector.shape_cast %broadcast_in_dim3A_42 : vector<16xf32> to vector<1x16xf32>
      tpu.vector_store %arg8[%swap3A_43, %swap3A_44], %swap3A_47 {strides = array<i32>} : memref<128x128xf32, #tpu.memory_space<vmem>>, vector<1x16xf32>,
      %broadcast_in_dim3A_48 = arith.constant 0.000000e+00 : f32
      %broadcast_in_dim3A_49 = vector.broadcast %broadcast_in_dim3A_48 : f32 to vector<16xf32>
      %swap3A_50 = arith.index_cast %scan3A_21 : i32 to index
      %swap3A_51 = arith.constant 64 : index
      %swap3A_52 = tpu.vector_load %arg8[%swap3A_50, %swap3A_51] {strides = array<i32>} : memref<128x128xf32, #tpu.memory_space<vmem>>, vector<1x16xf32>,
      %swap3A_53 = vector.shape_cast %swap3A_52 : vector<1x16xf32> to vector<16xf32>
      %swap3A_54 = vector.shape_cast %broadcast_in_dim3A_49 : vector<16xf32> to vector<1x16xf32>
      tpu.vector_store %arg8[%swap3A_50, %swap3A_51], %swap3A_54 {strides = array<i32>} : memref<128x128xf32, #tpu.memory_space<vmem>>, vector<1x16xf32>,
      %broadcast_in_dim3A_55 = arith.constant 0.000000e+00 : f32
      %broadcast_in_dim3A_56 = vector.broadcast %broadcast_in_dim3A_55 : f32 to vector<16xf32>
      %swap3A_57 = arith.index_cast %scan3A_21 : i32 to index
      %swap3A_58 = arith.constant 80 : index
      %swap3A_59 = tpu.vector_load %arg8[%swap3A_57, %swap3A_58] {strides = array<i32>} : memref<128x128xf32, #tpu.memory_space<vmem>>, vector<1x16xf32>,
      %swap3A_60 = vector.shape_cast %swap3A_59 : vector<1x16xf32> to vector<16xf32>
      %swap3A_61 = vector.shape_cast %broadcast_in_dim3A_56 : vector<16xf32> to vector<1x16xf32>
      tpu.vector_store %arg8[%swap3A_57, %swap3A_58], %swap3A_61 {strides = array<i32>} : memref<128x128xf32, #tpu.memory_space<vmem>>, vector<1x16xf32>,
      %broadcast_in_dim3A_62 = arith.constant 0.000000e+00 : f32
      %broadcast_in_dim3A_63 = vector.broadcast %broadcast_in_dim3A_62 : f32 to vector<16xf32>
      %swap3A_64 = arith.index_cast %scan3A_21 : i32 to index
      %swap3A_65 = arith.constant 96 : index
      %swap3A_66 = tpu.vector_load %arg8[%swap3A_64, %swap3A_65] {strides = array<i32>} : memref<128x128xf32, #tpu.memory_space<vmem>>, vector<1x16xf32>,
      %swap3A_67 = vector.shape_cast %swap3A_66 : vector<1x16xf32> to vector<16xf32>
      %swap3A_68 = vector.shape_cast %broadcast_in_dim3A_63 : vector<16xf32> to vector<1x16xf32>
      tpu.vector_store %arg8[%swap3A_64, %swap3A_65], %swap3A_68 {strides = array<i32>} : memref<128x128xf32, #tpu.memory_space<vmem>>, vector<1x16xf32>,
      %broadcast_in_dim3A_69 = arith.constant 0.000000e+00 : f32
      %broadcast_in_dim3A_70 = vector.broadcast %broadcast_in_dim3A_69 : f32 to vector<16xf32>
      %swap3A_71 = arith.index_cast %scan3A_21 : i32 to index
      %swap3A_72 = arith.constant 112 : index
      %swap3A_73 = tpu.vector_load %arg8[%swap3A_71, %swap3A_72] {strides = array<i32>} : memref<128x128xf32, #tpu.memory_space<vmem>>, vector<1x16xf32>,
      %swap3A_74 = vector.shape_cast %swap3A_73 : vector<1x16xf32> to vector<16xf32>
      %swap3A_75 = vector.shape_cast %broadcast_in_dim3A_70 : vector<16xf32> to vector<1x16xf32>
      tpu.vector_store %arg8[%swap3A_71, %swap3A_72], %swap3A_75 {strides = array<i32>} : memref<128x128xf32, #tpu.memory_space<vmem>>, vector<1x16xf32>,
    }
    %scan3A_5 = arith.constant 128 : i32
    %mul3A_6 = arith.constant 632 : i32
    %mul3A_7 = arith.muli %arg1, %mul3A_6 : i32
    %mul3A_8 = arith.constant 632 : i32
    %mul3A_9 = arith.muli %arg1, %mul3A_8 : i32
    "tpu.region"() ({
      %run_scoped3A = tpu.sem_alloc : memref<!tpu.dma_semaphore, #tpu.memory_space<semaphore_mem>>
      %dma_start3A = arith.constant 0 : i32
      %dma_start3A_21 = tpu.memref_slice %arg9[%mul3A_9, %dma_start3A] : memref<10112x128xf32, #tpu.memory_space<vmem_shared>> -> memref<632x128xf32, #tpu.memory_space<vmem_shared>>
      %dma_start3A_22 = arith.constant 0 : i32
      %dma_start3A_23 = tpu.memref_slice %arg4[%mul3A_7, %dma_start3A_22] : memref<10112x128xf32, #tpu.memory_space<hbm>> -> memref<632x128xf32, #tpu.memory_space<hbm>>
      tpu.enqueue_dma source(%dma_start3A_23 : memref<632x128xf32, #tpu.memory_space<hbm>>) target(%dma_start3A_21 : memref<632x128xf32, #tpu.memory_space<vmem_shared>>) target_semaphore(%run_scoped3A : memref<!tpu.dma_semaphore, #tpu.memory_space<semaphore_mem>>)
      %dma_wait3A = arith.constant 0 : i32
      %dma_wait3A_24 = tpu.memref_slice %arg9[%mul3A_9, %dma_wait3A] : memref<10112x128xf32, #tpu.memory_space<vmem_shared>> -> memref<632x128xf32, #tpu.memory_space<vmem_shared>>
      %dma_wait3A_25 = arith.constant 0 : i32
      %dma_wait3A_26 = tpu.memref_slice %arg4[%mul3A_7, %dma_wait3A_25] : memref<10112x128xf32, #tpu.memory_space<hbm>> -> memref<632x128xf32, #tpu.memory_space<hbm>>
      tpu.wait_dma2 semaphore(%run_scoped3A : memref<!tpu.dma_semaphore, #tpu.memory_space<semaphore_mem>>) src(%dma_wait3A_26 : memref<632x128xf32, #tpu.memory_space<hbm>>) dst(%dma_wait3A_24 : memref<632x128xf32, #tpu.memory_space<vmem_shared>>)
      tpu.yield
    }) : () -> ()
    %barrier3A = arith.constant 0 : index
    tpu.barrier barrier_id(%barrier3A)
    %scan3A_10 = arith.constant 0 : i32
    %scan3A_11 = arith.constant 0 : i32
    %scan3A_12 = arith.constant 79 : i32
    %scan3A_13 = arith.addi %scan3A_11, %scan3A_12 : i32
    %scan3A_14 = arith.constant 1 : i32
    scf.for %scan3A_21 = %scan3A_11 to %scan3A_13 step %scan3A_14  : i32 {
      %mul3A_22 = arith.constant 10112 : i32
      %mul3A_23 = arith.muli %add3A, %mul3A_22 : i32
      %mul3A_24 = arith.constant 128 : i32
      %mul3A_25 = arith.muli %scan3A_21, %mul3A_24 : i32
      %add3A_26 = arith.addi %mul3A_23, %mul3A_25 : i32
      "tpu.region"() ({
        %run_scoped3A = tpu.sem_alloc : memref<!tpu.dma_semaphore, #tpu.memory_space<semaphore_mem>>
        %dma_start3A = tpu.memref_slice %arg3[%add3A_26] : memref<323584xi32, #tpu.memory_space<hbm>> -> memref<128xi32, #tpu.memory_space<hbm>>
        %dma_start3A_1438 = tpu.memref_slice %arg3[%add3A_26] : memref<323584xi32, #tpu.memory_space<hbm>> -> memref<128xi32, #tpu.memory_space<hbm>>
        tpu.enqueue_dma source(%dma_start3A_1438 : memref<128xi32, #tpu.memory_space<hbm>>) target(%arg6 : memref<128xi32, #tpu.memory_space<vmem>>) target_semaphore(%run_scoped3A : memref<!tpu.dma_semaphore, #tpu.memory_space<semaphore_mem>>)
        %dma_wait3A = tpu.memref_slice %arg3[%add3A_26] : memref<323584xi32, #tpu.memory_space<hbm>> -> memref<128xi32, #tpu.memory_space<hbm>>
        %dma_wait3A_1439 = tpu.memref_slice %arg3[%add3A_26] : memref<323584xi32, #tpu.memory_space<hbm>> -> memref<128xi32, #tpu.memory_space<hbm>>
        tpu.wait_dma2 semaphore(%run_scoped3A : memref<!tpu.dma_semaphore, #tpu.memory_space<semaphore_mem>>) src(%dma_wait3A_1439 : memref<128xi32, #tpu.memory_space<hbm>>) dst(%arg6 : memref<128xi32, #tpu.memory_space<vmem>>)
        tpu.yield
      }) : () -> ()
      %mul3A_27 = arith.constant 1264 : i32
      %mul3A_28 = arith.muli %add3A, %mul3A_27 : i32
      %mul3A_29 = arith.constant 16 : i32
      %mul3A_30 = arith.muli %scan3A_21, %mul3A_29 : i32
      %add3A_31 = arith.addi %mul3A_28, %mul3A_30 : i32
      "tpu.region"() ({
        %run_scoped3A = tpu.sem_alloc : memref<!tpu.dma_semaphore, #tpu.memory_space<semaphore_mem>>
        %dma_start3A = arith.constant 0 : i32
        %dma_start3A_1438 = tpu.memref_slice %arg2[%add3A_31, %dma_start3A] : memref<40448x128xf32, #tpu.memory_space<hbm>> -> memref<16x128xf32, #tpu.memory_space<hbm>>
        %dma_start3A_1439 = arith.constant 0 : i32
        %dma_start3A_1440 = tpu.memref_slice %arg2[%add3A_31, %dma_start3A_1439] : memref<40448x128xf32, #tpu.memory_space<hbm>> -> memref<16x128xf32, #tpu.memory_space<hbm>>
        tpu.enqueue_dma source(%dma_start3A_1440 : memref<16x128xf32, #tpu.memory_space<hbm>>) target(%arg7 : memref<16x128xf32, #tpu.memory_space<vmem>>) target_semaphore(%run_scoped3A : memref<!tpu.dma_semaphore, #tpu.memory_space<semaphore_mem>>)
        %dma_wait3A = arith.constant 0 : i32
        %dma_wait3A_1441 = tpu.memref_slice %arg2[%add3A_31, %dma_wait3A] : memref<40448x128xf32, #tpu.memory_space<hbm>> -> memref<16x128xf32, #tpu.memory_space<hbm>>
        %dma_wait3A_1442 = arith.constant 0 : i32
        %dma_wait3A_1443 = tpu.memref_slice %arg2[%add3A_31, %dma_wait3A_1442] : memref<40448x128xf32, #tpu.memory_space<hbm>> -> memref<16x128xf32, #tpu.memory_space<hbm>>
        tpu.wait_dma2 semaphore(%run_scoped3A : memref<!tpu.dma_semaphore, #tpu.memory_space<semaphore_mem>>) src(%dma_wait3A_1443 : memref<16x128xf32, #tpu.memory_space<hbm>>) dst(%arg7 : memref<16x128xf32, #tpu.memory_space<vmem>>)
        tpu.yield
      }) : () -> ()
      %get3A = arith.constant 0 : i32
      %get3A_32 = arith.index_cast %get3A : i32 to index
      %get3A_33 = arith.constant 0 : index
      %get3A_34 = tpu.vector_load %arg7[%get3A_32, %get3A_33] {strides = array<i32>} : memref<16x128xf32, #tpu.memory_space<vmem>>, vector<1x16xf32>,
      %get3A_35 = vector.shape_cast %get3A_34 : vector<1x16xf32> to vector<16xf32>
      %swap3A = arith.constant 0 : i32
      %swap3A_36 = arith.index_cast %swap3A : i32 to index
      %swap3A_37 = arith.constant 0 : index
      %swap3A_38 = tpu.vector_load %arg8[%swap3A_36, %swap3A_37] {strides = array<i32>} : memref<128x128xf32, #tpu.memory_space<vmem>>, vector<1x16xf32>,
      %swap3A_39 = vector.shape_cast %swap3A_38 : vector<1x16xf32> to vector<16xf32>
      %swap3A_40 = vector.shape_cast %get3A_35 : vector<16xf32> to vector<1x16xf32>
      tpu.vector_store %arg8[%swap3A_36, %swap3A_37], %swap3A_40 {strides = array<i32>} : memref<128x128xf32, #tpu.memory_space<vmem>>, vector<1x16xf32>,
      %get3A_41 = arith.constant 0 : i32
      %get3A_42 = arith.index_cast %get3A_41 : i32 to index
      %get3A_43 = arith.constant 16 : index
      %get3A_44 = tpu.vector_load %arg7[%get3A_42, %get3A_43] {strides = array<i32>} : memref<16x128xf32, #tpu.memory_space<vmem>>, vector<1x16xf32>,
      %get3A_45 = vector.shape_cast %get3A_44 : vector<1x16xf32> to vector<16xf32>
      %swap3A_46 = arith.constant 1 : i32
      %swap3A_47 = arith.index_cast %swap3A_46 : i32 to index
      %swap3A_48 = arith.constant 0 : index
      %swap3A_49 = tpu.vector_load %arg8[%swap3A_47, %swap3A_48] {strides = array<i32>} : memref<128x128xf32, #tpu.memory_space<vmem>>, vector<1x16xf32>,
      %swap3A_50 = vector.shape_cast %swap3A_49 : vector<1x16xf32> to vector<16xf32>
      %swap3A_51 = vector.shape_cast %get3A_45 : vector<16xf32> to vector<1x16xf32>
      tpu.vector_store %arg8[%swap3A_47, %swap3A_48], %swap3A_51 {strides = array<i32>} : memref<128x128xf32, #tpu.memory_space<vmem>>, vector<1x16xf32>,
      %get3A_52 = arith.constant 0 : i32
      %get3A_53 = arith.index_cast %get3A_52 : i32 to index
      %get3A_54 = arith.constant 32 : index
      %get3A_55 = tpu.vector_load %arg7[%get3A_53, %get3A_54] {strides = array<i32>} : memref<16x128xf32, #tpu.memory_space<vmem>>, vector<1x16xf32>,
      %get3A_56 = vector.shape_cast %get3A_55 : vector<1x16xf32> to vector<16xf32>
      %swap3A_57 = arith.constant 2 : i32
      %swap3A_58 = arith.index_cast %swap3A_57 : i32 to index
      %swap3A_59 = arith.constant 0 : index
      %swap3A_60 = tpu.vector_load %arg8[%swap3A_58, %swap3A_59] {strides = array<i32>} : memref<128x128xf32, #tpu.memory_space<vmem>>, vector<1x16xf32>,
      %swap3A_61 = vector.shape_cast %swap3A_60 : vector<1x16xf32> to vector<16xf32>
      %swap3A_62 = vector.shape_cast %get3A_56 : vector<16xf32> to vector<1x16xf32>
      tpu.vector_store %arg8[%swap3A_58, %swap3A_59], %swap3A_62 {strides = array<i32>} : memref<128x128xf32, #tpu.memory_space<vmem>>, vector<1x16xf32>,
      %get3A_63 = arith.constant 0 : i32
      %get3A_64 = arith.index_cast %get3A_63 : i32 to index
      %get3A_65 = arith.constant 48 : index
      %get3A_66 = tpu.vector_load %arg7[%get3A_64, %get3A_65] {strides = array<i32>} : memref<16x128xf32, #tpu.memory_space<vmem>>, vector<1x16xf32>,
      %get3A_67 = vector.shape_cast %get3A_66 : vector<1x16xf32> to vector<16xf32>
      %swap3A_68 = arith.constant 3 : i32
      %swap3A_69 = arith.index_cast %swap3A_68 : i32 to index
      %swap3A_70 = arith.constant 0 : index
      %swap3A_71 = tpu.vector_load %arg8[%swap3A_69, %swap3A_70] {strides = array<i32>} : memref<128x128xf32, #tpu.memory_space<vmem>>, vector<1x16xf32>,
      %swap3A_72 = vector.shape_cast %swap3A_71 : vector<1x16xf32> to vector<16xf32>
      %swap3A_73 = vector.shape_cast %get3A_67 : vector<16xf32> to vector<1x16xf32>
      tpu.vector_store %arg8[%swap3A_69, %swap3A_70], %swap3A_73 {strides = array<i32>} : memref<128x128xf32, #tpu.memory_space<vmem>>, vector<1x16xf32>,
      %get3A_74 = arith.constant 0 : i32
      %get3A_75 = arith.index_cast %get3A_74 : i32 to index
      %get3A_76 = arith.constant 64 : index
      %get3A_77 = tpu.vector_load %arg7[%get3A_75, %get3A_76] {strides = array<i32>} : memref<16x128xf32, #tpu.memory_space<vmem>>, vector<1x16xf32>,
      %get3A_78 = vector.shape_cast %get3A_77 : vector<1x16xf32> to vector<16xf32>
      %swap3A_79 = arith.constant 4 : i32
      %swap3A_80 = arith.index_cast %swap3A_79 : i32 to index
      %swap3A_81 = arith.constant 0 : index
      %swap3A_82 = tpu.vector_load %arg8[%swap3A_80, %swap3A_81] {strides = array<i32>} : memref<128x128xf32, #tpu.memory_space<vmem>>, vector<1x16xf32>,
      %swap3A_83 = vector.shape_cast %swap3A_82 : vector<1x16xf32> to vector<16xf32>
      %swap3A_84 = vector.shape_cast %get3A_78 : vector<16xf32> to vector<1x16xf32>
      tpu.vector_store %arg8[%swap3A_80, %swap3A_81], %swap3A_84 {strides = array<i32>} : memref<128x128xf32, #tpu.memory_space<vmem>>, vector<1x16xf32>,
      %get3A_85 = arith.constant 0 : i32
      %get3A_86 = arith.index_cast %get3A_85 : i32 to index
      %get3A_87 = arith.constant 80 : index
      %get3A_88 = tpu.vector_load %arg7[%get3A_86, %get3A_87] {strides = array<i32>} : memref<16x128xf32, #tpu.memory_space<vmem>>, vector<1x16xf32>,
      %get3A_89 = vector.shape_cast %get3A_88 : vector<1x16xf32> to vector<16xf32>
      %swap3A_90 = arith.constant 5 : i32
      %swap3A_91 = arith.index_cast %swap3A_90 : i32 to index
      %swap3A_92 = arith.constant 0 : index
      %swap3A_93 = tpu.vector_load %arg8[%swap3A_91, %swap3A_92] {strides = array<i32>} : memref<128x128xf32, #tpu.memory_space<vmem>>, vector<1x16xf32>,
      %swap3A_94 = vector.shape_cast %swap3A_93 : vector<1x16xf32> to vector<16xf32>
      %swap3A_95 = vector.shape_cast %get3A_89 : vector<16xf32> to vector<1x16xf32>
      tpu.vector_store %arg8[%swap3A_91, %swap3A_92], %swap3A_95 {strides = array<i32>} : memref<128x128xf32, #tpu.memory_space<vmem>>, vector<1x16xf32>,
      %get3A_96 = arith.constant 0 : i32
      %get3A_97 = arith.index_cast %get3A_96 : i32 to index
      %get3A_98 = arith.constant 96 : index
      %get3A_99 = tpu.vector_load %arg7[%get3A_97, %get3A_98] {strides = array<i32>} : memref<16x128xf32, #tpu.memory_space<vmem>>, vector<1x16xf32>,
      %get3A_100 = vector.shape_cast %get3A_99 : vector<1x16xf32> to vector<16xf32>
      %swap3A_101 = arith.constant 6 : i32
      %swap3A_102 = arith.index_cast %swap3A_101 : i32 to index
      %swap3A_103 = arith.constant 0 : index
      %swap3A_104 = tpu.vector_load %arg8[%swap3A_102, %swap3A_103] {strides = array<i32>} : memref<128x128xf32, #tpu.memory_space<vmem>>, vector<1x16xf32>,
      %swap3A_105 = vector.shape_cast %swap3A_104 : vector<1x16xf32> to vector<16xf32>
      %swap3A_106 = vector.shape_cast %get3A_100 : vector<16xf32> to vector<1x16xf32>
      tpu.vector_store %arg8[%swap3A_102, %swap3A_103], %swap3A_106 {strides = array<i32>} : memref<128x128xf32, #tpu.memory_space<vmem>>, vector<1x16xf32>,
      %get3A_107 = arith.constant 0 : i32
      %get3A_108 = arith.index_cast %get3A_107 : i32 to index
      %get3A_109 = arith.constant 112 : index
      %get3A_110 = tpu.vector_load %arg7[%get3A_108, %get3A_109] {strides = array<i32>} : memref<16x128xf32, #tpu.memory_space<vmem>>, vector<1x16xf32>,
      %get3A_111 = vector.shape_cast %get3A_110 : vector<1x16xf32> to vector<16xf32>
      %swap3A_112 = arith.constant 7 : i32
      %swap3A_113 = arith.index_cast %swap3A_112 : i32 to index
      %swap3A_114 = arith.constant 0 : index
      %swap3A_115 = tpu.vector_load %arg8[%swap3A_113, %swap3A_114] {strides = array<i32>} : memref<128x128xf32, #tpu.memory_space<vmem>>, vector<1x16xf32>,
      %swap3A_116 = vector.shape_cast %swap3A_115 : vector<1x16xf32> to vector<16xf32>
      %swap3A_117 = vector.shape_cast %get3A_111 : vector<16xf32> to vector<1x16xf32>
      tpu.vector_store %arg8[%swap3A_113, %swap3A_114], %swap3A_117 {strides = array<i32>} : memref<128x128xf32, #tpu.memory_space<vmem>>, vector<1x16xf32>,
      %get3A_118 = arith.constant 1 : i32
      %get3A_119 = arith.index_cast %get3A_118 : i32 to index
      %get3A_120 = arith.constant 0 : index
      %get3A_121 = tpu.vector_load %arg7[%get3A_119, %get3A_120] {strides = array<i32>} : memref<16x128xf32, #tpu.memory_space<vmem>>, vector<1x16xf32>,
      %get3A_122 = vector.shape_cast %get3A_121 : vector<1x16xf32> to vector<16xf32>
      %swap3A_123 = arith.constant 8 : i32
      %swap3A_124 = arith.index_cast %swap3A_123 : i32 to index
      %swap3A_125 = arith.constant 0 : index
      %swap3A_126 = tpu.vector_load %arg8[%swap3A_124, %swap3A_125] {strides = array<i32>} : memref<128x128xf32, #tpu.memory_space<vmem>>, vector<1x16xf32>,
      %swap3A_127 = vector.shape_cast %swap3A_126 : vector<1x16xf32> to vector<16xf32>
      %swap3A_128 = vector.shape_cast %get3A_122 : vector<16xf32> to vector<1x16xf32>
      tpu.vector_store %arg8[%swap3A_124, %swap3A_125], %swap3A_128 {strides = array<i32>} : memref<128x128xf32, #tpu.memory_space<vmem>>, vector<1x16xf32>,
      %get3A_129 = arith.constant 1 : i32
      %get3A_130 = arith.index_cast %get3A_129 : i32 to index
      %get3A_131 = arith.constant 16 : index
      %get3A_132 = tpu.vector_load %arg7[%get3A_130, %get3A_131] {strides = array<i32>} : memref<16x128xf32, #tpu.memory_space<vmem>>, vector<1x16xf32>,
      %get3A_133 = vector.shape_cast %get3A_132 : vector<1x16xf32> to vector<16xf32>
      %swap3A_134 = arith.constant 9 : i32
      %swap3A_135 = arith.index_cast %swap3A_134 : i32 to index
      %swap3A_136 = arith.constant 0 : index
      %swap3A_137 = tpu.vector_load %arg8[%swap3A_135, %swap3A_136] {strides = array<i32>} : memref<128x128xf32, #tpu.memory_space<vmem>>, vector<1x16xf32>,
      %swap3A_138 = vector.shape_cast %swap3A_137 : vector<1x16xf32> to vector<16xf32>
      %swap3A_139 = vector.shape_cast %get3A_133 : vector<16xf32> to vector<1x16xf32>
      tpu.vector_store %arg8[%swap3A_135, %swap3A_136], %swap3A_139 {strides = array<i32>} : memref<128x128xf32, #tpu.memory_space<vmem>>, vector<1x16xf32>,
      %get3A_140 = arith.constant 1 : i32
      %get3A_141 = arith.index_cast %get3A_140 : i32 to index
      %get3A_142 = arith.constant 32 : index
      %get3A_143 = tpu.vector_load %arg7[%get3A_141, %get3A_142] {strides = array<i32>} : memref<16x128xf32, #tpu.memory_space<vmem>>, vector<1x16xf32>,
      %get3A_144 = vector.shape_cast %get3A_143 : vector<1x16xf32> to vector<16xf32>
      %swap3A_145 = arith.constant 10 : i32
      %swap3A_146 = arith.index_cast %swap3A_145 : i32 to index
      %swap3A_147 = arith.constant 0 : index
      %swap3A_148 = tpu.vector_load %arg8[%swap3A_146, %swap3A_147] {strides = array<i32>} : memref<128x128xf32, #tpu.memory_space<vmem>>, vector<1x16xf32>,
      %swap3A_149 = vector.shape_cast %swap3A_148 : vector<1x16xf32> to vector<16xf32>
      %swap3A_150 = vector.shape_cast %get3A_144 : vector<16xf32> to vector<1x16xf32>
      tpu.vector_store %arg8[%swap3A_146, %swap3A_147], %swap3A_150 {strides = array<i32>} : memref<128x128xf32, #tpu.memory_space<vmem>>, vector<1x16xf32>,
      %get3A_151 = arith.constant 1 : i32
      %get3A_152 = arith.index_cast %get3A_151 : i32 to index
      %get3A_153 = arith.constant 48 : index
      %get3A_154 = tpu.vector_load %arg7[%get3A_152, %get3A_153] {strides = array<i32>} : memref<16x128xf32, #tpu.memory_space<vmem>>, vector<1x16xf32>,
      %get3A_155 = vector.shape_cast %get3A_154 : vector<1x16xf32> to vector<16xf32>
      %swap3A_156 = arith.constant 11 : i32
      %swap3A_157 = arith.index_cast %swap3A_156 : i32 to index
      %swap3A_158 = arith.constant 0 : index
      %swap3A_159 = tpu.vector_load %arg8[%swap3A_157, %swap3A_158] {strides = array<i32>} : memref<128x128xf32, #tpu.memory_space<vmem>>, vector<1x16xf32>,
      %swap3A_160 = vector.shape_cast %swap3A_159 : vector<1x16xf32> to vector<16xf32>
      %swap3A_161 = vector.shape_cast %get3A_155 : vector<16xf32> to vector<1x16xf32>
      tpu.vector_store %arg8[%swap3A_157, %swap3A_158], %swap3A_161 {strides = array<i32>} : memref<128x128xf32, #tpu.memory_space<vmem>>, vector<1x16xf32>,
      %get3A_162 = arith.constant 1 : i32
      %get3A_163 = arith.index_cast %get3A_162 : i32 to index
      %get3A_164 = arith.constant 64 : index
      %get3A_165 = tpu.vector_load %arg7[%get3A_163, %get3A_164] {strides = array<i32>} : memref<16x128xf32, #tpu.memory_space<vmem>>, vector<1x16xf32>,
      %get3A_166 = vector.shape_cast %get3A_165 : vector<1x16xf32> to vector<16xf32>
      %swap3A_167 = arith.constant 12 : i32
      %swap3A_168 = arith.index_cast %swap3A_167 : i32 to index
      %swap3A_169 = arith.constant 0 : index
      %swap3A_170 = tpu.vector_load %arg8[%swap3A_168, %swap3A_169] {strides = array<i32>} : memref<128x128xf32, #tpu.memory_space<vmem>>, vector<1x16xf32>,
      %swap3A_171 = vector.shape_cast %swap3A_170 : vector<1x16xf32> to vector<16xf32>
      %swap3A_172 = vector.shape_cast %get3A_166 : vector<16xf32> to vector<1x16xf32>
      tpu.vector_store %arg8[%swap3A_168, %swap3A_169], %swap3A_172 {strides = array<i32>} : memref<128x128xf32, #tpu.memory_space<vmem>>, vector<1x16xf32>,
      %get3A_173 = arith.constant 1 : i32
      %get3A_174 = arith.index_cast %get3A_173 : i32 to index
      %get3A_175 = arith.constant 80 : index
      %get3A_176 = tpu.vector_load %arg7[%get3A_174, %get3A_175] {strides = array<i32>} : memref<16x128xf32, #tpu.memory_space<vmem>>, vector<1x16xf32>,
      %get3A_177 = vector.shape_cast %get3A_176 : vector<1x16xf32> to vector<16xf32>
      %swap3A_178 = arith.constant 13 : i32
      %swap3A_179 = arith.index_cast %swap3A_178 : i32 to index
      %swap3A_180 = arith.constant 0 : index
      %swap3A_181 = tpu.vector_load %arg8[%swap3A_179, %swap3A_180] {strides = array<i32>} : memref<128x128xf32, #tpu.memory_space<vmem>>, vector<1x16xf32>,
      %swap3A_182 = vector.shape_cast %swap3A_181 : vector<1x16xf32> to vector<16xf32>
      %swap3A_183 = vector.shape_cast %get3A_177 : vector<16xf32> to vector<1x16xf32>
      tpu.vector_store %arg8[%swap3A_179, %swap3A_180], %swap3A_183 {strides = array<i32>} : memref<128x128xf32, #tpu.memory_space<vmem>>, vector<1x16xf32>,
      %get3A_184 = arith.constant 1 : i32
      %get3A_185 = arith.index_cast %get3A_184 : i32 to index
      %get3A_186 = arith.constant 96 : index
      %get3A_187 = tpu.vector_load %arg7[%get3A_185, %get3A_186] {strides = array<i32>} : memref<16x128xf32, #tpu.memory_space<vmem>>, vector<1x16xf32>,
      %get3A_188 = vector.shape_cast %get3A_187 : vector<1x16xf32> to vector<16xf32>
      %swap3A_189 = arith.constant 14 : i32
      %swap3A_190 = arith.index_cast %swap3A_189 : i32 to index
      %swap3A_191 = arith.constant 0 : index
      %swap3A_192 = tpu.vector_load %arg8[%swap3A_190, %swap3A_191] {strides = array<i32>} : memref<128x128xf32, #tpu.memory_space<vmem>>, vector<1x16xf32>,
      %swap3A_193 = vector.shape_cast %swap3A_192 : vector<1x16xf32> to vector<16xf32>
      %swap3A_194 = vector.shape_cast %get3A_188 : vector<16xf32> to vector<1x16xf32>
      tpu.vector_store %arg8[%swap3A_190, %swap3A_191], %swap3A_194 {strides = array<i32>} : memref<128x128xf32, #tpu.memory_space<vmem>>, vector<1x16xf32>,
      %get3A_195 = arith.constant 1 : i32
      %get3A_196 = arith.index_cast %get3A_195 : i32 to index
      %get3A_197 = arith.constant 112 : index
      %get3A_198 = tpu.vector_load %arg7[%get3A_196, %get3A_197] {strides = array<i32>} : memref<16x128xf32, #tpu.memory_space<vmem>>, vector<1x16xf32>,
      %get3A_199 = vector.shape_cast %get3A_198 : vector<1x16xf32> to vector<16xf32>
      %swap3A_200 = arith.constant 15 : i32
      %swap3A_201 = arith.index_cast %swap3A_200 : i32 to index
      %swap3A_202 = arith.constant 0 : index
      %swap3A_203 = tpu.vector_load %arg8[%swap3A_201, %swap3A_202] {strides = array<i32>} : memref<128x128xf32, #tpu.memory_space<vmem>>, vector<1x16xf32>,
      %swap3A_204 = vector.shape_cast %swap3A_203 : vector<1x16xf32> to vector<16xf32>
      %swap3A_205 = vector.shape_cast %get3A_199 : vector<16xf32> to vector<1x16xf32>
      tpu.vector_store %arg8[%swap3A_201, %swap3A_202], %swap3A_205 {strides = array<i32>} : memref<128x128xf32, #tpu.memory_space<vmem>>, vector<1x16xf32>,
      %get3A_206 = arith.constant 2 : i32
      %get3A_207 = arith.index_cast %get3A_206 : i32 to index
      %get3A_208 = arith.constant 0 : index
      %get3A_209 = tpu.vector_load %arg7[%get3A_207, %get3A_208] {strides = array<i32>} : memref<16x128xf32, #tpu.memory_space<vmem>>, vector<1x16xf32>,
      %get3A_210 = vector.shape_cast %get3A_209 : vector<1x16xf32> to vector<16xf32>
      %swap3A_211 = arith.constant 16 : i32
      %swap3A_212 = arith.index_cast %swap3A_211 : i32 to index
      %swap3A_213 = arith.constant 0 : index
      %swap3A_214 = tpu.vector_load %arg8[%swap3A_212, %swap3A_213] {strides = array<i32>} : memref<128x128xf32, #tpu.memory_space<vmem>>, vector<1x16xf32>,
      %swap3A_215 = vector.shape_cast %swap3A_214 : vector<1x16xf32> to vector<16xf32>
      %swap3A_216 = vector.shape_cast %get3A_210 : vector<16xf32> to vector<1x16xf32>
      tpu.vector_store %arg8[%swap3A_212, %swap3A_213], %swap3A_216 {strides = array<i32>} : memref<128x128xf32, #tpu.memory_space<vmem>>, vector<1x16xf32>,
      %get3A_217 = arith.constant 2 : i32
      %get3A_218 = arith.index_cast %get3A_217 : i32 to index
      %get3A_219 = arith.constant 16 : index
      %get3A_220 = tpu.vector_load %arg7[%get3A_218, %get3A_219] {strides = array<i32>} : memref<16x128xf32, #tpu.memory_space<vmem>>, vector<1x16xf32>,
      %get3A_221 = vector.shape_cast %get3A_220 : vector<1x16xf32> to vector<16xf32>
      %swap3A_222 = arith.constant 17 : i32
      %swap3A_223 = arith.index_cast %swap3A_222 : i32 to index
      %swap3A_224 = arith.constant 0 : index
      %swap3A_225 = tpu.vector_load %arg8[%swap3A_223, %swap3A_224] {strides = array<i32>} : memref<128x128xf32, #tpu.memory_space<vmem>>, vector<1x16xf32>,
      %swap3A_226 = vector.shape_cast %swap3A_225 : vector<1x16xf32> to vector<16xf32>
      %swap3A_227 = vector.shape_cast %get3A_221 : vector<16xf32> to vector<1x16xf32>
      tpu.vector_store %arg8[%swap3A_223, %swap3A_224], %swap3A_227 {strides = array<i32>} : memref<128x128xf32, #tpu.memory_space<vmem>>, vector<1x16xf32>,
      %get3A_228 = arith.constant 2 : i32
      %get3A_229 = arith.index_cast %get3A_228 : i32 to index
      %get3A_230 = arith.constant 32 : index
      %get3A_231 = tpu.vector_load %arg7[%get3A_229, %get3A_230] {strides = array<i32>} : memref<16x128xf32, #tpu.memory_space<vmem>>, vector<1x16xf32>,
      %get3A_232 = vector.shape_cast %get3A_231 : vector<1x16xf32> to vector<16xf32>
      %swap3A_233 = arith.constant 18 : i32
      %swap3A_234 = arith.index_cast %swap3A_233 : i32 to index
      %swap3A_235 = arith.constant 0 : index
      %swap3A_236 = tpu.vector_load %arg8[%swap3A_234, %swap3A_235] {strides = array<i32>} : memref<128x128xf32, #tpu.memory_space<vmem>>, vector<1x16xf32>,
      %swap3A_237 = vector.shape_cast %swap3A_236 : vector<1x16xf32> to vector<16xf32>
      %swap3A_238 = vector.shape_cast %get3A_232 : vector<16xf32> to vector<1x16xf32>
      tpu.vector_store %arg8[%swap3A_234, %swap3A_235], %swap3A_238 {strides = array<i32>} : memref<128x128xf32, #tpu.memory_space<vmem>>, vector<1x16xf32>,
      %get3A_239 = arith.constant 2 : i32
      %get3A_240 = arith.index_cast %get3A_239 : i32 to index
      %get3A_241 = arith.constant 48 : index
      %get3A_242 = tpu.vector_load %arg7[%get3A_240, %get3A_241] {strides = array<i32>} : memref<16x128xf32, #tpu.memory_space<vmem>>, vector<1x16xf32>,
      %get3A_243 = vector.shape_cast %get3A_242 : vector<1x16xf32> to vector<16xf32>
      %swap3A_244 = arith.constant 19 : i32
      %swap3A_245 = arith.index_cast %swap3A_244 : i32 to index
      %swap3A_246 = arith.constant 0 : index
      %swap3A_247 = tpu.vector_load %arg8[%swap3A_245, %swap3A_246] {strides = array<i32>} : memref<128x128xf32, #tpu.memory_space<vmem>>, vector<1x16xf32>,
      %swap3A_248 = vector.shape_cast %swap3A_247 : vector<1x16xf32> to vector<16xf32>
      %swap3A_249 = vector.shape_cast %get3A_243 : vector<16xf32> to vector<1x16xf32>
      tpu.vector_store %arg8[%swap3A_245, %swap3A_246], %swap3A_249 {strides = array<i32>} : memref<128x128xf32, #tpu.memory_space<vmem>>, vector<1x16xf32>,
      %get3A_250 = arith.constant 2 : i32
      %get3A_251 = arith.index_cast %get3A_250 : i32 to index
      %get3A_252 = arith.constant 64 : index
      %get3A_253 = tpu.vector_load %arg7[%get3A_251, %get3A_252] {strides = array<i32>} : memref<16x128xf32, #tpu.memory_space<vmem>>, vector<1x16xf32>,
      %get3A_254 = vector.shape_cast %get3A_253 : vector<1x16xf32> to vector<16xf32>
      %swap3A_255 = arith.constant 20 : i32
      %swap3A_256 = arith.index_cast %swap3A_255 : i32 to index
      %swap3A_257 = arith.constant 0 : index
      %swap3A_258 = tpu.vector_load %arg8[%swap3A_256, %swap3A_257] {strides = array<i32>} : memref<128x128xf32, #tpu.memory_space<vmem>>, vector<1x16xf32>,
      %swap3A_259 = vector.shape_cast %swap3A_258 : vector<1x16xf32> to vector<16xf32>
      %swap3A_260 = vector.shape_cast %get3A_254 : vector<16xf32> to vector<1x16xf32>
      tpu.vector_store %arg8[%swap3A_256, %swap3A_257], %swap3A_260 {strides = array<i32>} : memref<128x128xf32, #tpu.memory_space<vmem>>, vector<1x16xf32>,
      %get3A_261 = arith.constant 2 : i32
      %get3A_262 = arith.index_cast %get3A_261 : i32 to index
      %get3A_263 = arith.constant 80 : index
      %get3A_264 = tpu.vector_load %arg7[%get3A_262, %get3A_263] {strides = array<i32>} : memref<16x128xf32, #tpu.memory_space<vmem>>, vector<1x16xf32>,
      %get3A_265 = vector.shape_cast %get3A_264 : vector<1x16xf32> to vector<16xf32>
      %swap3A_266 = arith.constant 21 : i32
      %swap3A_267 = arith.index_cast %swap3A_266 : i32 to index
      %swap3A_268 = arith.constant 0 : index
      %swap3A_269 = tpu.vector_load %arg8[%swap3A_267, %swap3A_268] {strides = array<i32>} : memref<128x128xf32, #tpu.memory_space<vmem>>, vector<1x16xf32>,
      %swap3A_270 = vector.shape_cast %swap3A_269 : vector<1x16xf32> to vector<16xf32>
      %swap3A_271 = vector.shape_cast %get3A_265 : vector<16xf32> to vector<1x16xf32>
      tpu.vector_store %arg8[%swap3A_267, %swap3A_268], %swap3A_271 {strides = array<i32>} : memref<128x128xf32, #tpu.memory_space<vmem>>, vector<1x16xf32>,
      %get3A_272 = arith.constant 2 : i32
      %get3A_273 = arith.index_cast %get3A_272 : i32 to index
      %get3A_274 = arith.constant 96 : index
      %get3A_275 = tpu.vector_load %arg7[%get3A_273, %get3A_274] {strides = array<i32>} : memref<16x128xf32, #tpu.memory_space<vmem>>, vector<1x16xf32>,
      %get3A_276 = vector.shape_cast %get3A_275 : vector<1x16xf32> to vector<16xf32>
      %swap3A_277 = arith.constant 22 : i32
      %swap3A_278 = arith.index_cast %swap3A_277 : i32 to index
      %swap3A_279 = arith.constant 0 : index
      %swap3A_280 = tpu.vector_load %arg8[%swap3A_278, %swap3A_279] {strides = array<i32>} : memref<128x128xf32, #tpu.memory_space<vmem>>, vector<1x16xf32>,
      %swap3A_281 = vector.shape_cast %swap3A_280 : vector<1x16xf32> to vector<16xf32>
      %swap3A_282 = vector.shape_cast %get3A_276 : vector<16xf32> to vector<1x16xf32>
      tpu.vector_store %arg8[%swap3A_278, %swap3A_279], %swap3A_282 {strides = array<i32>} : memref<128x128xf32, #tpu.memory_space<vmem>>, vector<1x16xf32>,
      %get3A_283 = arith.constant 2 : i32
      %get3A_284 = arith.index_cast %get3A_283 : i32 to index
      %get3A_285 = arith.constant 112 : index
      %get3A_286 = tpu.vector_load %arg7[%get3A_284, %get3A_285] {strides = array<i32>} : memref<16x128xf32, #tpu.memory_space<vmem>>, vector<1x16xf32>,
      %get3A_287 = vector.shape_cast %get3A_286 : vector<1x16xf32> to vector<16xf32>
      %swap3A_288 = arith.constant 23 : i32
      %swap3A_289 = arith.index_cast %swap3A_288 : i32 to index
      %swap3A_290 = arith.constant 0 : index
      %swap3A_291 = tpu.vector_load %arg8[%swap3A_289, %swap3A_290] {strides = array<i32>} : memref<128x128xf32, #tpu.memory_space<vmem>>, vector<1x16xf32>,
      %swap3A_292 = vector.shape_cast %swap3A_291 : vector<1x16xf32> to vector<16xf32>
      %swap3A_293 = vector.shape_cast %get3A_287 : vector<16xf32> to vector<1x16xf32>
      tpu.vector_store %arg8[%swap3A_289, %swap3A_290], %swap3A_293 {strides = array<i32>} : memref<128x128xf32, #tpu.memory_space<vmem>>, vector<1x16xf32>,
      %get3A_294 = arith.constant 3 : i32
      %get3A_295 = arith.index_cast %get3A_294 : i32 to index
      %get3A_296 = arith.constant 0 : index
      %get3A_297 = tpu.vector_load %arg7[%get3A_295, %get3A_296] {strides = array<i32>} : memref<16x128xf32, #tpu.memory_space<vmem>>, vector<1x16xf32>,
      %get3A_298 = vector.shape_cast %get3A_297 : vector<1x16xf32> to vector<16xf32>
      %swap3A_299 = arith.constant 24 : i32
      %swap3A_300 = arith.index_cast %swap3A_299 : i32 to index
      %swap3A_301 = arith.constant 0 : index
      %swap3A_302 = tpu.vector_load %arg8[%swap3A_300, %swap3A_301] {strides = array<i32>} : memref<128x128xf32, #tpu.memory_space<vmem>>, vector<1x16xf32>,
      %swap3A_303 = vector.shape_cast %swap3A_302 : vector<1x16xf32> to vector<16xf32>
      %swap3A_304 = vector.shape_cast %get3A_298 : vector<16xf32> to vector<1x16xf32>
      tpu.vector_store %arg8[%swap3A_300, %swap3A_301], %swap3A_304 {strides = array<i32>} : memref<128x128xf32, #tpu.memory_space<vmem>>, vector<1x16xf32>,
      %get3A_305 = arith.constant 3 : i32
      %get3A_306 = arith.index_cast %get3A_305 : i32 to index
      %get3A_307 = arith.constant 16 : index
      %get3A_308 = tpu.vector_load %arg7[%get3A_306, %get3A_307] {strides = array<i32>} : memref<16x128xf32, #tpu.memory_space<vmem>>, vector<1x16xf32>,
      %get3A_309 = vector.shape_cast %get3A_308 : vector<1x16xf32> to vector<16xf32>
      %swap3A_310 = arith.constant 25 : i32
      %swap3A_311 = arith.index_cast %swap3A_310 : i32 to index
      %swap3A_312 = arith.constant 0 : index
      %swap3A_313 = tpu.vector_load %arg8[%swap3A_311, %swap3A_312] {strides = array<i32>} : memref<128x128xf32, #tpu.memory_space<vmem>>, vector<1x16xf32>,
      %swap3A_314 = vector.shape_cast %swap3A_313 : vector<1x16xf32> to vector<16xf32>
      %swap3A_315 = vector.shape_cast %get3A_309 : vector<16xf32> to vector<1x16xf32>
      tpu.vector_store %arg8[%swap3A_311, %swap3A_312], %swap3A_315 {strides = array<i32>} : memref<128x128xf32, #tpu.memory_space<vmem>>, vector<1x16xf32>,
      %get3A_316 = arith.constant 3 : i32
      %get3A_317 = arith.index_cast %get3A_316 : i32 to index
      %get3A_318 = arith.constant 32 : index
      %get3A_319 = tpu.vector_load %arg7[%get3A_317, %get3A_318] {strides = array<i32>} : memref<16x128xf32, #tpu.memory_space<vmem>>, vector<1x16xf32>,
      %get3A_320 = vector.shape_cast %get3A_319 : vector<1x16xf32> to vector<16xf32>
      %swap3A_321 = arith.constant 26 : i32
      %swap3A_322 = arith.index_cast %swap3A_321 : i32 to index
      %swap3A_323 = arith.constant 0 : index
      %swap3A_324 = tpu.vector_load %arg8[%swap3A_322, %swap3A_323] {strides = array<i32>} : memref<128x128xf32, #tpu.memory_space<vmem>>, vector<1x16xf32>,
      %swap3A_325 = vector.shape_cast %swap3A_324 : vector<1x16xf32> to vector<16xf32>
      %swap3A_326 = vector.shape_cast %get3A_320 : vector<16xf32> to vector<1x16xf32>
      tpu.vector_store %arg8[%swap3A_322, %swap3A_323], %swap3A_326 {strides = array<i32>} : memref<128x128xf32, #tpu.memory_space<vmem>>, vector<1x16xf32>,
      %get3A_327 = arith.constant 3 : i32
      %get3A_328 = arith.index_cast %get3A_327 : i32 to index
      %get3A_329 = arith.constant 48 : index
      %get3A_330 = tpu.vector_load %arg7[%get3A_328, %get3A_329] {strides = array<i32>} : memref<16x128xf32, #tpu.memory_space<vmem>>, vector<1x16xf32>,
      %get3A_331 = vector.shape_cast %get3A_330 : vector<1x16xf32> to vector<16xf32>
      %swap3A_332 = arith.constant 27 : i32
      %swap3A_333 = arith.index_cast %swap3A_332 : i32 to index
      %swap3A_334 = arith.constant 0 : index
      %swap3A_335 = tpu.vector_load %arg8[%swap3A_333, %swap3A_334] {strides = array<i32>} : memref<128x128xf32, #tpu.memory_space<vmem>>, vector<1x16xf32>,
      %swap3A_336 = vector.shape_cast %swap3A_335 : vector<1x16xf32> to vector<16xf32>
      %swap3A_337 = vector.shape_cast %get3A_331 : vector<16xf32> to vector<1x16xf32>
      tpu.vector_store %arg8[%swap3A_333, %swap3A_334], %swap3A_337 {strides = array<i32>} : memref<128x128xf32, #tpu.memory_space<vmem>>, vector<1x16xf32>,
      %get3A_338 = arith.constant 3 : i32
      %get3A_339 = arith.index_cast %get3A_338 : i32 to index
      %get3A_340 = arith.constant 64 : index
      %get3A_341 = tpu.vector_load %arg7[%get3A_339, %get3A_340] {strides = array<i32>} : memref<16x128xf32, #tpu.memory_space<vmem>>, vector<1x16xf32>,
      %get3A_342 = vector.shape_cast %get3A_341 : vector<1x16xf32> to vector<16xf32>
      %swap3A_343 = arith.constant 28 : i32
      %swap3A_344 = arith.index_cast %swap3A_343 : i32 to index
      %swap3A_345 = arith.constant 0 : index
      %swap3A_346 = tpu.vector_load %arg8[%swap3A_344, %swap3A_345] {strides = array<i32>} : memref<128x128xf32, #tpu.memory_space<vmem>>, vector<1x16xf32>,
      %swap3A_347 = vector.shape_cast %swap3A_346 : vector<1x16xf32> to vector<16xf32>
      %swap3A_348 = vector.shape_cast %get3A_342 : vector<16xf32> to vector<1x16xf32>
      tpu.vector_store %arg8[%swap3A_344, %swap3A_345], %swap3A_348 {strides = array<i32>} : memref<128x128xf32, #tpu.memory_space<vmem>>, vector<1x16xf32>,
      %get3A_349 = arith.constant 3 : i32
      %get3A_350 = arith.index_cast %get3A_349 : i32 to index
      %get3A_351 = arith.constant 80 : index
      %get3A_352 = tpu.vector_load %arg7[%get3A_350, %get3A_351] {strides = array<i32>} : memref<16x128xf32, #tpu.memory_space<vmem>>, vector<1x16xf32>,
      %get3A_353 = vector.shape_cast %get3A_352 : vector<1x16xf32> to vector<16xf32>
      %swap3A_354 = arith.constant 29 : i32
      %swap3A_355 = arith.index_cast %swap3A_354 : i32 to index
      %swap3A_356 = arith.constant 0 : index
      %swap3A_357 = tpu.vector_load %arg8[%swap3A_355, %swap3A_356] {strides = array<i32>} : memref<128x128xf32, #tpu.memory_space<vmem>>, vector<1x16xf32>,
      %swap3A_358 = vector.shape_cast %swap3A_357 : vector<1x16xf32> to vector<16xf32>
      %swap3A_359 = vector.shape_cast %get3A_353 : vector<16xf32> to vector<1x16xf32>
      tpu.vector_store %arg8[%swap3A_355, %swap3A_356], %swap3A_359 {strides = array<i32>} : memref<128x128xf32, #tpu.memory_space<vmem>>, vector<1x16xf32>,
      %get3A_360 = arith.constant 3 : i32
      %get3A_361 = arith.index_cast %get3A_360 : i32 to index
      %get3A_362 = arith.constant 96 : index
      %get3A_363 = tpu.vector_load %arg7[%get3A_361, %get3A_362] {strides = array<i32>} : memref<16x128xf32, #tpu.memory_space<vmem>>, vector<1x16xf32>,
      %get3A_364 = vector.shape_cast %get3A_363 : vector<1x16xf32> to vector<16xf32>
      %swap3A_365 = arith.constant 30 : i32
      %swap3A_366 = arith.index_cast %swap3A_365 : i32 to index
      %swap3A_367 = arith.constant 0 : index
      %swap3A_368 = tpu.vector_load %arg8[%swap3A_366, %swap3A_367] {strides = array<i32>} : memref<128x128xf32, #tpu.memory_space<vmem>>, vector<1x16xf32>,
      %swap3A_369 = vector.shape_cast %swap3A_368 : vector<1x16xf32> to vector<16xf32>
      %swap3A_370 = vector.shape_cast %get3A_364 : vector<16xf32> to vector<1x16xf32>
      tpu.vector_store %arg8[%swap3A_366, %swap3A_367], %swap3A_370 {strides = array<i32>} : memref<128x128xf32, #tpu.memory_space<vmem>>, vector<1x16xf32>,
      %get3A_371 = arith.constant 3 : i32
      %get3A_372 = arith.index_cast %get3A_371 : i32 to index
      %get3A_373 = arith.constant 112 : index
      %get3A_374 = tpu.vector_load %arg7[%get3A_372, %get3A_373] {strides = array<i32>} : memref<16x128xf32, #tpu.memory_space<vmem>>, vector<1x16xf32>,
      %get3A_375 = vector.shape_cast %get3A_374 : vector<1x16xf32> to vector<16xf32>
      %swap3A_376 = arith.constant 31 : i32
      %swap3A_377 = arith.index_cast %swap3A_376 : i32 to index
      %swap3A_378 = arith.constant 0 : index
      %swap3A_379 = tpu.vector_load %arg8[%swap3A_377, %swap3A_378] {strides = array<i32>} : memref<128x128xf32, #tpu.memory_space<vmem>>, vector<1x16xf32>,
      %swap3A_380 = vector.shape_cast %swap3A_379 : vector<1x16xf32> to vector<16xf32>
      %swap3A_381 = vector.shape_cast %get3A_375 : vector<16xf32> to vector<1x16xf32>
      tpu.vector_store %arg8[%swap3A_377, %swap3A_378], %swap3A_381 {strides = array<i32>} : memref<128x128xf32, #tpu.memory_space<vmem>>, vector<1x16xf32>,
      %get3A_382 = arith.constant 4 : i32
      %get3A_383 = arith.index_cast %get3A_382 : i32 to index
      %get3A_384 = arith.constant 0 : index
      %get3A_385 = tpu.vector_load %arg7[%get3A_383, %get3A_384] {strides = array<i32>} : memref<16x128xf32, #tpu.memory_space<vmem>>, vector<1x16xf32>,
      %get3A_386 = vector.shape_cast %get3A_385 : vector<1x16xf32> to vector<16xf32>
      %swap3A_387 = arith.constant 32 : i32
      %swap3A_388 = arith.index_cast %swap3A_387 : i32 to index
      %swap3A_389 = arith.constant 0 : index
      %swap3A_390 = tpu.vector_load %arg8[%swap3A_388, %swap3A_389] {strides = array<i32>} : memref<128x128xf32, #tpu.memory_space<vmem>>, vector<1x16xf32>,
      %swap3A_391 = vector.shape_cast %swap3A_390 : vector<1x16xf32> to vector<16xf32>
      %swap3A_392 = vector.shape_cast %get3A_386 : vector<16xf32> to vector<1x16xf32>
      tpu.vector_store %arg8[%swap3A_388, %swap3A_389], %swap3A_392 {strides = array<i32>} : memref<128x128xf32, #tpu.memory_space<vmem>>, vector<1x16xf32>,
      %get3A_393 = arith.constant 4 : i32
      %get3A_394 = arith.index_cast %get3A_393 : i32 to index
      %get3A_395 = arith.constant 16 : index
      %get3A_396 = tpu.vector_load %arg7[%get3A_394, %get3A_395] {strides = array<i32>} : memref<16x128xf32, #tpu.memory_space<vmem>>, vector<1x16xf32>,
      %get3A_397 = vector.shape_cast %get3A_396 : vector<1x16xf32> to vector<16xf32>
      %swap3A_398 = arith.constant 33 : i32
      %swap3A_399 = arith.index_cast %swap3A_398 : i32 to index
      %swap3A_400 = arith.constant 0 : index
      %swap3A_401 = tpu.vector_load %arg8[%swap3A_399, %swap3A_400] {strides = array<i32>} : memref<128x128xf32, #tpu.memory_space<vmem>>, vector<1x16xf32>,
      %swap3A_402 = vector.shape_cast %swap3A_401 : vector<1x16xf32> to vector<16xf32>
      %swap3A_403 = vector.shape_cast %get3A_397 : vector<16xf32> to vector<1x16xf32>
      tpu.vector_store %arg8[%swap3A_399, %swap3A_400], %swap3A_403 {strides = array<i32>} : memref<128x128xf32, #tpu.memory_space<vmem>>, vector<1x16xf32>,
      %get3A_404 = arith.constant 4 : i32
      %get3A_405 = arith.index_cast %get3A_404 : i32 to index
      %get3A_406 = arith.constant 32 : index
      %get3A_407 = tpu.vector_load %arg7[%get3A_405, %get3A_406] {strides = array<i32>} : memref<16x128xf32, #tpu.memory_space<vmem>>, vector<1x16xf32>,
      %get3A_408 = vector.shape_cast %get3A_407 : vector<1x16xf32> to vector<16xf32>
      %swap3A_409 = arith.constant 34 : i32
      %swap3A_410 = arith.index_cast %swap3A_409 : i32 to index
      %swap3A_411 = arith.constant 0 : index
      %swap3A_412 = tpu.vector_load %arg8[%swap3A_410, %swap3A_411] {strides = array<i32>} : memref<128x128xf32, #tpu.memory_space<vmem>>, vector<1x16xf32>,
      %swap3A_413 = vector.shape_cast %swap3A_412 : vector<1x16xf32> to vector<16xf32>
      %swap3A_414 = vector.shape_cast %get3A_408 : vector<16xf32> to vector<1x16xf32>
      tpu.vector_store %arg8[%swap3A_410, %swap3A_411], %swap3A_414 {strides = array<i32>} : memref<128x128xf32, #tpu.memory_space<vmem>>, vector<1x16xf32>,
      %get3A_415 = arith.constant 4 : i32
      %get3A_416 = arith.index_cast %get3A_415 : i32 to index
      %get3A_417 = arith.constant 48 : index
      %get3A_418 = tpu.vector_load %arg7[%get3A_416, %get3A_417] {strides = array<i32>} : memref<16x128xf32, #tpu.memory_space<vmem>>, vector<1x16xf32>,
      %get3A_419 = vector.shape_cast %get3A_418 : vector<1x16xf32> to vector<16xf32>
      %swap3A_420 = arith.constant 35 : i32
      %swap3A_421 = arith.index_cast %swap3A_420 : i32 to index
      %swap3A_422 = arith.constant 0 : index
      %swap3A_423 = tpu.vector_load %arg8[%swap3A_421, %swap3A_422] {strides = array<i32>} : memref<128x128xf32, #tpu.memory_space<vmem>>, vector<1x16xf32>,
      %swap3A_424 = vector.shape_cast %swap3A_423 : vector<1x16xf32> to vector<16xf32>
      %swap3A_425 = vector.shape_cast %get3A_419 : vector<16xf32> to vector<1x16xf32>
      tpu.vector_store %arg8[%swap3A_421, %swap3A_422], %swap3A_425 {strides = array<i32>} : memref<128x128xf32, #tpu.memory_space<vmem>>, vector<1x16xf32>,
      %get3A_426 = arith.constant 4 : i32
      %get3A_427 = arith.index_cast %get3A_426 : i32 to index
      %get3A_428 = arith.constant 64 : index
      %get3A_429 = tpu.vector_load %arg7[%get3A_427, %get3A_428] {strides = array<i32>} : memref<16x128xf32, #tpu.memory_space<vmem>>, vector<1x16xf32>,
      %get3A_430 = vector.shape_cast %get3A_429 : vector<1x16xf32> to vector<16xf32>
      %swap3A_431 = arith.constant 36 : i32
      %swap3A_432 = arith.index_cast %swap3A_431 : i32 to index
      %swap3A_433 = arith.constant 0 : index
      %swap3A_434 = tpu.vector_load %arg8[%swap3A_432, %swap3A_433] {strides = array<i32>} : memref<128x128xf32, #tpu.memory_space<vmem>>, vector<1x16xf32>,
      %swap3A_435 = vector.shape_cast %swap3A_434 : vector<1x16xf32> to vector<16xf32>
      %swap3A_436 = vector.shape_cast %get3A_430 : vector<16xf32> to vector<1x16xf32>
      tpu.vector_store %arg8[%swap3A_432, %swap3A_433], %swap3A_436 {strides = array<i32>} : memref<128x128xf32, #tpu.memory_space<vmem>>, vector<1x16xf32>,
      %get3A_437 = arith.constant 4 : i32
      %get3A_438 = arith.index_cast %get3A_437 : i32 to index
      %get3A_439 = arith.constant 80 : index
      %get3A_440 = tpu.vector_load %arg7[%get3A_438, %get3A_439] {strides = array<i32>} : memref<16x128xf32, #tpu.memory_space<vmem>>, vector<1x16xf32>,
      %get3A_441 = vector.shape_cast %get3A_440 : vector<1x16xf32> to vector<16xf32>
      %swap3A_442 = arith.constant 37 : i32
      %swap3A_443 = arith.index_cast %swap3A_442 : i32 to index
      %swap3A_444 = arith.constant 0 : index
      %swap3A_445 = tpu.vector_load %arg8[%swap3A_443, %swap3A_444] {strides = array<i32>} : memref<128x128xf32, #tpu.memory_space<vmem>>, vector<1x16xf32>,
      %swap3A_446 = vector.shape_cast %swap3A_445 : vector<1x16xf32> to vector<16xf32>
      %swap3A_447 = vector.shape_cast %get3A_441 : vector<16xf32> to vector<1x16xf32>
      tpu.vector_store %arg8[%swap3A_443, %swap3A_444], %swap3A_447 {strides = array<i32>} : memref<128x128xf32, #tpu.memory_space<vmem>>, vector<1x16xf32>,
      %get3A_448 = arith.constant 4 : i32
      %get3A_449 = arith.index_cast %get3A_448 : i32 to index
      %get3A_450 = arith.constant 96 : index
      %get3A_451 = tpu.vector_load %arg7[%get3A_449, %get3A_450] {strides = array<i32>} : memref<16x128xf32, #tpu.memory_space<vmem>>, vector<1x16xf32>,
      %get3A_452 = vector.shape_cast %get3A_451 : vector<1x16xf32> to vector<16xf32>
      %swap3A_453 = arith.constant 38 : i32
      %swap3A_454 = arith.index_cast %swap3A_453 : i32 to index
      %swap3A_455 = arith.constant 0 : index
      %swap3A_456 = tpu.vector_load %arg8[%swap3A_454, %swap3A_455] {strides = array<i32>} : memref<128x128xf32, #tpu.memory_space<vmem>>, vector<1x16xf32>,
      %swap3A_457 = vector.shape_cast %swap3A_456 : vector<1x16xf32> to vector<16xf32>
      %swap3A_458 = vector.shape_cast %get3A_452 : vector<16xf32> to vector<1x16xf32>
      tpu.vector_store %arg8[%swap3A_454, %swap3A_455], %swap3A_458 {strides = array<i32>} : memref<128x128xf32, #tpu.memory_space<vmem>>, vector<1x16xf32>,
      %get3A_459 = arith.constant 4 : i32
      %get3A_460 = arith.index_cast %get3A_459 : i32 to index
      %get3A_461 = arith.constant 112 : index
      %get3A_462 = tpu.vector_load %arg7[%get3A_460, %get3A_461] {strides = array<i32>} : memref<16x128xf32, #tpu.memory_space<vmem>>, vector<1x16xf32>,
      %get3A_463 = vector.shape_cast %get3A_462 : vector<1x16xf32> to vector<16xf32>
      %swap3A_464 = arith.constant 39 : i32
      %swap3A_465 = arith.index_cast %swap3A_464 : i32 to index
      %swap3A_466 = arith.constant 0 : index
      %swap3A_467 = tpu.vector_load %arg8[%swap3A_465, %swap3A_466] {strides = array<i32>} : memref<128x128xf32, #tpu.memory_space<vmem>>, vector<1x16xf32>,
      %swap3A_468 = vector.shape_cast %swap3A_467 : vector<1x16xf32> to vector<16xf32>
      %swap3A_469 = vector.shape_cast %get3A_463 : vector<16xf32> to vector<1x16xf32>
      tpu.vector_store %arg8[%swap3A_465, %swap3A_466], %swap3A_469 {strides = array<i32>} : memref<128x128xf32, #tpu.memory_space<vmem>>, vector<1x16xf32>,
      %get3A_470 = arith.constant 5 : i32
      %get3A_471 = arith.index_cast %get3A_470 : i32 to index
      %get3A_472 = arith.constant 0 : index
      %get3A_473 = tpu.vector_load %arg7[%get3A_471, %get3A_472] {strides = array<i32>} : memref<16x128xf32, #tpu.memory_space<vmem>>, vector<1x16xf32>,
      %get3A_474 = vector.shape_cast %get3A_473 : vector<1x16xf32> to vector<16xf32>
      %swap3A_475 = arith.constant 40 : i32
      %swap3A_476 = arith.index_cast %swap3A_475 : i32 to index
      %swap3A_477 = arith.constant 0 : index
      %swap3A_478 = tpu.vector_load %arg8[%swap3A_476, %swap3A_477] {strides = array<i32>} : memref<128x128xf32, #tpu.memory_space<vmem>>, vector<1x16xf32>,
      %swap3A_479 = vector.shape_cast %swap3A_478 : vector<1x16xf32> to vector<16xf32>
      %swap3A_480 = vector.shape_cast %get3A_474 : vector<16xf32> to vector<1x16xf32>
      tpu.vector_store %arg8[%swap3A_476, %swap3A_477], %swap3A_480 {strides = array<i32>} : memref<128x128xf32, #tpu.memory_space<vmem>>, vector<1x16xf32>,
      %get3A_481 = arith.constant 5 : i32
      %get3A_482 = arith.index_cast %get3A_481 : i32 to index
      %get3A_483 = arith.constant 16 : index
      %get3A_484 = tpu.vector_load %arg7[%get3A_482, %get3A_483] {strides = array<i32>} : memref<16x128xf32, #tpu.memory_space<vmem>>, vector<1x16xf32>,
      %get3A_485 = vector.shape_cast %get3A_484 : vector<1x16xf32> to vector<16xf32>
      %swap3A_486 = arith.constant 41 : i32
      %swap3A_487 = arith.index_cast %swap3A_486 : i32 to index
      %swap3A_488 = arith.constant 0 : index
      %swap3A_489 = tpu.vector_load %arg8[%swap3A_487, %swap3A_488] {strides = array<i32>} : memref<128x128xf32, #tpu.memory_space<vmem>>, vector<1x16xf32>,
      %swap3A_490 = vector.shape_cast %swap3A_489 : vector<1x16xf32> to vector<16xf32>
      %swap3A_491 = vector.shape_cast %get3A_485 : vector<16xf32> to vector<1x16xf32>
      tpu.vector_store %arg8[%swap3A_487, %swap3A_488], %swap3A_491 {strides = array<i32>} : memref<128x128xf32, #tpu.memory_space<vmem>>, vector<1x16xf32>,
      %get3A_492 = arith.constant 5 : i32
      %get3A_493 = arith.index_cast %get3A_492 : i32 to index
      %get3A_494 = arith.constant 32 : index
      %get3A_495 = tpu.vector_load %arg7[%get3A_493, %get3A_494] {strides = array<i32>} : memref<16x128xf32, #tpu.memory_space<vmem>>, vector<1x16xf32>,
      %get3A_496 = vector.shape_cast %get3A_495 : vector<1x16xf32> to vector<16xf32>
      %swap3A_497 = arith.constant 42 : i32
      %swap3A_498 = arith.index_cast %swap3A_497 : i32 to index
      %swap3A_499 = arith.constant 0 : index
      %swap3A_500 = tpu.vector_load %arg8[%swap3A_498, %swap3A_499] {strides = array<i32>} : memref<128x128xf32, #tpu.memory_space<vmem>>, vector<1x16xf32>,
      %swap3A_501 = vector.shape_cast %swap3A_500 : vector<1x16xf32> to vector<16xf32>
      %swap3A_502 = vector.shape_cast %get3A_496 : vector<16xf32> to vector<1x16xf32>
      tpu.vector_store %arg8[%swap3A_498, %swap3A_499], %swap3A_502 {strides = array<i32>} : memref<128x128xf32, #tpu.memory_space<vmem>>, vector<1x16xf32>,
      %get3A_503 = arith.constant 5 : i32
      %get3A_504 = arith.index_cast %get3A_503 : i32 to index
      %get3A_505 = arith.constant 48 : index
      %get3A_506 = tpu.vector_load %arg7[%get3A_504, %get3A_505] {strides = array<i32>} : memref<16x128xf32, #tpu.memory_space<vmem>>, vector<1x16xf32>,
      %get3A_507 = vector.shape_cast %get3A_506 : vector<1x16xf32> to vector<16xf32>
      %swap3A_508 = arith.constant 43 : i32
      %swap3A_509 = arith.index_cast %swap3A_508 : i32 to index
      %swap3A_510 = arith.constant 0 : index
      %swap3A_511 = tpu.vector_load %arg8[%swap3A_509, %swap3A_510] {strides = array<i32>} : memref<128x128xf32, #tpu.memory_space<vmem>>, vector<1x16xf32>,
      %swap3A_512 = vector.shape_cast %swap3A_511 : vector<1x16xf32> to vector<16xf32>
      %swap3A_513 = vector.shape_cast %get3A_507 : vector<16xf32> to vector<1x16xf32>
      tpu.vector_store %arg8[%swap3A_509, %swap3A_510], %swap3A_513 {strides = array<i32>} : memref<128x128xf32, #tpu.memory_space<vmem>>, vector<1x16xf32>,
      %get3A_514 = arith.constant 5 : i32
      %get3A_515 = arith.index_cast %get3A_514 : i32 to index
      %get3A_516 = arith.constant 64 : index
      %get3A_517 = tpu.vector_load %arg7[%get3A_515, %get3A_516] {strides = array<i32>} : memref<16x128xf32, #tpu.memory_space<vmem>>, vector<1x16xf32>,
      %get3A_518 = vector.shape_cast %get3A_517 : vector<1x16xf32> to vector<16xf32>
      %swap3A_519 = arith.constant 44 : i32
      %swap3A_520 = arith.index_cast %swap3A_519 : i32 to index
      %swap3A_521 = arith.constant 0 : index
      %swap3A_522 = tpu.vector_load %arg8[%swap3A_520, %swap3A_521] {strides = array<i32>} : memref<128x128xf32, #tpu.memory_space<vmem>>, vector<1x16xf32>,
      %swap3A_523 = vector.shape_cast %swap3A_522 : vector<1x16xf32> to vector<16xf32>
      %swap3A_524 = vector.shape_cast %get3A_518 : vector<16xf32> to vector<1x16xf32>
      tpu.vector_store %arg8[%swap3A_520, %swap3A_521], %swap3A_524 {strides = array<i32>} : memref<128x128xf32, #tpu.memory_space<vmem>>, vector<1x16xf32>,
      %get3A_525 = arith.constant 5 : i32
      %get3A_526 = arith.index_cast %get3A_525 : i32 to index
      %get3A_527 = arith.constant 80 : index
      %get3A_528 = tpu.vector_load %arg7[%get3A_526, %get3A_527] {strides = array<i32>} : memref<16x128xf32, #tpu.memory_space<vmem>>, vector<1x16xf32>,
      %get3A_529 = vector.shape_cast %get3A_528 : vector<1x16xf32> to vector<16xf32>
      %swap3A_530 = arith.constant 45 : i32
      %swap3A_531 = arith.index_cast %swap3A_530 : i32 to index
      %swap3A_532 = arith.constant 0 : index
      %swap3A_533 = tpu.vector_load %arg8[%swap3A_531, %swap3A_532] {strides = array<i32>} : memref<128x128xf32, #tpu.memory_space<vmem>>, vector<1x16xf32>,
      %swap3A_534 = vector.shape_cast %swap3A_533 : vector<1x16xf32> to vector<16xf32>
      %swap3A_535 = vector.shape_cast %get3A_529 : vector<16xf32> to vector<1x16xf32>
      tpu.vector_store %arg8[%swap3A_531, %swap3A_532], %swap3A_535 {strides = array<i32>} : memref<128x128xf32, #tpu.memory_space<vmem>>, vector<1x16xf32>,
      %get3A_536 = arith.constant 5 : i32
      %get3A_537 = arith.index_cast %get3A_536 : i32 to index
      %get3A_538 = arith.constant 96 : index
      %get3A_539 = tpu.vector_load %arg7[%get3A_537, %get3A_538] {strides = array<i32>} : memref<16x128xf32, #tpu.memory_space<vmem>>, vector<1x16xf32>,
      %get3A_540 = vector.shape_cast %get3A_539 : vector<1x16xf32> to vector<16xf32>
      %swap3A_541 = arith.constant 46 : i32
      %swap3A_542 = arith.index_cast %swap3A_541 : i32 to index
      %swap3A_543 = arith.constant 0 : index
      %swap3A_544 = tpu.vector_load %arg8[%swap3A_542, %swap3A_543] {strides = array<i32>} : memref<128x128xf32, #tpu.memory_space<vmem>>, vector<1x16xf32>,
      %swap3A_545 = vector.shape_cast %swap3A_544 : vector<1x16xf32> to vector<16xf32>
      %swap3A_546 = vector.shape_cast %get3A_540 : vector<16xf32> to vector<1x16xf32>
      tpu.vector_store %arg8[%swap3A_542, %swap3A_543], %swap3A_546 {strides = array<i32>} : memref<128x128xf32, #tpu.memory_space<vmem>>, vector<1x16xf32>,
      %get3A_547 = arith.constant 5 : i32
      %get3A_548 = arith.index_cast %get3A_547 : i32 to index
      %get3A_549 = arith.constant 112 : index
      %get3A_550 = tpu.vector_load %arg7[%get3A_548, %get3A_549] {strides = array<i32>} : memref<16x128xf32, #tpu.memory_space<vmem>>, vector<1x16xf32>,
      %get3A_551 = vector.shape_cast %get3A_550 : vector<1x16xf32> to vector<16xf32>
      %swap3A_552 = arith.constant 47 : i32
      %swap3A_553 = arith.index_cast %swap3A_552 : i32 to index
      %swap3A_554 = arith.constant 0 : index
      %swap3A_555 = tpu.vector_load %arg8[%swap3A_553, %swap3A_554] {strides = array<i32>} : memref<128x128xf32, #tpu.memory_space<vmem>>, vector<1x16xf32>,
      %swap3A_556 = vector.shape_cast %swap3A_555 : vector<1x16xf32> to vector<16xf32>
      %swap3A_557 = vector.shape_cast %get3A_551 : vector<16xf32> to vector<1x16xf32>
      tpu.vector_store %arg8[%swap3A_553, %swap3A_554], %swap3A_557 {strides = array<i32>} : memref<128x128xf32, #tpu.memory_space<vmem>>, vector<1x16xf32>,
      %get3A_558 = arith.constant 6 : i32
      %get3A_559 = arith.index_cast %get3A_558 : i32 to index
      %get3A_560 = arith.constant 0 : index
      %get3A_561 = tpu.vector_load %arg7[%get3A_559, %get3A_560] {strides = array<i32>} : memref<16x128xf32, #tpu.memory_space<vmem>>, vector<1x16xf32>,
      %get3A_562 = vector.shape_cast %get3A_561 : vector<1x16xf32> to vector<16xf32>
      %swap3A_563 = arith.constant 48 : i32
      %swap3A_564 = arith.index_cast %swap3A_563 : i32 to index
      %swap3A_565 = arith.constant 0 : index
      %swap3A_566 = tpu.vector_load %arg8[%swap3A_564, %swap3A_565] {strides = array<i32>} : memref<128x128xf32, #tpu.memory_space<vmem>>, vector<1x16xf32>,
      %swap3A_567 = vector.shape_cast %swap3A_566 : vector<1x16xf32> to vector<16xf32>
      %swap3A_568 = vector.shape_cast %get3A_562 : vector<16xf32> to vector<1x16xf32>
      tpu.vector_store %arg8[%swap3A_564, %swap3A_565], %swap3A_568 {strides = array<i32>} : memref<128x128xf32, #tpu.memory_space<vmem>>, vector<1x16xf32>,
      %get3A_569 = arith.constant 6 : i32
      %get3A_570 = arith.index_cast %get3A_569 : i32 to index
      %get3A_571 = arith.constant 16 : index
      %get3A_572 = tpu.vector_load %arg7[%get3A_570, %get3A_571] {strides = array<i32>} : memref<16x128xf32, #tpu.memory_space<vmem>>, vector<1x16xf32>,
      %get3A_573 = vector.shape_cast %get3A_572 : vector<1x16xf32> to vector<16xf32>
      %swap3A_574 = arith.constant 49 : i32
      %swap3A_575 = arith.index_cast %swap3A_574 : i32 to index
      %swap3A_576 = arith.constant 0 : index
      %swap3A_577 = tpu.vector_load %arg8[%swap3A_575, %swap3A_576] {strides = array<i32>} : memref<128x128xf32, #tpu.memory_space<vmem>>, vector<1x16xf32>,
      %swap3A_578 = vector.shape_cast %swap3A_577 : vector<1x16xf32> to vector<16xf32>
      %swap3A_579 = vector.shape_cast %get3A_573 : vector<16xf32> to vector<1x16xf32>
      tpu.vector_store %arg8[%swap3A_575, %swap3A_576], %swap3A_579 {strides = array<i32>} : memref<128x128xf32, #tpu.memory_space<vmem>>, vector<1x16xf32>,
      %get3A_580 = arith.constant 6 : i32
      %get3A_581 = arith.index_cast %get3A_580 : i32 to index
      %get3A_582 = arith.constant 32 : index
      %get3A_583 = tpu.vector_load %arg7[%get3A_581, %get3A_582] {strides = array<i32>} : memref<16x128xf32, #tpu.memory_space<vmem>>, vector<1x16xf32>,
      %get3A_584 = vector.shape_cast %get3A_583 : vector<1x16xf32> to vector<16xf32>
      %swap3A_585 = arith.constant 50 : i32
      %swap3A_586 = arith.index_cast %swap3A_585 : i32 to index
      %swap3A_587 = arith.constant 0 : index
      %swap3A_588 = tpu.vector_load %arg8[%swap3A_586, %swap3A_587] {strides = array<i32>} : memref<128x128xf32, #tpu.memory_space<vmem>>, vector<1x16xf32>,
      %swap3A_589 = vector.shape_cast %swap3A_588 : vector<1x16xf32> to vector<16xf32>
      %swap3A_590 = vector.shape_cast %get3A_584 : vector<16xf32> to vector<1x16xf32>
      tpu.vector_store %arg8[%swap3A_586, %swap3A_587], %swap3A_590 {strides = array<i32>} : memref<128x128xf32, #tpu.memory_space<vmem>>, vector<1x16xf32>,
      %get3A_591 = arith.constant 6 : i32
      %get3A_592 = arith.index_cast %get3A_591 : i32 to index
      %get3A_593 = arith.constant 48 : index
      %get3A_594 = tpu.vector_load %arg7[%get3A_592, %get3A_593] {strides = array<i32>} : memref<16x128xf32, #tpu.memory_space<vmem>>, vector<1x16xf32>,
      %get3A_595 = vector.shape_cast %get3A_594 : vector<1x16xf32> to vector<16xf32>
      %swap3A_596 = arith.constant 51 : i32
      %swap3A_597 = arith.index_cast %swap3A_596 : i32 to index
      %swap3A_598 = arith.constant 0 : index
      %swap3A_599 = tpu.vector_load %arg8[%swap3A_597, %swap3A_598] {strides = array<i32>} : memref<128x128xf32, #tpu.memory_space<vmem>>, vector<1x16xf32>,
      %swap3A_600 = vector.shape_cast %swap3A_599 : vector<1x16xf32> to vector<16xf32>
      %swap3A_601 = vector.shape_cast %get3A_595 : vector<16xf32> to vector<1x16xf32>
      tpu.vector_store %arg8[%swap3A_597, %swap3A_598], %swap3A_601 {strides = array<i32>} : memref<128x128xf32, #tpu.memory_space<vmem>>, vector<1x16xf32>,
      %get3A_602 = arith.constant 6 : i32
      %get3A_603 = arith.index_cast %get3A_602 : i32 to index
      %get3A_604 = arith.constant 64 : index
      %get3A_605 = tpu.vector_load %arg7[%get3A_603, %get3A_604] {strides = array<i32>} : memref<16x128xf32, #tpu.memory_space<vmem>>, vector<1x16xf32>,
      %get3A_606 = vector.shape_cast %get3A_605 : vector<1x16xf32> to vector<16xf32>
      %swap3A_607 = arith.constant 52 : i32
      %swap3A_608 = arith.index_cast %swap3A_607 : i32 to index
      %swap3A_609 = arith.constant 0 : index
      %swap3A_610 = tpu.vector_load %arg8[%swap3A_608, %swap3A_609] {strides = array<i32>} : memref<128x128xf32, #tpu.memory_space<vmem>>, vector<1x16xf32>,
      %swap3A_611 = vector.shape_cast %swap3A_610 : vector<1x16xf32> to vector<16xf32>
      %swap3A_612 = vector.shape_cast %get3A_606 : vector<16xf32> to vector<1x16xf32>
      tpu.vector_store %arg8[%swap3A_608, %swap3A_609], %swap3A_612 {strides = array<i32>} : memref<128x128xf32, #tpu.memory_space<vmem>>, vector<1x16xf32>,
      %get3A_613 = arith.constant 6 : i32
      %get3A_614 = arith.index_cast %get3A_613 : i32 to index
      %get3A_615 = arith.constant 80 : index
      %get3A_616 = tpu.vector_load %arg7[%get3A_614, %get3A_615] {strides = array<i32>} : memref<16x128xf32, #tpu.memory_space<vmem>>, vector<1x16xf32>,
      %get3A_617 = vector.shape_cast %get3A_616 : vector<1x16xf32> to vector<16xf32>
      %swap3A_618 = arith.constant 53 : i32
      %swap3A_619 = arith.index_cast %swap3A_618 : i32 to index
      %swap3A_620 = arith.constant 0 : index
      %swap3A_621 = tpu.vector_load %arg8[%swap3A_619, %swap3A_620] {strides = array<i32>} : memref<128x128xf32, #tpu.memory_space<vmem>>, vector<1x16xf32>,
      %swap3A_622 = vector.shape_cast %swap3A_621 : vector<1x16xf32> to vector<16xf32>
      %swap3A_623 = vector.shape_cast %get3A_617 : vector<16xf32> to vector<1x16xf32>
      tpu.vector_store %arg8[%swap3A_619, %swap3A_620], %swap3A_623 {strides = array<i32>} : memref<128x128xf32, #tpu.memory_space<vmem>>, vector<1x16xf32>,
      %get3A_624 = arith.constant 6 : i32
      %get3A_625 = arith.index_cast %get3A_624 : i32 to index
      %get3A_626 = arith.constant 96 : index
      %get3A_627 = tpu.vector_load %arg7[%get3A_625, %get3A_626] {strides = array<i32>} : memref<16x128xf32, #tpu.memory_space<vmem>>, vector<1x16xf32>,
      %get3A_628 = vector.shape_cast %get3A_627 : vector<1x16xf32> to vector<16xf32>
      %swap3A_629 = arith.constant 54 : i32
      %swap3A_630 = arith.index_cast %swap3A_629 : i32 to index
      %swap3A_631 = arith.constant 0 : index
      %swap3A_632 = tpu.vector_load %arg8[%swap3A_630, %swap3A_631] {strides = array<i32>} : memref<128x128xf32, #tpu.memory_space<vmem>>, vector<1x16xf32>,
      %swap3A_633 = vector.shape_cast %swap3A_632 : vector<1x16xf32> to vector<16xf32>
      %swap3A_634 = vector.shape_cast %get3A_628 : vector<16xf32> to vector<1x16xf32>
      tpu.vector_store %arg8[%swap3A_630, %swap3A_631], %swap3A_634 {strides = array<i32>} : memref<128x128xf32, #tpu.memory_space<vmem>>, vector<1x16xf32>,
      %get3A_635 = arith.constant 6 : i32
      %get3A_636 = arith.index_cast %get3A_635 : i32 to index
      %get3A_637 = arith.constant 112 : index
      %get3A_638 = tpu.vector_load %arg7[%get3A_636, %get3A_637] {strides = array<i32>} : memref<16x128xf32, #tpu.memory_space<vmem>>, vector<1x16xf32>,
      %get3A_639 = vector.shape_cast %get3A_638 : vector<1x16xf32> to vector<16xf32>
      %swap3A_640 = arith.constant 55 : i32
      %swap3A_641 = arith.index_cast %swap3A_640 : i32 to index
      %swap3A_642 = arith.constant 0 : index
      %swap3A_643 = tpu.vector_load %arg8[%swap3A_641, %swap3A_642] {strides = array<i32>} : memref<128x128xf32, #tpu.memory_space<vmem>>, vector<1x16xf32>,
      %swap3A_644 = vector.shape_cast %swap3A_643 : vector<1x16xf32> to vector<16xf32>
      %swap3A_645 = vector.shape_cast %get3A_639 : vector<16xf32> to vector<1x16xf32>
      tpu.vector_store %arg8[%swap3A_641, %swap3A_642], %swap3A_645 {strides = array<i32>} : memref<128x128xf32, #tpu.memory_space<vmem>>, vector<1x16xf32>,
      %get3A_646 = arith.constant 7 : i32
      %get3A_647 = arith.index_cast %get3A_646 : i32 to index
      %get3A_648 = arith.constant 0 : index
      %get3A_649 = tpu.vector_load %arg7[%get3A_647, %get3A_648] {strides = array<i32>} : memref<16x128xf32, #tpu.memory_space<vmem>>, vector<1x16xf32>,
      %get3A_650 = vector.shape_cast %get3A_649 : vector<1x16xf32> to vector<16xf32>
      %swap3A_651 = arith.constant 56 : i32
      %swap3A_652 = arith.index_cast %swap3A_651 : i32 to index
      %swap3A_653 = arith.constant 0 : index
      %swap3A_654 = tpu.vector_load %arg8[%swap3A_652, %swap3A_653] {strides = array<i32>} : memref<128x128xf32, #tpu.memory_space<vmem>>, vector<1x16xf32>,
      %swap3A_655 = vector.shape_cast %swap3A_654 : vector<1x16xf32> to vector<16xf32>
      %swap3A_656 = vector.shape_cast %get3A_650 : vector<16xf32> to vector<1x16xf32>
      tpu.vector_store %arg8[%swap3A_652, %swap3A_653], %swap3A_656 {strides = array<i32>} : memref<128x128xf32, #tpu.memory_space<vmem>>, vector<1x16xf32>,
      %get3A_657 = arith.constant 7 : i32
      %get3A_658 = arith.index_cast %get3A_657 : i32 to index
      %get3A_659 = arith.constant 16 : index
      %get3A_660 = tpu.vector_load %arg7[%get3A_658, %get3A_659] {strides = array<i32>} : memref<16x128xf32, #tpu.memory_space<vmem>>, vector<1x16xf32>,
      %get3A_661 = vector.shape_cast %get3A_660 : vector<1x16xf32> to vector<16xf32>
      %swap3A_662 = arith.constant 57 : i32
      %swap3A_663 = arith.index_cast %swap3A_662 : i32 to index
      %swap3A_664 = arith.constant 0 : index
      %swap3A_665 = tpu.vector_load %arg8[%swap3A_663, %swap3A_664] {strides = array<i32>} : memref<128x128xf32, #tpu.memory_space<vmem>>, vector<1x16xf32>,
      %swap3A_666 = vector.shape_cast %swap3A_665 : vector<1x16xf32> to vector<16xf32>
      %swap3A_667 = vector.shape_cast %get3A_661 : vector<16xf32> to vector<1x16xf32>
      tpu.vector_store %arg8[%swap3A_663, %swap3A_664], %swap3A_667 {strides = array<i32>} : memref<128x128xf32, #tpu.memory_space<vmem>>, vector<1x16xf32>,
      %get3A_668 = arith.constant 7 : i32
      %get3A_669 = arith.index_cast %get3A_668 : i32 to index
      %get3A_670 = arith.constant 32 : index
      %get3A_671 = tpu.vector_load %arg7[%get3A_669, %get3A_670] {strides = array<i32>} : memref<16x128xf32, #tpu.memory_space<vmem>>, vector<1x16xf32>,
      %get3A_672 = vector.shape_cast %get3A_671 : vector<1x16xf32> to vector<16xf32>
      %swap3A_673 = arith.constant 58 : i32
      %swap3A_674 = arith.index_cast %swap3A_673 : i32 to index
      %swap3A_675 = arith.constant 0 : index
      %swap3A_676 = tpu.vector_load %arg8[%swap3A_674, %swap3A_675] {strides = array<i32>} : memref<128x128xf32, #tpu.memory_space<vmem>>, vector<1x16xf32>,
      %swap3A_677 = vector.shape_cast %swap3A_676 : vector<1x16xf32> to vector<16xf32>
      %swap3A_678 = vector.shape_cast %get3A_672 : vector<16xf32> to vector<1x16xf32>
      tpu.vector_store %arg8[%swap3A_674, %swap3A_675], %swap3A_678 {strides = array<i32>} : memref<128x128xf32, #tpu.memory_space<vmem>>, vector<1x16xf32>,
      %get3A_679 = arith.constant 7 : i32
      %get3A_680 = arith.index_cast %get3A_679 : i32 to index
      %get3A_681 = arith.constant 48 : index
      %get3A_682 = tpu.vector_load %arg7[%get3A_680, %get3A_681] {strides = array<i32>} : memref<16x128xf32, #tpu.memory_space<vmem>>, vector<1x16xf32>,
      %get3A_683 = vector.shape_cast %get3A_682 : vector<1x16xf32> to vector<16xf32>
      %swap3A_684 = arith.constant 59 : i32
      %swap3A_685 = arith.index_cast %swap3A_684 : i32 to index
      %swap3A_686 = arith.constant 0 : index
      %swap3A_687 = tpu.vector_load %arg8[%swap3A_685, %swap3A_686] {strides = array<i32>} : memref<128x128xf32, #tpu.memory_space<vmem>>, vector<1x16xf32>,
      %swap3A_688 = vector.shape_cast %swap3A_687 : vector<1x16xf32> to vector<16xf32>
      %swap3A_689 = vector.shape_cast %get3A_683 : vector<16xf32> to vector<1x16xf32>
      tpu.vector_store %arg8[%swap3A_685, %swap3A_686], %swap3A_689 {strides = array<i32>} : memref<128x128xf32, #tpu.memory_space<vmem>>, vector<1x16xf32>,
      %get3A_690 = arith.constant 7 : i32
      %get3A_691 = arith.index_cast %get3A_690 : i32 to index
      %get3A_692 = arith.constant 64 : index
      %get3A_693 = tpu.vector_load %arg7[%get3A_691, %get3A_692] {strides = array<i32>} : memref<16x128xf32, #tpu.memory_space<vmem>>, vector<1x16xf32>,
      %get3A_694 = vector.shape_cast %get3A_693 : vector<1x16xf32> to vector<16xf32>
      %swap3A_695 = arith.constant 60 : i32
      %swap3A_696 = arith.index_cast %swap3A_695 : i32 to index
      %swap3A_697 = arith.constant 0 : index
      %swap3A_698 = tpu.vector_load %arg8[%swap3A_696, %swap3A_697] {strides = array<i32>} : memref<128x128xf32, #tpu.memory_space<vmem>>, vector<1x16xf32>,
      %swap3A_699 = vector.shape_cast %swap3A_698 : vector<1x16xf32> to vector<16xf32>
      %swap3A_700 = vector.shape_cast %get3A_694 : vector<16xf32> to vector<1x16xf32>
      tpu.vector_store %arg8[%swap3A_696, %swap3A_697], %swap3A_700 {strides = array<i32>} : memref<128x128xf32, #tpu.memory_space<vmem>>, vector<1x16xf32>,
      %get3A_701 = arith.constant 7 : i32
      %get3A_702 = arith.index_cast %get3A_701 : i32 to index
      %get3A_703 = arith.constant 80 : index
      %get3A_704 = tpu.vector_load %arg7[%get3A_702, %get3A_703] {strides = array<i32>} : memref<16x128xf32, #tpu.memory_space<vmem>>, vector<1x16xf32>,
      %get3A_705 = vector.shape_cast %get3A_704 : vector<1x16xf32> to vector<16xf32>
      %swap3A_706 = arith.constant 61 : i32
      %swap3A_707 = arith.index_cast %swap3A_706 : i32 to index
      %swap3A_708 = arith.constant 0 : index
      %swap3A_709 = tpu.vector_load %arg8[%swap3A_707, %swap3A_708] {strides = array<i32>} : memref<128x128xf32, #tpu.memory_space<vmem>>, vector<1x16xf32>,
      %swap3A_710 = vector.shape_cast %swap3A_709 : vector<1x16xf32> to vector<16xf32>
      %swap3A_711 = vector.shape_cast %get3A_705 : vector<16xf32> to vector<1x16xf32>
      tpu.vector_store %arg8[%swap3A_707, %swap3A_708], %swap3A_711 {strides = array<i32>} : memref<128x128xf32, #tpu.memory_space<vmem>>, vector<1x16xf32>,
      %get3A_712 = arith.constant 7 : i32
      %get3A_713 = arith.index_cast %get3A_712 : i32 to index
      %get3A_714 = arith.constant 96 : index
      %get3A_715 = tpu.vector_load %arg7[%get3A_713, %get3A_714] {strides = array<i32>} : memref<16x128xf32, #tpu.memory_space<vmem>>, vector<1x16xf32>,
      %get3A_716 = vector.shape_cast %get3A_715 : vector<1x16xf32> to vector<16xf32>
      %swap3A_717 = arith.constant 62 : i32
      %swap3A_718 = arith.index_cast %swap3A_717 : i32 to index
      %swap3A_719 = arith.constant 0 : index
      %swap3A_720 = tpu.vector_load %arg8[%swap3A_718, %swap3A_719] {strides = array<i32>} : memref<128x128xf32, #tpu.memory_space<vmem>>, vector<1x16xf32>,
      %swap3A_721 = vector.shape_cast %swap3A_720 : vector<1x16xf32> to vector<16xf32>
      %swap3A_722 = vector.shape_cast %get3A_716 : vector<16xf32> to vector<1x16xf32>
      tpu.vector_store %arg8[%swap3A_718, %swap3A_719], %swap3A_722 {strides = array<i32>} : memref<128x128xf32, #tpu.memory_space<vmem>>, vector<1x16xf32>,
      %get3A_723 = arith.constant 7 : i32
      %get3A_724 = arith.index_cast %get3A_723 : i32 to index
      %get3A_725 = arith.constant 112 : index
      %get3A_726 = tpu.vector_load %arg7[%get3A_724, %get3A_725] {strides = array<i32>} : memref<16x128xf32, #tpu.memory_space<vmem>>, vector<1x16xf32>,
      %get3A_727 = vector.shape_cast %get3A_726 : vector<1x16xf32> to vector<16xf32>
      %swap3A_728 = arith.constant 63 : i32
      %swap3A_729 = arith.index_cast %swap3A_728 : i32 to index
      %swap3A_730 = arith.constant 0 : index
      %swap3A_731 = tpu.vector_load %arg8[%swap3A_729, %swap3A_730] {strides = array<i32>} : memref<128x128xf32, #tpu.memory_space<vmem>>, vector<1x16xf32>,
      %swap3A_732 = vector.shape_cast %swap3A_731 : vector<1x16xf32> to vector<16xf32>
      %swap3A_733 = vector.shape_cast %get3A_727 : vector<16xf32> to vector<1x16xf32>
      tpu.vector_store %arg8[%swap3A_729, %swap3A_730], %swap3A_733 {strides = array<i32>} : memref<128x128xf32, #tpu.memory_space<vmem>>, vector<1x16xf32>,
      %get3A_734 = arith.constant 8 : i32
      %get3A_735 = arith.index_cast %get3A_734 : i32 to index
      %get3A_736 = arith.constant 0 : index
      %get3A_737 = tpu.vector_load %arg7[%get3A_735, %get3A_736] {strides = array<i32>} : memref<16x128xf32, #tpu.memory_space<vmem>>, vector<1x16xf32>,
      %get3A_738 = vector.shape_cast %get3A_737 : vector<1x16xf32> to vector<16xf32>
      %swap3A_739 = arith.constant 64 : i32
      %swap3A_740 = arith.index_cast %swap3A_739 : i32 to index
      %swap3A_741 = arith.constant 0 : index
      %swap3A_742 = tpu.vector_load %arg8[%swap3A_740, %swap3A_741] {strides = array<i32>} : memref<128x128xf32, #tpu.memory_space<vmem>>, vector<1x16xf32>,
      %swap3A_743 = vector.shape_cast %swap3A_742 : vector<1x16xf32> to vector<16xf32>
      %swap3A_744 = vector.shape_cast %get3A_738 : vector<16xf32> to vector<1x16xf32>
      tpu.vector_store %arg8[%swap3A_740, %swap3A_741], %swap3A_744 {strides = array<i32>} : memref<128x128xf32, #tpu.memory_space<vmem>>, vector<1x16xf32>,
      %get3A_745 = arith.constant 8 : i32
      %get3A_746 = arith.index_cast %get3A_745 : i32 to index
      %get3A_747 = arith.constant 16 : index
      %get3A_748 = tpu.vector_load %arg7[%get3A_746, %get3A_747] {strides = array<i32>} : memref<16x128xf32, #tpu.memory_space<vmem>>, vector<1x16xf32>,
      %get3A_749 = vector.shape_cast %get3A_748 : vector<1x16xf32> to vector<16xf32>
      %swap3A_750 = arith.constant 65 : i32
      %swap3A_751 = arith.index_cast %swap3A_750 : i32 to index
      %swap3A_752 = arith.constant 0 : index
      %swap3A_753 = tpu.vector_load %arg8[%swap3A_751, %swap3A_752] {strides = array<i32>} : memref<128x128xf32, #tpu.memory_space<vmem>>, vector<1x16xf32>,
      %swap3A_754 = vector.shape_cast %swap3A_753 : vector<1x16xf32> to vector<16xf32>
      %swap3A_755 = vector.shape_cast %get3A_749 : vector<16xf32> to vector<1x16xf32>
      tpu.vector_store %arg8[%swap3A_751, %swap3A_752], %swap3A_755 {strides = array<i32>} : memref<128x128xf32, #tpu.memory_space<vmem>>, vector<1x16xf32>,
      %get3A_756 = arith.constant 8 : i32
      %get3A_757 = arith.index_cast %get3A_756 : i32 to index
      %get3A_758 = arith.constant 32 : index
      %get3A_759 = tpu.vector_load %arg7[%get3A_757, %get3A_758] {strides = array<i32>} : memref<16x128xf32, #tpu.memory_space<vmem>>, vector<1x16xf32>,
      %get3A_760 = vector.shape_cast %get3A_759 : vector<1x16xf32> to vector<16xf32>
      %swap3A_761 = arith.constant 66 : i32
      %swap3A_762 = arith.index_cast %swap3A_761 : i32 to index
      %swap3A_763 = arith.constant 0 : index
      %swap3A_764 = tpu.vector_load %arg8[%swap3A_762, %swap3A_763] {strides = array<i32>} : memref<128x128xf32, #tpu.memory_space<vmem>>, vector<1x16xf32>,
      %swap3A_765 = vector.shape_cast %swap3A_764 : vector<1x16xf32> to vector<16xf32>
      %swap3A_766 = vector.shape_cast %get3A_760 : vector<16xf32> to vector<1x16xf32>
      tpu.vector_store %arg8[%swap3A_762, %swap3A_763], %swap3A_766 {strides = array<i32>} : memref<128x128xf32, #tpu.memory_space<vmem>>, vector<1x16xf32>,
      %get3A_767 = arith.constant 8 : i32
      %get3A_768 = arith.index_cast %get3A_767 : i32 to index
      %get3A_769 = arith.constant 48 : index
      %get3A_770 = tpu.vector_load %arg7[%get3A_768, %get3A_769] {strides = array<i32>} : memref<16x128xf32, #tpu.memory_space<vmem>>, vector<1x16xf32>,
      %get3A_771 = vector.shape_cast %get3A_770 : vector<1x16xf32> to vector<16xf32>
      %swap3A_772 = arith.constant 67 : i32
      %swap3A_773 = arith.index_cast %swap3A_772 : i32 to index
      %swap3A_774 = arith.constant 0 : index
      %swap3A_775 = tpu.vector_load %arg8[%swap3A_773, %swap3A_774] {strides = array<i32>} : memref<128x128xf32, #tpu.memory_space<vmem>>, vector<1x16xf32>,
      %swap3A_776 = vector.shape_cast %swap3A_775 : vector<1x16xf32> to vector<16xf32>
      %swap3A_777 = vector.shape_cast %get3A_771 : vector<16xf32> to vector<1x16xf32>
      tpu.vector_store %arg8[%swap3A_773, %swap3A_774], %swap3A_777 {strides = array<i32>} : memref<128x128xf32, #tpu.memory_space<vmem>>, vector<1x16xf32>,
      %get3A_778 = arith.constant 8 : i32
      %get3A_779 = arith.index_cast %get3A_778 : i32 to index
      %get3A_780 = arith.constant 64 : index
      %get3A_781 = tpu.vector_load %arg7[%get3A_779, %get3A_780] {strides = array<i32>} : memref<16x128xf32, #tpu.memory_space<vmem>>, vector<1x16xf32>,
      %get3A_782 = vector.shape_cast %get3A_781 : vector<1x16xf32> to vector<16xf32>
      %swap3A_783 = arith.constant 68 : i32
      %swap3A_784 = arith.index_cast %swap3A_783 : i32 to index
      %swap3A_785 = arith.constant 0 : index
      %swap3A_786 = tpu.vector_load %arg8[%swap3A_784, %swap3A_785] {strides = array<i32>} : memref<128x128xf32, #tpu.memory_space<vmem>>, vector<1x16xf32>,
      %swap3A_787 = vector.shape_cast %swap3A_786 : vector<1x16xf32> to vector<16xf32>
      %swap3A_788 = vector.shape_cast %get3A_782 : vector<16xf32> to vector<1x16xf32>
      tpu.vector_store %arg8[%swap3A_784, %swap3A_785], %swap3A_788 {strides = array<i32>} : memref<128x128xf32, #tpu.memory_space<vmem>>, vector<1x16xf32>,
      %get3A_789 = arith.constant 8 : i32
      %get3A_790 = arith.index_cast %get3A_789 : i32 to index
      %get3A_791 = arith.constant 80 : index
      %get3A_792 = tpu.vector_load %arg7[%get3A_790, %get3A_791] {strides = array<i32>} : memref<16x128xf32, #tpu.memory_space<vmem>>, vector<1x16xf32>,
      %get3A_793 = vector.shape_cast %get3A_792 : vector<1x16xf32> to vector<16xf32>
      %swap3A_794 = arith.constant 69 : i32
      %swap3A_795 = arith.index_cast %swap3A_794 : i32 to index
      %swap3A_796 = arith.constant 0 : index
      %swap3A_797 = tpu.vector_load %arg8[%swap3A_795, %swap3A_796] {strides = array<i32>} : memref<128x128xf32, #tpu.memory_space<vmem>>, vector<1x16xf32>,
      %swap3A_798 = vector.shape_cast %swap3A_797 : vector<1x16xf32> to vector<16xf32>
      %swap3A_799 = vector.shape_cast %get3A_793 : vector<16xf32> to vector<1x16xf32>
      tpu.vector_store %arg8[%swap3A_795, %swap3A_796], %swap3A_799 {strides = array<i32>} : memref<128x128xf32, #tpu.memory_space<vmem>>, vector<1x16xf32>,
      %get3A_800 = arith.constant 8 : i32
      %get3A_801 = arith.index_cast %get3A_800 : i32 to index
      %get3A_802 = arith.constant 96 : index
      %get3A_803 = tpu.vector_load %arg7[%get3A_801, %get3A_802] {strides = array<i32>} : memref<16x128xf32, #tpu.memory_space<vmem>>, vector<1x16xf32>,
      %get3A_804 = vector.shape_cast %get3A_803 : vector<1x16xf32> to vector<16xf32>
      %swap3A_805 = arith.constant 70 : i32
      %swap3A_806 = arith.index_cast %swap3A_805 : i32 to index
      %swap3A_807 = arith.constant 0 : index
      %swap3A_808 = tpu.vector_load %arg8[%swap3A_806, %swap3A_807] {strides = array<i32>} : memref<128x128xf32, #tpu.memory_space<vmem>>, vector<1x16xf32>,
      %swap3A_809 = vector.shape_cast %swap3A_808 : vector<1x16xf32> to vector<16xf32>
      %swap3A_810 = vector.shape_cast %get3A_804 : vector<16xf32> to vector<1x16xf32>
      tpu.vector_store %arg8[%swap3A_806, %swap3A_807], %swap3A_810 {strides = array<i32>} : memref<128x128xf32, #tpu.memory_space<vmem>>, vector<1x16xf32>,
      %get3A_811 = arith.constant 8 : i32
      %get3A_812 = arith.index_cast %get3A_811 : i32 to index
      %get3A_813 = arith.constant 112 : index
      %get3A_814 = tpu.vector_load %arg7[%get3A_812, %get3A_813] {strides = array<i32>} : memref<16x128xf32, #tpu.memory_space<vmem>>, vector<1x16xf32>,
      %get3A_815 = vector.shape_cast %get3A_814 : vector<1x16xf32> to vector<16xf32>
      %swap3A_816 = arith.constant 71 : i32
      %swap3A_817 = arith.index_cast %swap3A_816 : i32 to index
      %swap3A_818 = arith.constant 0 : index
      %swap3A_819 = tpu.vector_load %arg8[%swap3A_817, %swap3A_818] {strides = array<i32>} : memref<128x128xf32, #tpu.memory_space<vmem>>, vector<1x16xf32>,
      %swap3A_820 = vector.shape_cast %swap3A_819 : vector<1x16xf32> to vector<16xf32>
      %swap3A_821 = vector.shape_cast %get3A_815 : vector<16xf32> to vector<1x16xf32>
      tpu.vector_store %arg8[%swap3A_817, %swap3A_818], %swap3A_821 {strides = array<i32>} : memref<128x128xf32, #tpu.memory_space<vmem>>, vector<1x16xf32>,
      %get3A_822 = arith.constant 9 : i32
      %get3A_823 = arith.index_cast %get3A_822 : i32 to index
      %get3A_824 = arith.constant 0 : index
      %get3A_825 = tpu.vector_load %arg7[%get3A_823, %get3A_824] {strides = array<i32>} : memref<16x128xf32, #tpu.memory_space<vmem>>, vector<1x16xf32>,
      %get3A_826 = vector.shape_cast %get3A_825 : vector<1x16xf32> to vector<16xf32>
      %swap3A_827 = arith.constant 72 : i32
      %swap3A_828 = arith.index_cast %swap3A_827 : i32 to index
      %swap3A_829 = arith.constant 0 : index
      %swap3A_830 = tpu.vector_load %arg8[%swap3A_828, %swap3A_829] {strides = array<i32>} : memref<128x128xf32, #tpu.memory_space<vmem>>, vector<1x16xf32>,
      %swap3A_831 = vector.shape_cast %swap3A_830 : vector<1x16xf32> to vector<16xf32>
      %swap3A_832 = vector.shape_cast %get3A_826 : vector<16xf32> to vector<1x16xf32>
      tpu.vector_store %arg8[%swap3A_828, %swap3A_829], %swap3A_832 {strides = array<i32>} : memref<128x128xf32, #tpu.memory_space<vmem>>, vector<1x16xf32>,
      %get3A_833 = arith.constant 9 : i32
      %get3A_834 = arith.index_cast %get3A_833 : i32 to index
      %get3A_835 = arith.constant 16 : index
      %get3A_836 = tpu.vector_load %arg7[%get3A_834, %get3A_835] {strides = array<i32>} : memref<16x128xf32, #tpu.memory_space<vmem>>, vector<1x16xf32>,
      %get3A_837 = vector.shape_cast %get3A_836 : vector<1x16xf32> to vector<16xf32>
      %swap3A_838 = arith.constant 73 : i32
      %swap3A_839 = arith.index_cast %swap3A_838 : i32 to index
      %swap3A_840 = arith.constant 0 : index
      %swap3A_841 = tpu.vector_load %arg8[%swap3A_839, %swap3A_840] {strides = array<i32>} : memref<128x128xf32, #tpu.memory_space<vmem>>, vector<1x16xf32>,
      %swap3A_842 = vector.shape_cast %swap3A_841 : vector<1x16xf32> to vector<16xf32>
      %swap3A_843 = vector.shape_cast %get3A_837 : vector<16xf32> to vector<1x16xf32>
      tpu.vector_store %arg8[%swap3A_839, %swap3A_840], %swap3A_843 {strides = array<i32>} : memref<128x128xf32, #tpu.memory_space<vmem>>, vector<1x16xf32>,
      %get3A_844 = arith.constant 9 : i32
      %get3A_845 = arith.index_cast %get3A_844 : i32 to index
      %get3A_846 = arith.constant 32 : index
      %get3A_847 = tpu.vector_load %arg7[%get3A_845, %get3A_846] {strides = array<i32>} : memref<16x128xf32, #tpu.memory_space<vmem>>, vector<1x16xf32>,
      %get3A_848 = vector.shape_cast %get3A_847 : vector<1x16xf32> to vector<16xf32>
      %swap3A_849 = arith.constant 74 : i32
      %swap3A_850 = arith.index_cast %swap3A_849 : i32 to index
      %swap3A_851 = arith.constant 0 : index
      %swap3A_852 = tpu.vector_load %arg8[%swap3A_850, %swap3A_851] {strides = array<i32>} : memref<128x128xf32, #tpu.memory_space<vmem>>, vector<1x16xf32>,
      %swap3A_853 = vector.shape_cast %swap3A_852 : vector<1x16xf32> to vector<16xf32>
      %swap3A_854 = vector.shape_cast %get3A_848 : vector<16xf32> to vector<1x16xf32>
      tpu.vector_store %arg8[%swap3A_850, %swap3A_851], %swap3A_854 {strides = array<i32>} : memref<128x128xf32, #tpu.memory_space<vmem>>, vector<1x16xf32>,
      %get3A_855 = arith.constant 9 : i32
      %get3A_856 = arith.index_cast %get3A_855 : i32 to index
      %get3A_857 = arith.constant 48 : index
      %get3A_858 = tpu.vector_load %arg7[%get3A_856, %get3A_857] {strides = array<i32>} : memref<16x128xf32, #tpu.memory_space<vmem>>, vector<1x16xf32>,
      %get3A_859 = vector.shape_cast %get3A_858 : vector<1x16xf32> to vector<16xf32>
      %swap3A_860 = arith.constant 75 : i32
      %swap3A_861 = arith.index_cast %swap3A_860 : i32 to index
      %swap3A_862 = arith.constant 0 : index
      %swap3A_863 = tpu.vector_load %arg8[%swap3A_861, %swap3A_862] {strides = array<i32>} : memref<128x128xf32, #tpu.memory_space<vmem>>, vector<1x16xf32>,
      %swap3A_864 = vector.shape_cast %swap3A_863 : vector<1x16xf32> to vector<16xf32>
      %swap3A_865 = vector.shape_cast %get3A_859 : vector<16xf32> to vector<1x16xf32>
      tpu.vector_store %arg8[%swap3A_861, %swap3A_862], %swap3A_865 {strides = array<i32>} : memref<128x128xf32, #tpu.memory_space<vmem>>, vector<1x16xf32>,
      %get3A_866 = arith.constant 9 : i32
      %get3A_867 = arith.index_cast %get3A_866 : i32 to index
      %get3A_868 = arith.constant 64 : index
      %get3A_869 = tpu.vector_load %arg7[%get3A_867, %get3A_868] {strides = array<i32>} : memref<16x128xf32, #tpu.memory_space<vmem>>, vector<1x16xf32>,
      %get3A_870 = vector.shape_cast %get3A_869 : vector<1x16xf32> to vector<16xf32>
      %swap3A_871 = arith.constant 76 : i32
      %swap3A_872 = arith.index_cast %swap3A_871 : i32 to index
      %swap3A_873 = arith.constant 0 : index
      %swap3A_874 = tpu.vector_load %arg8[%swap3A_872, %swap3A_873] {strides = array<i32>} : memref<128x128xf32, #tpu.memory_space<vmem>>, vector<1x16xf32>,
      %swap3A_875 = vector.shape_cast %swap3A_874 : vector<1x16xf32> to vector<16xf32>
      %swap3A_876 = vector.shape_cast %get3A_870 : vector<16xf32> to vector<1x16xf32>
      tpu.vector_store %arg8[%swap3A_872, %swap3A_873], %swap3A_876 {strides = array<i32>} : memref<128x128xf32, #tpu.memory_space<vmem>>, vector<1x16xf32>,
      %get3A_877 = arith.constant 9 : i32
      %get3A_878 = arith.index_cast %get3A_877 : i32 to index
      %get3A_879 = arith.constant 80 : index
      %get3A_880 = tpu.vector_load %arg7[%get3A_878, %get3A_879] {strides = array<i32>} : memref<16x128xf32, #tpu.memory_space<vmem>>, vector<1x16xf32>,
      %get3A_881 = vector.shape_cast %get3A_880 : vector<1x16xf32> to vector<16xf32>
      %swap3A_882 = arith.constant 77 : i32
      %swap3A_883 = arith.index_cast %swap3A_882 : i32 to index
      %swap3A_884 = arith.constant 0 : index
      %swap3A_885 = tpu.vector_load %arg8[%swap3A_883, %swap3A_884] {strides = array<i32>} : memref<128x128xf32, #tpu.memory_space<vmem>>, vector<1x16xf32>,
      %swap3A_886 = vector.shape_cast %swap3A_885 : vector<1x16xf32> to vector<16xf32>
      %swap3A_887 = vector.shape_cast %get3A_881 : vector<16xf32> to vector<1x16xf32>
      tpu.vector_store %arg8[%swap3A_883, %swap3A_884], %swap3A_887 {strides = array<i32>} : memref<128x128xf32, #tpu.memory_space<vmem>>, vector<1x16xf32>,
      %get3A_888 = arith.constant 9 : i32
      %get3A_889 = arith.index_cast %get3A_888 : i32 to index
      %get3A_890 = arith.constant 96 : index
      %get3A_891 = tpu.vector_load %arg7[%get3A_889, %get3A_890] {strides = array<i32>} : memref<16x128xf32, #tpu.memory_space<vmem>>, vector<1x16xf32>,
      %get3A_892 = vector.shape_cast %get3A_891 : vector<1x16xf32> to vector<16xf32>
      %swap3A_893 = arith.constant 78 : i32
      %swap3A_894 = arith.index_cast %swap3A_893 : i32 to index
      %swap3A_895 = arith.constant 0 : index
      %swap3A_896 = tpu.vector_load %arg8[%swap3A_894, %swap3A_895] {strides = array<i32>} : memref<128x128xf32, #tpu.memory_space<vmem>>, vector<1x16xf32>,
      %swap3A_897 = vector.shape_cast %swap3A_896 : vector<1x16xf32> to vector<16xf32>
      %swap3A_898 = vector.shape_cast %get3A_892 : vector<16xf32> to vector<1x16xf32>
      tpu.vector_store %arg8[%swap3A_894, %swap3A_895], %swap3A_898 {strides = array<i32>} : memref<128x128xf32, #tpu.memory_space<vmem>>, vector<1x16xf32>,
      %get3A_899 = arith.constant 9 : i32
      %get3A_900 = arith.index_cast %get3A_899 : i32 to index
      %get3A_901 = arith.constant 112 : index
      %get3A_902 = tpu.vector_load %arg7[%get3A_900, %get3A_901] {strides = array<i32>} : memref<16x128xf32, #tpu.memory_space<vmem>>, vector<1x16xf32>,
      %get3A_903 = vector.shape_cast %get3A_902 : vector<1x16xf32> to vector<16xf32>
      %swap3A_904 = arith.constant 79 : i32
      %swap3A_905 = arith.index_cast %swap3A_904 : i32 to index
      %swap3A_906 = arith.constant 0 : index
      %swap3A_907 = tpu.vector_load %arg8[%swap3A_905, %swap3A_906] {strides = array<i32>} : memref<128x128xf32, #tpu.memory_space<vmem>>, vector<1x16xf32>,
      %swap3A_908 = vector.shape_cast %swap3A_907 : vector<1x16xf32> to vector<16xf32>
      %swap3A_909 = vector.shape_cast %get3A_903 : vector<16xf32> to vector<1x16xf32>
      tpu.vector_store %arg8[%swap3A_905, %swap3A_906], %swap3A_909 {strides = array<i32>} : memref<128x128xf32, #tpu.memory_space<vmem>>, vector<1x16xf32>,
      %get3A_910 = arith.constant 10 : i32
      %get3A_911 = arith.index_cast %get3A_910 : i32 to index
      %get3A_912 = arith.constant 0 : index
      %get3A_913 = tpu.vector_load %arg7[%get3A_911, %get3A_912] {strides = array<i32>} : memref<16x128xf32, #tpu.memory_space<vmem>>, vector<1x16xf32>,
      %get3A_914 = vector.shape_cast %get3A_913 : vector<1x16xf32> to vector<16xf32>
      %swap3A_915 = arith.constant 80 : i32
      %swap3A_916 = arith.index_cast %swap3A_915 : i32 to index
      %swap3A_917 = arith.constant 0 : index
      %swap3A_918 = tpu.vector_load %arg8[%swap3A_916, %swap3A_917] {strides = array<i32>} : memref<128x128xf32, #tpu.memory_space<vmem>>, vector<1x16xf32>,
      %swap3A_919 = vector.shape_cast %swap3A_918 : vector<1x16xf32> to vector<16xf32>
      %swap3A_920 = vector.shape_cast %get3A_914 : vector<16xf32> to vector<1x16xf32>
      tpu.vector_store %arg8[%swap3A_916, %swap3A_917], %swap3A_920 {strides = array<i32>} : memref<128x128xf32, #tpu.memory_space<vmem>>, vector<1x16xf32>,
      %get3A_921 = arith.constant 10 : i32
      %get3A_922 = arith.index_cast %get3A_921 : i32 to index
      %get3A_923 = arith.constant 16 : index
      %get3A_924 = tpu.vector_load %arg7[%get3A_922, %get3A_923] {strides = array<i32>} : memref<16x128xf32, #tpu.memory_space<vmem>>, vector<1x16xf32>,
      %get3A_925 = vector.shape_cast %get3A_924 : vector<1x16xf32> to vector<16xf32>
      %swap3A_926 = arith.constant 81 : i32
      %swap3A_927 = arith.index_cast %swap3A_926 : i32 to index
      %swap3A_928 = arith.constant 0 : index
      %swap3A_929 = tpu.vector_load %arg8[%swap3A_927, %swap3A_928] {strides = array<i32>} : memref<128x128xf32, #tpu.memory_space<vmem>>, vector<1x16xf32>,
      %swap3A_930 = vector.shape_cast %swap3A_929 : vector<1x16xf32> to vector<16xf32>
      %swap3A_931 = vector.shape_cast %get3A_925 : vector<16xf32> to vector<1x16xf32>
      tpu.vector_store %arg8[%swap3A_927, %swap3A_928], %swap3A_931 {strides = array<i32>} : memref<128x128xf32, #tpu.memory_space<vmem>>, vector<1x16xf32>,
      %get3A_932 = arith.constant 10 : i32
      %get3A_933 = arith.index_cast %get3A_932 : i32 to index
      %get3A_934 = arith.constant 32 : index
      %get3A_935 = tpu.vector_load %arg7[%get3A_933, %get3A_934] {strides = array<i32>} : memref<16x128xf32, #tpu.memory_space<vmem>>, vector<1x16xf32>,
      %get3A_936 = vector.shape_cast %get3A_935 : vector<1x16xf32> to vector<16xf32>
      %swap3A_937 = arith.constant 82 : i32
      %swap3A_938 = arith.index_cast %swap3A_937 : i32 to index
      %swap3A_939 = arith.constant 0 : index
      %swap3A_940 = tpu.vector_load %arg8[%swap3A_938, %swap3A_939] {strides = array<i32>} : memref<128x128xf32, #tpu.memory_space<vmem>>, vector<1x16xf32>,
      %swap3A_941 = vector.shape_cast %swap3A_940 : vector<1x16xf32> to vector<16xf32>
      %swap3A_942 = vector.shape_cast %get3A_936 : vector<16xf32> to vector<1x16xf32>
      tpu.vector_store %arg8[%swap3A_938, %swap3A_939], %swap3A_942 {strides = array<i32>} : memref<128x128xf32, #tpu.memory_space<vmem>>, vector<1x16xf32>,
      %get3A_943 = arith.constant 10 : i32
      %get3A_944 = arith.index_cast %get3A_943 : i32 to index
      %get3A_945 = arith.constant 48 : index
      %get3A_946 = tpu.vector_load %arg7[%get3A_944, %get3A_945] {strides = array<i32>} : memref<16x128xf32, #tpu.memory_space<vmem>>, vector<1x16xf32>,
      %get3A_947 = vector.shape_cast %get3A_946 : vector<1x16xf32> to vector<16xf32>
      %swap3A_948 = arith.constant 83 : i32
      %swap3A_949 = arith.index_cast %swap3A_948 : i32 to index
      %swap3A_950 = arith.constant 0 : index
      %swap3A_951 = tpu.vector_load %arg8[%swap3A_949, %swap3A_950] {strides = array<i32>} : memref<128x128xf32, #tpu.memory_space<vmem>>, vector<1x16xf32>,
      %swap3A_952 = vector.shape_cast %swap3A_951 : vector<1x16xf32> to vector<16xf32>
      %swap3A_953 = vector.shape_cast %get3A_947 : vector<16xf32> to vector<1x16xf32>
      tpu.vector_store %arg8[%swap3A_949, %swap3A_950], %swap3A_953 {strides = array<i32>} : memref<128x128xf32, #tpu.memory_space<vmem>>, vector<1x16xf32>,
      %get3A_954 = arith.constant 10 : i32
      %get3A_955 = arith.index_cast %get3A_954 : i32 to index
      %get3A_956 = arith.constant 64 : index
      %get3A_957 = tpu.vector_load %arg7[%get3A_955, %get3A_956] {strides = array<i32>} : memref<16x128xf32, #tpu.memory_space<vmem>>, vector<1x16xf32>,
      %get3A_958 = vector.shape_cast %get3A_957 : vector<1x16xf32> to vector<16xf32>
      %swap3A_959 = arith.constant 84 : i32
      %swap3A_960 = arith.index_cast %swap3A_959 : i32 to index
      %swap3A_961 = arith.constant 0 : index
      %swap3A_962 = tpu.vector_load %arg8[%swap3A_960, %swap3A_961] {strides = array<i32>} : memref<128x128xf32, #tpu.memory_space<vmem>>, vector<1x16xf32>,
      %swap3A_963 = vector.shape_cast %swap3A_962 : vector<1x16xf32> to vector<16xf32>
      %swap3A_964 = vector.shape_cast %get3A_958 : vector<16xf32> to vector<1x16xf32>
      tpu.vector_store %arg8[%swap3A_960, %swap3A_961], %swap3A_964 {strides = array<i32>} : memref<128x128xf32, #tpu.memory_space<vmem>>, vector<1x16xf32>,
      %get3A_965 = arith.constant 10 : i32
      %get3A_966 = arith.index_cast %get3A_965 : i32 to index
      %get3A_967 = arith.constant 80 : index
      %get3A_968 = tpu.vector_load %arg7[%get3A_966, %get3A_967] {strides = array<i32>} : memref<16x128xf32, #tpu.memory_space<vmem>>, vector<1x16xf32>,
      %get3A_969 = vector.shape_cast %get3A_968 : vector<1x16xf32> to vector<16xf32>
      %swap3A_970 = arith.constant 85 : i32
      %swap3A_971 = arith.index_cast %swap3A_970 : i32 to index
      %swap3A_972 = arith.constant 0 : index
      %swap3A_973 = tpu.vector_load %arg8[%swap3A_971, %swap3A_972] {strides = array<i32>} : memref<128x128xf32, #tpu.memory_space<vmem>>, vector<1x16xf32>,
      %swap3A_974 = vector.shape_cast %swap3A_973 : vector<1x16xf32> to vector<16xf32>
      %swap3A_975 = vector.shape_cast %get3A_969 : vector<16xf32> to vector<1x16xf32>
      tpu.vector_store %arg8[%swap3A_971, %swap3A_972], %swap3A_975 {strides = array<i32>} : memref<128x128xf32, #tpu.memory_space<vmem>>, vector<1x16xf32>,
      %get3A_976 = arith.constant 10 : i32
      %get3A_977 = arith.index_cast %get3A_976 : i32 to index
      %get3A_978 = arith.constant 96 : index
      %get3A_979 = tpu.vector_load %arg7[%get3A_977, %get3A_978] {strides = array<i32>} : memref<16x128xf32, #tpu.memory_space<vmem>>, vector<1x16xf32>,
      %get3A_980 = vector.shape_cast %get3A_979 : vector<1x16xf32> to vector<16xf32>
      %swap3A_981 = arith.constant 86 : i32
      %swap3A_982 = arith.index_cast %swap3A_981 : i32 to index
      %swap3A_983 = arith.constant 0 : index
      %swap3A_984 = tpu.vector_load %arg8[%swap3A_982, %swap3A_983] {strides = array<i32>} : memref<128x128xf32, #tpu.memory_space<vmem>>, vector<1x16xf32>,
      %swap3A_985 = vector.shape_cast %swap3A_984 : vector<1x16xf32> to vector<16xf32>
      %swap3A_986 = vector.shape_cast %get3A_980 : vector<16xf32> to vector<1x16xf32>
      tpu.vector_store %arg8[%swap3A_982, %swap3A_983], %swap3A_986 {strides = array<i32>} : memref<128x128xf32, #tpu.memory_space<vmem>>, vector<1x16xf32>,
      %get3A_987 = arith.constant 10 : i32
      %get3A_988 = arith.index_cast %get3A_987 : i32 to index
      %get3A_989 = arith.constant 112 : index
      %get3A_990 = tpu.vector_load %arg7[%get3A_988, %get3A_989] {strides = array<i32>} : memref<16x128xf32, #tpu.memory_space<vmem>>, vector<1x16xf32>,
      %get3A_991 = vector.shape_cast %get3A_990 : vector<1x16xf32> to vector<16xf32>
      %swap3A_992 = arith.constant 87 : i32
      %swap3A_993 = arith.index_cast %swap3A_992 : i32 to index
      %swap3A_994 = arith.constant 0 : index
      %swap3A_995 = tpu.vector_load %arg8[%swap3A_993, %swap3A_994] {strides = array<i32>} : memref<128x128xf32, #tpu.memory_space<vmem>>, vector<1x16xf32>,
      %swap3A_996 = vector.shape_cast %swap3A_995 : vector<1x16xf32> to vector<16xf32>
      %swap3A_997 = vector.shape_cast %get3A_991 : vector<16xf32> to vector<1x16xf32>
      tpu.vector_store %arg8[%swap3A_993, %swap3A_994], %swap3A_997 {strides = array<i32>} : memref<128x128xf32, #tpu.memory_space<vmem>>, vector<1x16xf32>,
      %get3A_998 = arith.constant 11 : i32
      %get3A_999 = arith.index_cast %get3A_998 : i32 to index
      %get3A_1000 = arith.constant 0 : index
      %get3A_1001 = tpu.vector_load %arg7[%get3A_999, %get3A_1000] {strides = array<i32>} : memref<16x128xf32, #tpu.memory_space<vmem>>, vector<1x16xf32>,
      %get3A_1002 = vector.shape_cast %get3A_1001 : vector<1x16xf32> to vector<16xf32>
      %swap3A_1003 = arith.constant 88 : i32
      %swap3A_1004 = arith.index_cast %swap3A_1003 : i32 to index
      %swap3A_1005 = arith.constant 0 : index
      %swap3A_1006 = tpu.vector_load %arg8[%swap3A_1004, %swap3A_1005] {strides = array<i32>} : memref<128x128xf32, #tpu.memory_space<vmem>>, vector<1x16xf32>,
      %swap3A_1007 = vector.shape_cast %swap3A_1006 : vector<1x16xf32> to vector<16xf32>
      %swap3A_1008 = vector.shape_cast %get3A_1002 : vector<16xf32> to vector<1x16xf32>
      tpu.vector_store %arg8[%swap3A_1004, %swap3A_1005], %swap3A_1008 {strides = array<i32>} : memref<128x128xf32, #tpu.memory_space<vmem>>, vector<1x16xf32>,
      %get3A_1009 = arith.constant 11 : i32
      %get3A_1010 = arith.index_cast %get3A_1009 : i32 to index
      %get3A_1011 = arith.constant 16 : index
      %get3A_1012 = tpu.vector_load %arg7[%get3A_1010, %get3A_1011] {strides = array<i32>} : memref<16x128xf32, #tpu.memory_space<vmem>>, vector<1x16xf32>,
      %get3A_1013 = vector.shape_cast %get3A_1012 : vector<1x16xf32> to vector<16xf32>
      %swap3A_1014 = arith.constant 89 : i32
      %swap3A_1015 = arith.index_cast %swap3A_1014 : i32 to index
      %swap3A_1016 = arith.constant 0 : index
      %swap3A_1017 = tpu.vector_load %arg8[%swap3A_1015, %swap3A_1016] {strides = array<i32>} : memref<128x128xf32, #tpu.memory_space<vmem>>, vector<1x16xf32>,
      %swap3A_1018 = vector.shape_cast %swap3A_1017 : vector<1x16xf32> to vector<16xf32>
      %swap3A_1019 = vector.shape_cast %get3A_1013 : vector<16xf32> to vector<1x16xf32>
      tpu.vector_store %arg8[%swap3A_1015, %swap3A_1016], %swap3A_1019 {strides = array<i32>} : memref<128x128xf32, #tpu.memory_space<vmem>>, vector<1x16xf32>,
      %get3A_1020 = arith.constant 11 : i32
      %get3A_1021 = arith.index_cast %get3A_1020 : i32 to index
      %get3A_1022 = arith.constant 32 : index
      %get3A_1023 = tpu.vector_load %arg7[%get3A_1021, %get3A_1022] {strides = array<i32>} : memref<16x128xf32, #tpu.memory_space<vmem>>, vector<1x16xf32>,
      %get3A_1024 = vector.shape_cast %get3A_1023 : vector<1x16xf32> to vector<16xf32>
      %swap3A_1025 = arith.constant 90 : i32
      %swap3A_1026 = arith.index_cast %swap3A_1025 : i32 to index
      %swap3A_1027 = arith.constant 0 : index
      %swap3A_1028 = tpu.vector_load %arg8[%swap3A_1026, %swap3A_1027] {strides = array<i32>} : memref<128x128xf32, #tpu.memory_space<vmem>>, vector<1x16xf32>,
      %swap3A_1029 = vector.shape_cast %swap3A_1028 : vector<1x16xf32> to vector<16xf32>
      %swap3A_1030 = vector.shape_cast %get3A_1024 : vector<16xf32> to vector<1x16xf32>
      tpu.vector_store %arg8[%swap3A_1026, %swap3A_1027], %swap3A_1030 {strides = array<i32>} : memref<128x128xf32, #tpu.memory_space<vmem>>, vector<1x16xf32>,
      %get3A_1031 = arith.constant 11 : i32
      %get3A_1032 = arith.index_cast %get3A_1031 : i32 to index
      %get3A_1033 = arith.constant 48 : index
      %get3A_1034 = tpu.vector_load %arg7[%get3A_1032, %get3A_1033] {strides = array<i32>} : memref<16x128xf32, #tpu.memory_space<vmem>>, vector<1x16xf32>,
      %get3A_1035 = vector.shape_cast %get3A_1034 : vector<1x16xf32> to vector<16xf32>
      %swap3A_1036 = arith.constant 91 : i32
      %swap3A_1037 = arith.index_cast %swap3A_1036 : i32 to index
      %swap3A_1038 = arith.constant 0 : index
      %swap3A_1039 = tpu.vector_load %arg8[%swap3A_1037, %swap3A_1038] {strides = array<i32>} : memref<128x128xf32, #tpu.memory_space<vmem>>, vector<1x16xf32>,
      %swap3A_1040 = vector.shape_cast %swap3A_1039 : vector<1x16xf32> to vector<16xf32>
      %swap3A_1041 = vector.shape_cast %get3A_1035 : vector<16xf32> to vector<1x16xf32>
      tpu.vector_store %arg8[%swap3A_1037, %swap3A_1038], %swap3A_1041 {strides = array<i32>} : memref<128x128xf32, #tpu.memory_space<vmem>>, vector<1x16xf32>,
      %get3A_1042 = arith.constant 11 : i32
      %get3A_1043 = arith.index_cast %get3A_1042 : i32 to index
      %get3A_1044 = arith.constant 64 : index
      %get3A_1045 = tpu.vector_load %arg7[%get3A_1043, %get3A_1044] {strides = array<i32>} : memref<16x128xf32, #tpu.memory_space<vmem>>, vector<1x16xf32>,
      %get3A_1046 = vector.shape_cast %get3A_1045 : vector<1x16xf32> to vector<16xf32>
      %swap3A_1047 = arith.constant 92 : i32
      %swap3A_1048 = arith.index_cast %swap3A_1047 : i32 to index
      %swap3A_1049 = arith.constant 0 : index
      %swap3A_1050 = tpu.vector_load %arg8[%swap3A_1048, %swap3A_1049] {strides = array<i32>} : memref<128x128xf32, #tpu.memory_space<vmem>>, vector<1x16xf32>,
      %swap3A_1051 = vector.shape_cast %swap3A_1050 : vector<1x16xf32> to vector<16xf32>
      %swap3A_1052 = vector.shape_cast %get3A_1046 : vector<16xf32> to vector<1x16xf32>
      tpu.vector_store %arg8[%swap3A_1048, %swap3A_1049], %swap3A_1052 {strides = array<i32>} : memref<128x128xf32, #tpu.memory_space<vmem>>, vector<1x16xf32>,
      %get3A_1053 = arith.constant 11 : i32
      %get3A_1054 = arith.index_cast %get3A_1053 : i32 to index
      %get3A_1055 = arith.constant 80 : index
      %get3A_1056 = tpu.vector_load %arg7[%get3A_1054, %get3A_1055] {strides = array<i32>} : memref<16x128xf32, #tpu.memory_space<vmem>>, vector<1x16xf32>,
      %get3A_1057 = vector.shape_cast %get3A_1056 : vector<1x16xf32> to vector<16xf32>
      %swap3A_1058 = arith.constant 93 : i32
      %swap3A_1059 = arith.index_cast %swap3A_1058 : i32 to index
      %swap3A_1060 = arith.constant 0 : index
      %swap3A_1061 = tpu.vector_load %arg8[%swap3A_1059, %swap3A_1060] {strides = array<i32>} : memref<128x128xf32, #tpu.memory_space<vmem>>, vector<1x16xf32>,
      %swap3A_1062 = vector.shape_cast %swap3A_1061 : vector<1x16xf32> to vector<16xf32>
      %swap3A_1063 = vector.shape_cast %get3A_1057 : vector<16xf32> to vector<1x16xf32>
      tpu.vector_store %arg8[%swap3A_1059, %swap3A_1060], %swap3A_1063 {strides = array<i32>} : memref<128x128xf32, #tpu.memory_space<vmem>>, vector<1x16xf32>,
      %get3A_1064 = arith.constant 11 : i32
      %get3A_1065 = arith.index_cast %get3A_1064 : i32 to index
      %get3A_1066 = arith.constant 96 : index
      %get3A_1067 = tpu.vector_load %arg7[%get3A_1065, %get3A_1066] {strides = array<i32>} : memref<16x128xf32, #tpu.memory_space<vmem>>, vector<1x16xf32>,
      %get3A_1068 = vector.shape_cast %get3A_1067 : vector<1x16xf32> to vector<16xf32>
      %swap3A_1069 = arith.constant 94 : i32
      %swap3A_1070 = arith.index_cast %swap3A_1069 : i32 to index
      %swap3A_1071 = arith.constant 0 : index
      %swap3A_1072 = tpu.vector_load %arg8[%swap3A_1070, %swap3A_1071] {strides = array<i32>} : memref<128x128xf32, #tpu.memory_space<vmem>>, vector<1x16xf32>,
      %swap3A_1073 = vector.shape_cast %swap3A_1072 : vector<1x16xf32> to vector<16xf32>
      %swap3A_1074 = vector.shape_cast %get3A_1068 : vector<16xf32> to vector<1x16xf32>
      tpu.vector_store %arg8[%swap3A_1070, %swap3A_1071], %swap3A_1074 {strides = array<i32>} : memref<128x128xf32, #tpu.memory_space<vmem>>, vector<1x16xf32>,
      %get3A_1075 = arith.constant 11 : i32
      %get3A_1076 = arith.index_cast %get3A_1075 : i32 to index
      %get3A_1077 = arith.constant 112 : index
      %get3A_1078 = tpu.vector_load %arg7[%get3A_1076, %get3A_1077] {strides = array<i32>} : memref<16x128xf32, #tpu.memory_space<vmem>>, vector<1x16xf32>,
      %get3A_1079 = vector.shape_cast %get3A_1078 : vector<1x16xf32> to vector<16xf32>
      %swap3A_1080 = arith.constant 95 : i32
      %swap3A_1081 = arith.index_cast %swap3A_1080 : i32 to index
      %swap3A_1082 = arith.constant 0 : index
      %swap3A_1083 = tpu.vector_load %arg8[%swap3A_1081, %swap3A_1082] {strides = array<i32>} : memref<128x128xf32, #tpu.memory_space<vmem>>, vector<1x16xf32>,
      %swap3A_1084 = vector.shape_cast %swap3A_1083 : vector<1x16xf32> to vector<16xf32>
      %swap3A_1085 = vector.shape_cast %get3A_1079 : vector<16xf32> to vector<1x16xf32>
      tpu.vector_store %arg8[%swap3A_1081, %swap3A_1082], %swap3A_1085 {strides = array<i32>} : memref<128x128xf32, #tpu.memory_space<vmem>>, vector<1x16xf32>,
      %get3A_1086 = arith.constant 12 : i32
      %get3A_1087 = arith.index_cast %get3A_1086 : i32 to index
      %get3A_1088 = arith.constant 0 : index
      %get3A_1089 = tpu.vector_load %arg7[%get3A_1087, %get3A_1088] {strides = array<i32>} : memref<16x128xf32, #tpu.memory_space<vmem>>, vector<1x16xf32>,
      %get3A_1090 = vector.shape_cast %get3A_1089 : vector<1x16xf32> to vector<16xf32>
      %swap3A_1091 = arith.constant 96 : i32
      %swap3A_1092 = arith.index_cast %swap3A_1091 : i32 to index
      %swap3A_1093 = arith.constant 0 : index
      %swap3A_1094 = tpu.vector_load %arg8[%swap3A_1092, %swap3A_1093] {strides = array<i32>} : memref<128x128xf32, #tpu.memory_space<vmem>>, vector<1x16xf32>,
      %swap3A_1095 = vector.shape_cast %swap3A_1094 : vector<1x16xf32> to vector<16xf32>
      %swap3A_1096 = vector.shape_cast %get3A_1090 : vector<16xf32> to vector<1x16xf32>
      tpu.vector_store %arg8[%swap3A_1092, %swap3A_1093], %swap3A_1096 {strides = array<i32>} : memref<128x128xf32, #tpu.memory_space<vmem>>, vector<1x16xf32>,
      %get3A_1097 = arith.constant 12 : i32
      %get3A_1098 = arith.index_cast %get3A_1097 : i32 to index
      %get3A_1099 = arith.constant 16 : index
      %get3A_1100 = tpu.vector_load %arg7[%get3A_1098, %get3A_1099] {strides = array<i32>} : memref<16x128xf32, #tpu.memory_space<vmem>>, vector<1x16xf32>,
      %get3A_1101 = vector.shape_cast %get3A_1100 : vector<1x16xf32> to vector<16xf32>
      %swap3A_1102 = arith.constant 97 : i32
      %swap3A_1103 = arith.index_cast %swap3A_1102 : i32 to index
      %swap3A_1104 = arith.constant 0 : index
      %swap3A_1105 = tpu.vector_load %arg8[%swap3A_1103, %swap3A_1104] {strides = array<i32>} : memref<128x128xf32, #tpu.memory_space<vmem>>, vector<1x16xf32>,
      %swap3A_1106 = vector.shape_cast %swap3A_1105 : vector<1x16xf32> to vector<16xf32>
      %swap3A_1107 = vector.shape_cast %get3A_1101 : vector<16xf32> to vector<1x16xf32>
      tpu.vector_store %arg8[%swap3A_1103, %swap3A_1104], %swap3A_1107 {strides = array<i32>} : memref<128x128xf32, #tpu.memory_space<vmem>>, vector<1x16xf32>,
      %get3A_1108 = arith.constant 12 : i32
      %get3A_1109 = arith.index_cast %get3A_1108 : i32 to index
      %get3A_1110 = arith.constant 32 : index
      %get3A_1111 = tpu.vector_load %arg7[%get3A_1109, %get3A_1110] {strides = array<i32>} : memref<16x128xf32, #tpu.memory_space<vmem>>, vector<1x16xf32>,
      %get3A_1112 = vector.shape_cast %get3A_1111 : vector<1x16xf32> to vector<16xf32>
      %swap3A_1113 = arith.constant 98 : i32
      %swap3A_1114 = arith.index_cast %swap3A_1113 : i32 to index
      %swap3A_1115 = arith.constant 0 : index
      %swap3A_1116 = tpu.vector_load %arg8[%swap3A_1114, %swap3A_1115] {strides = array<i32>} : memref<128x128xf32, #tpu.memory_space<vmem>>, vector<1x16xf32>,
      %swap3A_1117 = vector.shape_cast %swap3A_1116 : vector<1x16xf32> to vector<16xf32>
      %swap3A_1118 = vector.shape_cast %get3A_1112 : vector<16xf32> to vector<1x16xf32>
      tpu.vector_store %arg8[%swap3A_1114, %swap3A_1115], %swap3A_1118 {strides = array<i32>} : memref<128x128xf32, #tpu.memory_space<vmem>>, vector<1x16xf32>,
      %get3A_1119 = arith.constant 12 : i32
      %get3A_1120 = arith.index_cast %get3A_1119 : i32 to index
      %get3A_1121 = arith.constant 48 : index
      %get3A_1122 = tpu.vector_load %arg7[%get3A_1120, %get3A_1121] {strides = array<i32>} : memref<16x128xf32, #tpu.memory_space<vmem>>, vector<1x16xf32>,
      %get3A_1123 = vector.shape_cast %get3A_1122 : vector<1x16xf32> to vector<16xf32>
      %swap3A_1124 = arith.constant 99 : i32
      %swap3A_1125 = arith.index_cast %swap3A_1124 : i32 to index
      %swap3A_1126 = arith.constant 0 : index
      %swap3A_1127 = tpu.vector_load %arg8[%swap3A_1125, %swap3A_1126] {strides = array<i32>} : memref<128x128xf32, #tpu.memory_space<vmem>>, vector<1x16xf32>,
      %swap3A_1128 = vector.shape_cast %swap3A_1127 : vector<1x16xf32> to vector<16xf32>
      %swap3A_1129 = vector.shape_cast %get3A_1123 : vector<16xf32> to vector<1x16xf32>
      tpu.vector_store %arg8[%swap3A_1125, %swap3A_1126], %swap3A_1129 {strides = array<i32>} : memref<128x128xf32, #tpu.memory_space<vmem>>, vector<1x16xf32>,
      %get3A_1130 = arith.constant 12 : i32
      %get3A_1131 = arith.index_cast %get3A_1130 : i32 to index
      %get3A_1132 = arith.constant 64 : index
      %get3A_1133 = tpu.vector_load %arg7[%get3A_1131, %get3A_1132] {strides = array<i32>} : memref<16x128xf32, #tpu.memory_space<vmem>>, vector<1x16xf32>,
      %get3A_1134 = vector.shape_cast %get3A_1133 : vector<1x16xf32> to vector<16xf32>
      %swap3A_1135 = arith.constant 100 : i32
      %swap3A_1136 = arith.index_cast %swap3A_1135 : i32 to index
      %swap3A_1137 = arith.constant 0 : index
      %swap3A_1138 = tpu.vector_load %arg8[%swap3A_1136, %swap3A_1137] {strides = array<i32>} : memref<128x128xf32, #tpu.memory_space<vmem>>, vector<1x16xf32>,
      %swap3A_1139 = vector.shape_cast %swap3A_1138 : vector<1x16xf32> to vector<16xf32>
      %swap3A_1140 = vector.shape_cast %get3A_1134 : vector<16xf32> to vector<1x16xf32>
      tpu.vector_store %arg8[%swap3A_1136, %swap3A_1137], %swap3A_1140 {strides = array<i32>} : memref<128x128xf32, #tpu.memory_space<vmem>>, vector<1x16xf32>,
      %get3A_1141 = arith.constant 12 : i32
      %get3A_1142 = arith.index_cast %get3A_1141 : i32 to index
      %get3A_1143 = arith.constant 80 : index
      %get3A_1144 = tpu.vector_load %arg7[%get3A_1142, %get3A_1143] {strides = array<i32>} : memref<16x128xf32, #tpu.memory_space<vmem>>, vector<1x16xf32>,
      %get3A_1145 = vector.shape_cast %get3A_1144 : vector<1x16xf32> to vector<16xf32>
      %swap3A_1146 = arith.constant 101 : i32
      %swap3A_1147 = arith.index_cast %swap3A_1146 : i32 to index
      %swap3A_1148 = arith.constant 0 : index
      %swap3A_1149 = tpu.vector_load %arg8[%swap3A_1147, %swap3A_1148] {strides = array<i32>} : memref<128x128xf32, #tpu.memory_space<vmem>>, vector<1x16xf32>,
      %swap3A_1150 = vector.shape_cast %swap3A_1149 : vector<1x16xf32> to vector<16xf32>
      %swap3A_1151 = vector.shape_cast %get3A_1145 : vector<16xf32> to vector<1x16xf32>
      tpu.vector_store %arg8[%swap3A_1147, %swap3A_1148], %swap3A_1151 {strides = array<i32>} : memref<128x128xf32, #tpu.memory_space<vmem>>, vector<1x16xf32>,
      %get3A_1152 = arith.constant 12 : i32
      %get3A_1153 = arith.index_cast %get3A_1152 : i32 to index
      %get3A_1154 = arith.constant 96 : index
      %get3A_1155 = tpu.vector_load %arg7[%get3A_1153, %get3A_1154] {strides = array<i32>} : memref<16x128xf32, #tpu.memory_space<vmem>>, vector<1x16xf32>,
      %get3A_1156 = vector.shape_cast %get3A_1155 : vector<1x16xf32> to vector<16xf32>
      %swap3A_1157 = arith.constant 102 : i32
      %swap3A_1158 = arith.index_cast %swap3A_1157 : i32 to index
      %swap3A_1159 = arith.constant 0 : index
      %swap3A_1160 = tpu.vector_load %arg8[%swap3A_1158, %swap3A_1159] {strides = array<i32>} : memref<128x128xf32, #tpu.memory_space<vmem>>, vector<1x16xf32>,
      %swap3A_1161 = vector.shape_cast %swap3A_1160 : vector<1x16xf32> to vector<16xf32>
      %swap3A_1162 = vector.shape_cast %get3A_1156 : vector<16xf32> to vector<1x16xf32>
      tpu.vector_store %arg8[%swap3A_1158, %swap3A_1159], %swap3A_1162 {strides = array<i32>} : memref<128x128xf32, #tpu.memory_space<vmem>>, vector<1x16xf32>,
      %get3A_1163 = arith.constant 12 : i32
      %get3A_1164 = arith.index_cast %get3A_1163 : i32 to index
      %get3A_1165 = arith.constant 112 : index
      %get3A_1166 = tpu.vector_load %arg7[%get3A_1164, %get3A_1165] {strides = array<i32>} : memref<16x128xf32, #tpu.memory_space<vmem>>, vector<1x16xf32>,
      %get3A_1167 = vector.shape_cast %get3A_1166 : vector<1x16xf32> to vector<16xf32>
      %swap3A_1168 = arith.constant 103 : i32
      %swap3A_1169 = arith.index_cast %swap3A_1168 : i32 to index
      %swap3A_1170 = arith.constant 0 : index
      %swap3A_1171 = tpu.vector_load %arg8[%swap3A_1169, %swap3A_1170] {strides = array<i32>} : memref<128x128xf32, #tpu.memory_space<vmem>>, vector<1x16xf32>,
      %swap3A_1172 = vector.shape_cast %swap3A_1171 : vector<1x16xf32> to vector<16xf32>
      %swap3A_1173 = vector.shape_cast %get3A_1167 : vector<16xf32> to vector<1x16xf32>
      tpu.vector_store %arg8[%swap3A_1169, %swap3A_1170], %swap3A_1173 {strides = array<i32>} : memref<128x128xf32, #tpu.memory_space<vmem>>, vector<1x16xf32>,
      %get3A_1174 = arith.constant 13 : i32
      %get3A_1175 = arith.index_cast %get3A_1174 : i32 to index
      %get3A_1176 = arith.constant 0 : index
      %get3A_1177 = tpu.vector_load %arg7[%get3A_1175, %get3A_1176] {strides = array<i32>} : memref<16x128xf32, #tpu.memory_space<vmem>>, vector<1x16xf32>,
      %get3A_1178 = vector.shape_cast %get3A_1177 : vector<1x16xf32> to vector<16xf32>
      %swap3A_1179 = arith.constant 104 : i32
      %swap3A_1180 = arith.index_cast %swap3A_1179 : i32 to index
      %swap3A_1181 = arith.constant 0 : index
      %swap3A_1182 = tpu.vector_load %arg8[%swap3A_1180, %swap3A_1181] {strides = array<i32>} : memref<128x128xf32, #tpu.memory_space<vmem>>, vector<1x16xf32>,
      %swap3A_1183 = vector.shape_cast %swap3A_1182 : vector<1x16xf32> to vector<16xf32>
      %swap3A_1184 = vector.shape_cast %get3A_1178 : vector<16xf32> to vector<1x16xf32>
      tpu.vector_store %arg8[%swap3A_1180, %swap3A_1181], %swap3A_1184 {strides = array<i32>} : memref<128x128xf32, #tpu.memory_space<vmem>>, vector<1x16xf32>,
      %get3A_1185 = arith.constant 13 : i32
      %get3A_1186 = arith.index_cast %get3A_1185 : i32 to index
      %get3A_1187 = arith.constant 16 : index
      %get3A_1188 = tpu.vector_load %arg7[%get3A_1186, %get3A_1187] {strides = array<i32>} : memref<16x128xf32, #tpu.memory_space<vmem>>, vector<1x16xf32>,
      %get3A_1189 = vector.shape_cast %get3A_1188 : vector<1x16xf32> to vector<16xf32>
      %swap3A_1190 = arith.constant 105 : i32
      %swap3A_1191 = arith.index_cast %swap3A_1190 : i32 to index
      %swap3A_1192 = arith.constant 0 : index
      %swap3A_1193 = tpu.vector_load %arg8[%swap3A_1191, %swap3A_1192] {strides = array<i32>} : memref<128x128xf32, #tpu.memory_space<vmem>>, vector<1x16xf32>,
      %swap3A_1194 = vector.shape_cast %swap3A_1193 : vector<1x16xf32> to vector<16xf32>
      %swap3A_1195 = vector.shape_cast %get3A_1189 : vector<16xf32> to vector<1x16xf32>
      tpu.vector_store %arg8[%swap3A_1191, %swap3A_1192], %swap3A_1195 {strides = array<i32>} : memref<128x128xf32, #tpu.memory_space<vmem>>, vector<1x16xf32>,
      %get3A_1196 = arith.constant 13 : i32
      %get3A_1197 = arith.index_cast %get3A_1196 : i32 to index
      %get3A_1198 = arith.constant 32 : index
      %get3A_1199 = tpu.vector_load %arg7[%get3A_1197, %get3A_1198] {strides = array<i32>} : memref<16x128xf32, #tpu.memory_space<vmem>>, vector<1x16xf32>,
      %get3A_1200 = vector.shape_cast %get3A_1199 : vector<1x16xf32> to vector<16xf32>
      %swap3A_1201 = arith.constant 106 : i32
      %swap3A_1202 = arith.index_cast %swap3A_1201 : i32 to index
      %swap3A_1203 = arith.constant 0 : index
      %swap3A_1204 = tpu.vector_load %arg8[%swap3A_1202, %swap3A_1203] {strides = array<i32>} : memref<128x128xf32, #tpu.memory_space<vmem>>, vector<1x16xf32>,
      %swap3A_1205 = vector.shape_cast %swap3A_1204 : vector<1x16xf32> to vector<16xf32>
      %swap3A_1206 = vector.shape_cast %get3A_1200 : vector<16xf32> to vector<1x16xf32>
      tpu.vector_store %arg8[%swap3A_1202, %swap3A_1203], %swap3A_1206 {strides = array<i32>} : memref<128x128xf32, #tpu.memory_space<vmem>>, vector<1x16xf32>,
      %get3A_1207 = arith.constant 13 : i32
      %get3A_1208 = arith.index_cast %get3A_1207 : i32 to index
      %get3A_1209 = arith.constant 48 : index
      %get3A_1210 = tpu.vector_load %arg7[%get3A_1208, %get3A_1209] {strides = array<i32>} : memref<16x128xf32, #tpu.memory_space<vmem>>, vector<1x16xf32>,
      %get3A_1211 = vector.shape_cast %get3A_1210 : vector<1x16xf32> to vector<16xf32>
      %swap3A_1212 = arith.constant 107 : i32
      %swap3A_1213 = arith.index_cast %swap3A_1212 : i32 to index
      %swap3A_1214 = arith.constant 0 : index
      %swap3A_1215 = tpu.vector_load %arg8[%swap3A_1213, %swap3A_1214] {strides = array<i32>} : memref<128x128xf32, #tpu.memory_space<vmem>>, vector<1x16xf32>,
      %swap3A_1216 = vector.shape_cast %swap3A_1215 : vector<1x16xf32> to vector<16xf32>
      %swap3A_1217 = vector.shape_cast %get3A_1211 : vector<16xf32> to vector<1x16xf32>
      tpu.vector_store %arg8[%swap3A_1213, %swap3A_1214], %swap3A_1217 {strides = array<i32>} : memref<128x128xf32, #tpu.memory_space<vmem>>, vector<1x16xf32>,
      %get3A_1218 = arith.constant 13 : i32
      %get3A_1219 = arith.index_cast %get3A_1218 : i32 to index
      %get3A_1220 = arith.constant 64 : index
      %get3A_1221 = tpu.vector_load %arg7[%get3A_1219, %get3A_1220] {strides = array<i32>} : memref<16x128xf32, #tpu.memory_space<vmem>>, vector<1x16xf32>,
      %get3A_1222 = vector.shape_cast %get3A_1221 : vector<1x16xf32> to vector<16xf32>
      %swap3A_1223 = arith.constant 108 : i32
      %swap3A_1224 = arith.index_cast %swap3A_1223 : i32 to index
      %swap3A_1225 = arith.constant 0 : index
      %swap3A_1226 = tpu.vector_load %arg8[%swap3A_1224, %swap3A_1225] {strides = array<i32>} : memref<128x128xf32, #tpu.memory_space<vmem>>, vector<1x16xf32>,
      %swap3A_1227 = vector.shape_cast %swap3A_1226 : vector<1x16xf32> to vector<16xf32>
      %swap3A_1228 = vector.shape_cast %get3A_1222 : vector<16xf32> to vector<1x16xf32>
      tpu.vector_store %arg8[%swap3A_1224, %swap3A_1225], %swap3A_1228 {strides = array<i32>} : memref<128x128xf32, #tpu.memory_space<vmem>>, vector<1x16xf32>,
      %get3A_1229 = arith.constant 13 : i32
      %get3A_1230 = arith.index_cast %get3A_1229 : i32 to index
      %get3A_1231 = arith.constant 80 : index
      %get3A_1232 = tpu.vector_load %arg7[%get3A_1230, %get3A_1231] {strides = array<i32>} : memref<16x128xf32, #tpu.memory_space<vmem>>, vector<1x16xf32>,
      %get3A_1233 = vector.shape_cast %get3A_1232 : vector<1x16xf32> to vector<16xf32>
      %swap3A_1234 = arith.constant 109 : i32
      %swap3A_1235 = arith.index_cast %swap3A_1234 : i32 to index
      %swap3A_1236 = arith.constant 0 : index
      %swap3A_1237 = tpu.vector_load %arg8[%swap3A_1235, %swap3A_1236] {strides = array<i32>} : memref<128x128xf32, #tpu.memory_space<vmem>>, vector<1x16xf32>,
      %swap3A_1238 = vector.shape_cast %swap3A_1237 : vector<1x16xf32> to vector<16xf32>
      %swap3A_1239 = vector.shape_cast %get3A_1233 : vector<16xf32> to vector<1x16xf32>
      tpu.vector_store %arg8[%swap3A_1235, %swap3A_1236], %swap3A_1239 {strides = array<i32>} : memref<128x128xf32, #tpu.memory_space<vmem>>, vector<1x16xf32>,
      %get3A_1240 = arith.constant 13 : i32
      %get3A_1241 = arith.index_cast %get3A_1240 : i32 to index
      %get3A_1242 = arith.constant 96 : index
      %get3A_1243 = tpu.vector_load %arg7[%get3A_1241, %get3A_1242] {strides = array<i32>} : memref<16x128xf32, #tpu.memory_space<vmem>>, vector<1x16xf32>,
      %get3A_1244 = vector.shape_cast %get3A_1243 : vector<1x16xf32> to vector<16xf32>
      %swap3A_1245 = arith.constant 110 : i32
      %swap3A_1246 = arith.index_cast %swap3A_1245 : i32 to index
      %swap3A_1247 = arith.constant 0 : index
      %swap3A_1248 = tpu.vector_load %arg8[%swap3A_1246, %swap3A_1247] {strides = array<i32>} : memref<128x128xf32, #tpu.memory_space<vmem>>, vector<1x16xf32>,
      %swap3A_1249 = vector.shape_cast %swap3A_1248 : vector<1x16xf32> to vector<16xf32>
      %swap3A_1250 = vector.shape_cast %get3A_1244 : vector<16xf32> to vector<1x16xf32>
      tpu.vector_store %arg8[%swap3A_1246, %swap3A_1247], %swap3A_1250 {strides = array<i32>} : memref<128x128xf32, #tpu.memory_space<vmem>>, vector<1x16xf32>,
      %get3A_1251 = arith.constant 13 : i32
      %get3A_1252 = arith.index_cast %get3A_1251 : i32 to index
      %get3A_1253 = arith.constant 112 : index
      %get3A_1254 = tpu.vector_load %arg7[%get3A_1252, %get3A_1253] {strides = array<i32>} : memref<16x128xf32, #tpu.memory_space<vmem>>, vector<1x16xf32>,
      %get3A_1255 = vector.shape_cast %get3A_1254 : vector<1x16xf32> to vector<16xf32>
      %swap3A_1256 = arith.constant 111 : i32
      %swap3A_1257 = arith.index_cast %swap3A_1256 : i32 to index
      %swap3A_1258 = arith.constant 0 : index
      %swap3A_1259 = tpu.vector_load %arg8[%swap3A_1257, %swap3A_1258] {strides = array<i32>} : memref<128x128xf32, #tpu.memory_space<vmem>>, vector<1x16xf32>,
      %swap3A_1260 = vector.shape_cast %swap3A_1259 : vector<1x16xf32> to vector<16xf32>
      %swap3A_1261 = vector.shape_cast %get3A_1255 : vector<16xf32> to vector<1x16xf32>
      tpu.vector_store %arg8[%swap3A_1257, %swap3A_1258], %swap3A_1261 {strides = array<i32>} : memref<128x128xf32, #tpu.memory_space<vmem>>, vector<1x16xf32>,
      %get3A_1262 = arith.constant 14 : i32
      %get3A_1263 = arith.index_cast %get3A_1262 : i32 to index
      %get3A_1264 = arith.constant 0 : index
      %get3A_1265 = tpu.vector_load %arg7[%get3A_1263, %get3A_1264] {strides = array<i32>} : memref<16x128xf32, #tpu.memory_space<vmem>>, vector<1x16xf32>,
      %get3A_1266 = vector.shape_cast %get3A_1265 : vector<1x16xf32> to vector<16xf32>
      %swap3A_1267 = arith.constant 112 : i32
      %swap3A_1268 = arith.index_cast %swap3A_1267 : i32 to index
      %swap3A_1269 = arith.constant 0 : index
      %swap3A_1270 = tpu.vector_load %arg8[%swap3A_1268, %swap3A_1269] {strides = array<i32>} : memref<128x128xf32, #tpu.memory_space<vmem>>, vector<1x16xf32>,
      %swap3A_1271 = vector.shape_cast %swap3A_1270 : vector<1x16xf32> to vector<16xf32>
      %swap3A_1272 = vector.shape_cast %get3A_1266 : vector<16xf32> to vector<1x16xf32>
      tpu.vector_store %arg8[%swap3A_1268, %swap3A_1269], %swap3A_1272 {strides = array<i32>} : memref<128x128xf32, #tpu.memory_space<vmem>>, vector<1x16xf32>,
      %get3A_1273 = arith.constant 14 : i32
      %get3A_1274 = arith.index_cast %get3A_1273 : i32 to index
      %get3A_1275 = arith.constant 16 : index
      %get3A_1276 = tpu.vector_load %arg7[%get3A_1274, %get3A_1275] {strides = array<i32>} : memref<16x128xf32, #tpu.memory_space<vmem>>, vector<1x16xf32>,
      %get3A_1277 = vector.shape_cast %get3A_1276 : vector<1x16xf32> to vector<16xf32>
      %swap3A_1278 = arith.constant 113 : i32
      %swap3A_1279 = arith.index_cast %swap3A_1278 : i32 to index
      %swap3A_1280 = arith.constant 0 : index
      %swap3A_1281 = tpu.vector_load %arg8[%swap3A_1279, %swap3A_1280] {strides = array<i32>} : memref<128x128xf32, #tpu.memory_space<vmem>>, vector<1x16xf32>,
      %swap3A_1282 = vector.shape_cast %swap3A_1281 : vector<1x16xf32> to vector<16xf32>
      %swap3A_1283 = vector.shape_cast %get3A_1277 : vector<16xf32> to vector<1x16xf32>
      tpu.vector_store %arg8[%swap3A_1279, %swap3A_1280], %swap3A_1283 {strides = array<i32>} : memref<128x128xf32, #tpu.memory_space<vmem>>, vector<1x16xf32>,
      %get3A_1284 = arith.constant 14 : i32
      %get3A_1285 = arith.index_cast %get3A_1284 : i32 to index
      %get3A_1286 = arith.constant 32 : index
      %get3A_1287 = tpu.vector_load %arg7[%get3A_1285, %get3A_1286] {strides = array<i32>} : memref<16x128xf32, #tpu.memory_space<vmem>>, vector<1x16xf32>,
      %get3A_1288 = vector.shape_cast %get3A_1287 : vector<1x16xf32> to vector<16xf32>
      %swap3A_1289 = arith.constant 114 : i32
      %swap3A_1290 = arith.index_cast %swap3A_1289 : i32 to index
      %swap3A_1291 = arith.constant 0 : index
      %swap3A_1292 = tpu.vector_load %arg8[%swap3A_1290, %swap3A_1291] {strides = array<i32>} : memref<128x128xf32, #tpu.memory_space<vmem>>, vector<1x16xf32>,
      %swap3A_1293 = vector.shape_cast %swap3A_1292 : vector<1x16xf32> to vector<16xf32>
      %swap3A_1294 = vector.shape_cast %get3A_1288 : vector<16xf32> to vector<1x16xf32>
      tpu.vector_store %arg8[%swap3A_1290, %swap3A_1291], %swap3A_1294 {strides = array<i32>} : memref<128x128xf32, #tpu.memory_space<vmem>>, vector<1x16xf32>,
      %get3A_1295 = arith.constant 14 : i32
      %get3A_1296 = arith.index_cast %get3A_1295 : i32 to index
      %get3A_1297 = arith.constant 48 : index
      %get3A_1298 = tpu.vector_load %arg7[%get3A_1296, %get3A_1297] {strides = array<i32>} : memref<16x128xf32, #tpu.memory_space<vmem>>, vector<1x16xf32>,
      %get3A_1299 = vector.shape_cast %get3A_1298 : vector<1x16xf32> to vector<16xf32>
      %swap3A_1300 = arith.constant 115 : i32
      %swap3A_1301 = arith.index_cast %swap3A_1300 : i32 to index
      %swap3A_1302 = arith.constant 0 : index
      %swap3A_1303 = tpu.vector_load %arg8[%swap3A_1301, %swap3A_1302] {strides = array<i32>} : memref<128x128xf32, #tpu.memory_space<vmem>>, vector<1x16xf32>,
      %swap3A_1304 = vector.shape_cast %swap3A_1303 : vector<1x16xf32> to vector<16xf32>
      %swap3A_1305 = vector.shape_cast %get3A_1299 : vector<16xf32> to vector<1x16xf32>
      tpu.vector_store %arg8[%swap3A_1301, %swap3A_1302], %swap3A_1305 {strides = array<i32>} : memref<128x128xf32, #tpu.memory_space<vmem>>, vector<1x16xf32>,
      %get3A_1306 = arith.constant 14 : i32
      %get3A_1307 = arith.index_cast %get3A_1306 : i32 to index
      %get3A_1308 = arith.constant 64 : index
      %get3A_1309 = tpu.vector_load %arg7[%get3A_1307, %get3A_1308] {strides = array<i32>} : memref<16x128xf32, #tpu.memory_space<vmem>>, vector<1x16xf32>,
      %get3A_1310 = vector.shape_cast %get3A_1309 : vector<1x16xf32> to vector<16xf32>
      %swap3A_1311 = arith.constant 116 : i32
      %swap3A_1312 = arith.index_cast %swap3A_1311 : i32 to index
      %swap3A_1313 = arith.constant 0 : index
      %swap3A_1314 = tpu.vector_load %arg8[%swap3A_1312, %swap3A_1313] {strides = array<i32>} : memref<128x128xf32, #tpu.memory_space<vmem>>, vector<1x16xf32>,
      %swap3A_1315 = vector.shape_cast %swap3A_1314 : vector<1x16xf32> to vector<16xf32>
      %swap3A_1316 = vector.shape_cast %get3A_1310 : vector<16xf32> to vector<1x16xf32>
      tpu.vector_store %arg8[%swap3A_1312, %swap3A_1313], %swap3A_1316 {strides = array<i32>} : memref<128x128xf32, #tpu.memory_space<vmem>>, vector<1x16xf32>,
      %get3A_1317 = arith.constant 14 : i32
      %get3A_1318 = arith.index_cast %get3A_1317 : i32 to index
      %get3A_1319 = arith.constant 80 : index
      %get3A_1320 = tpu.vector_load %arg7[%get3A_1318, %get3A_1319] {strides = array<i32>} : memref<16x128xf32, #tpu.memory_space<vmem>>, vector<1x16xf32>,
      %get3A_1321 = vector.shape_cast %get3A_1320 : vector<1x16xf32> to vector<16xf32>
      %swap3A_1322 = arith.constant 117 : i32
      %swap3A_1323 = arith.index_cast %swap3A_1322 : i32 to index
      %swap3A_1324 = arith.constant 0 : index
      %swap3A_1325 = tpu.vector_load %arg8[%swap3A_1323, %swap3A_1324] {strides = array<i32>} : memref<128x128xf32, #tpu.memory_space<vmem>>, vector<1x16xf32>,
      %swap3A_1326 = vector.shape_cast %swap3A_1325 : vector<1x16xf32> to vector<16xf32>
      %swap3A_1327 = vector.shape_cast %get3A_1321 : vector<16xf32> to vector<1x16xf32>
      tpu.vector_store %arg8[%swap3A_1323, %swap3A_1324], %swap3A_1327 {strides = array<i32>} : memref<128x128xf32, #tpu.memory_space<vmem>>, vector<1x16xf32>,
      %get3A_1328 = arith.constant 14 : i32
      %get3A_1329 = arith.index_cast %get3A_1328 : i32 to index
      %get3A_1330 = arith.constant 96 : index
      %get3A_1331 = tpu.vector_load %arg7[%get3A_1329, %get3A_1330] {strides = array<i32>} : memref<16x128xf32, #tpu.memory_space<vmem>>, vector<1x16xf32>,
      %get3A_1332 = vector.shape_cast %get3A_1331 : vector<1x16xf32> to vector<16xf32>
      %swap3A_1333 = arith.constant 118 : i32
      %swap3A_1334 = arith.index_cast %swap3A_1333 : i32 to index
      %swap3A_1335 = arith.constant 0 : index
      %swap3A_1336 = tpu.vector_load %arg8[%swap3A_1334, %swap3A_1335] {strides = array<i32>} : memref<128x128xf32, #tpu.memory_space<vmem>>, vector<1x16xf32>,
      %swap3A_1337 = vector.shape_cast %swap3A_1336 : vector<1x16xf32> to vector<16xf32>
      %swap3A_1338 = vector.shape_cast %get3A_1332 : vector<16xf32> to vector<1x16xf32>
      tpu.vector_store %arg8[%swap3A_1334, %swap3A_1335], %swap3A_1338 {strides = array<i32>} : memref<128x128xf32, #tpu.memory_space<vmem>>, vector<1x16xf32>,
      %get3A_1339 = arith.constant 14 : i32
      %get3A_1340 = arith.index_cast %get3A_1339 : i32 to index
      %get3A_1341 = arith.constant 112 : index
      %get3A_1342 = tpu.vector_load %arg7[%get3A_1340, %get3A_1341] {strides = array<i32>} : memref<16x128xf32, #tpu.memory_space<vmem>>, vector<1x16xf32>,
      %get3A_1343 = vector.shape_cast %get3A_1342 : vector<1x16xf32> to vector<16xf32>
      %swap3A_1344 = arith.constant 119 : i32
      %swap3A_1345 = arith.index_cast %swap3A_1344 : i32 to index
      %swap3A_1346 = arith.constant 0 : index
      %swap3A_1347 = tpu.vector_load %arg8[%swap3A_1345, %swap3A_1346] {strides = array<i32>} : memref<128x128xf32, #tpu.memory_space<vmem>>, vector<1x16xf32>,
      %swap3A_1348 = vector.shape_cast %swap3A_1347 : vector<1x16xf32> to vector<16xf32>
      %swap3A_1349 = vector.shape_cast %get3A_1343 : vector<16xf32> to vector<1x16xf32>
      tpu.vector_store %arg8[%swap3A_1345, %swap3A_1346], %swap3A_1349 {strides = array<i32>} : memref<128x128xf32, #tpu.memory_space<vmem>>, vector<1x16xf32>,
      %get3A_1350 = arith.constant 15 : i32
      %get3A_1351 = arith.index_cast %get3A_1350 : i32 to index
      %get3A_1352 = arith.constant 0 : index
      %get3A_1353 = tpu.vector_load %arg7[%get3A_1351, %get3A_1352] {strides = array<i32>} : memref<16x128xf32, #tpu.memory_space<vmem>>, vector<1x16xf32>,
      %get3A_1354 = vector.shape_cast %get3A_1353 : vector<1x16xf32> to vector<16xf32>
      %swap3A_1355 = arith.constant 120 : i32
      %swap3A_1356 = arith.index_cast %swap3A_1355 : i32 to index
      %swap3A_1357 = arith.constant 0 : index
      %swap3A_1358 = tpu.vector_load %arg8[%swap3A_1356, %swap3A_1357] {strides = array<i32>} : memref<128x128xf32, #tpu.memory_space<vmem>>, vector<1x16xf32>,
      %swap3A_1359 = vector.shape_cast %swap3A_1358 : vector<1x16xf32> to vector<16xf32>
      %swap3A_1360 = vector.shape_cast %get3A_1354 : vector<16xf32> to vector<1x16xf32>
      tpu.vector_store %arg8[%swap3A_1356, %swap3A_1357], %swap3A_1360 {strides = array<i32>} : memref<128x128xf32, #tpu.memory_space<vmem>>, vector<1x16xf32>,
      %get3A_1361 = arith.constant 15 : i32
      %get3A_1362 = arith.index_cast %get3A_1361 : i32 to index
      %get3A_1363 = arith.constant 16 : index
      %get3A_1364 = tpu.vector_load %arg7[%get3A_1362, %get3A_1363] {strides = array<i32>} : memref<16x128xf32, #tpu.memory_space<vmem>>, vector<1x16xf32>,
      %get3A_1365 = vector.shape_cast %get3A_1364 : vector<1x16xf32> to vector<16xf32>
      %swap3A_1366 = arith.constant 121 : i32
      %swap3A_1367 = arith.index_cast %swap3A_1366 : i32 to index
      %swap3A_1368 = arith.constant 0 : index
      %swap3A_1369 = tpu.vector_load %arg8[%swap3A_1367, %swap3A_1368] {strides = array<i32>} : memref<128x128xf32, #tpu.memory_space<vmem>>, vector<1x16xf32>,
      %swap3A_1370 = vector.shape_cast %swap3A_1369 : vector<1x16xf32> to vector<16xf32>
      %swap3A_1371 = vector.shape_cast %get3A_1365 : vector<16xf32> to vector<1x16xf32>
      tpu.vector_store %arg8[%swap3A_1367, %swap3A_1368], %swap3A_1371 {strides = array<i32>} : memref<128x128xf32, #tpu.memory_space<vmem>>, vector<1x16xf32>,
      %get3A_1372 = arith.constant 15 : i32
      %get3A_1373 = arith.index_cast %get3A_1372 : i32 to index
      %get3A_1374 = arith.constant 32 : index
      %get3A_1375 = tpu.vector_load %arg7[%get3A_1373, %get3A_1374] {strides = array<i32>} : memref<16x128xf32, #tpu.memory_space<vmem>>, vector<1x16xf32>,
      %get3A_1376 = vector.shape_cast %get3A_1375 : vector<1x16xf32> to vector<16xf32>
      %swap3A_1377 = arith.constant 122 : i32
      %swap3A_1378 = arith.index_cast %swap3A_1377 : i32 to index
      %swap3A_1379 = arith.constant 0 : index
      %swap3A_1380 = tpu.vector_load %arg8[%swap3A_1378, %swap3A_1379] {strides = array<i32>} : memref<128x128xf32, #tpu.memory_space<vmem>>, vector<1x16xf32>,
      %swap3A_1381 = vector.shape_cast %swap3A_1380 : vector<1x16xf32> to vector<16xf32>
      %swap3A_1382 = vector.shape_cast %get3A_1376 : vector<16xf32> to vector<1x16xf32>
      tpu.vector_store %arg8[%swap3A_1378, %swap3A_1379], %swap3A_1382 {strides = array<i32>} : memref<128x128xf32, #tpu.memory_space<vmem>>, vector<1x16xf32>,
      %get3A_1383 = arith.constant 15 : i32
      %get3A_1384 = arith.index_cast %get3A_1383 : i32 to index
      %get3A_1385 = arith.constant 48 : index
      %get3A_1386 = tpu.vector_load %arg7[%get3A_1384, %get3A_1385] {strides = array<i32>} : memref<16x128xf32, #tpu.memory_space<vmem>>, vector<1x16xf32>,
      %get3A_1387 = vector.shape_cast %get3A_1386 : vector<1x16xf32> to vector<16xf32>
      %swap3A_1388 = arith.constant 123 : i32
      %swap3A_1389 = arith.index_cast %swap3A_1388 : i32 to index
      %swap3A_1390 = arith.constant 0 : index
      %swap3A_1391 = tpu.vector_load %arg8[%swap3A_1389, %swap3A_1390] {strides = array<i32>} : memref<128x128xf32, #tpu.memory_space<vmem>>, vector<1x16xf32>,
      %swap3A_1392 = vector.shape_cast %swap3A_1391 : vector<1x16xf32> to vector<16xf32>
      %swap3A_1393 = vector.shape_cast %get3A_1387 : vector<16xf32> to vector<1x16xf32>
      tpu.vector_store %arg8[%swap3A_1389, %swap3A_1390], %swap3A_1393 {strides = array<i32>} : memref<128x128xf32, #tpu.memory_space<vmem>>, vector<1x16xf32>,
      %get3A_1394 = arith.constant 15 : i32
      %get3A_1395 = arith.index_cast %get3A_1394 : i32 to index
      %get3A_1396 = arith.constant 64 : index
      %get3A_1397 = tpu.vector_load %arg7[%get3A_1395, %get3A_1396] {strides = array<i32>} : memref<16x128xf32, #tpu.memory_space<vmem>>, vector<1x16xf32>,
      %get3A_1398 = vector.shape_cast %get3A_1397 : vector<1x16xf32> to vector<16xf32>
      %swap3A_1399 = arith.constant 124 : i32
      %swap3A_1400 = arith.index_cast %swap3A_1399 : i32 to index
      %swap3A_1401 = arith.constant 0 : index
      %swap3A_1402 = tpu.vector_load %arg8[%swap3A_1400, %swap3A_1401] {strides = array<i32>} : memref<128x128xf32, #tpu.memory_space<vmem>>, vector<1x16xf32>,
      %swap3A_1403 = vector.shape_cast %swap3A_1402 : vector<1x16xf32> to vector<16xf32>
      %swap3A_1404 = vector.shape_cast %get3A_1398 : vector<16xf32> to vector<1x16xf32>
      tpu.vector_store %arg8[%swap3A_1400, %swap3A_1401], %swap3A_1404 {strides = array<i32>} : memref<128x128xf32, #tpu.memory_space<vmem>>, vector<1x16xf32>,
      %get3A_1405 = arith.constant 15 : i32
      %get3A_1406 = arith.index_cast %get3A_1405 : i32 to index
      %get3A_1407 = arith.constant 80 : index
      %get3A_1408 = tpu.vector_load %arg7[%get3A_1406, %get3A_1407] {strides = array<i32>} : memref<16x128xf32, #tpu.memory_space<vmem>>, vector<1x16xf32>,
      %get3A_1409 = vector.shape_cast %get3A_1408 : vector<1x16xf32> to vector<16xf32>
      %swap3A_1410 = arith.constant 125 : i32
      %swap3A_1411 = arith.index_cast %swap3A_1410 : i32 to index
      %swap3A_1412 = arith.constant 0 : index
      %swap3A_1413 = tpu.vector_load %arg8[%swap3A_1411, %swap3A_1412] {strides = array<i32>} : memref<128x128xf32, #tpu.memory_space<vmem>>, vector<1x16xf32>,
      %swap3A_1414 = vector.shape_cast %swap3A_1413 : vector<1x16xf32> to vector<16xf32>
      %swap3A_1415 = vector.shape_cast %get3A_1409 : vector<16xf32> to vector<1x16xf32>
      tpu.vector_store %arg8[%swap3A_1411, %swap3A_1412], %swap3A_1415 {strides = array<i32>} : memref<128x128xf32, #tpu.memory_space<vmem>>, vector<1x16xf32>,
      %get3A_1416 = arith.constant 15 : i32
      %get3A_1417 = arith.index_cast %get3A_1416 : i32 to index
      %get3A_1418 = arith.constant 96 : index
      %get3A_1419 = tpu.vector_load %arg7[%get3A_1417, %get3A_1418] {strides = array<i32>} : memref<16x128xf32, #tpu.memory_space<vmem>>, vector<1x16xf32>,
      %get3A_1420 = vector.shape_cast %get3A_1419 : vector<1x16xf32> to vector<16xf32>
      %swap3A_1421 = arith.constant 126 : i32
      %swap3A_1422 = arith.index_cast %swap3A_1421 : i32 to index
      %swap3A_1423 = arith.constant 0 : index
      %swap3A_1424 = tpu.vector_load %arg8[%swap3A_1422, %swap3A_1423] {strides = array<i32>} : memref<128x128xf32, #tpu.memory_space<vmem>>, vector<1x16xf32>,
      %swap3A_1425 = vector.shape_cast %swap3A_1424 : vector<1x16xf32> to vector<16xf32>
      %swap3A_1426 = vector.shape_cast %get3A_1420 : vector<16xf32> to vector<1x16xf32>
      tpu.vector_store %arg8[%swap3A_1422, %swap3A_1423], %swap3A_1426 {strides = array<i32>} : memref<128x128xf32, #tpu.memory_space<vmem>>, vector<1x16xf32>,
      %get3A_1427 = arith.constant 15 : i32
      %get3A_1428 = arith.index_cast %get3A_1427 : i32 to index
      %get3A_1429 = arith.constant 112 : index
      %get3A_1430 = tpu.vector_load %arg7[%get3A_1428, %get3A_1429] {strides = array<i32>} : memref<16x128xf32, #tpu.memory_space<vmem>>, vector<1x16xf32>,
      %get3A_1431 = vector.shape_cast %get3A_1430 : vector<1x16xf32> to vector<16xf32>
      %swap3A_1432 = arith.constant 127 : i32
      %swap3A_1433 = arith.index_cast %swap3A_1432 : i32 to index
      %swap3A_1434 = arith.constant 0 : index
      %swap3A_1435 = tpu.vector_load %arg8[%swap3A_1433, %swap3A_1434] {strides = array<i32>} : memref<128x128xf32, #tpu.memory_space<vmem>>, vector<1x16xf32>,
      %swap3A_1436 = vector.shape_cast %swap3A_1435 : vector<1x16xf32> to vector<16xf32>
      %swap3A_1437 = vector.shape_cast %get3A_1431 : vector<16xf32> to vector<1x16xf32>
      tpu.vector_store %arg8[%swap3A_1433, %swap3A_1434], %swap3A_1437 {strides = array<i32>} : memref<128x128xf32, #tpu.memory_space<vmem>>, vector<1x16xf32>,
      "tpu.region"() ({
        %run_scoped3A = tpu.sem_alloc : memref<!tpu.dma_semaphore, #tpu.memory_space<semaphore_mem>>
        %dma_start3A = arith.constant 0 : i32
        %dma_start3A_1438 = arith.constant 0 : i32
        %dma_start3A_1439 = tpu.memref_slice %arg9[%dma_start3A, %dma_start3A_1438] : memref<10112x128xf32, #tpu.memory_space<vmem_shared>> -> memref<10112x128xf32, #tpu.memory_space<vmem_shared>>
        tpu.enqueue_indirect_dma source(%arg8 : memref<128x128xf32, #tpu.memory_space<vmem>>) target(%dma_start3A_1439 : memref<10112x128xf32, #tpu.memory_space<vmem_shared>>) offsets(%arg6 : memref<128xi32, #tpu.memory_space<vmem>>) semaphore(%run_scoped3A : memref<!tpu.dma_semaphore, #tpu.memory_space<semaphore_mem>>) {add = true}
        %dma_wait3A = arith.constant 0 : i32
        %dma_wait3A_1440 = arith.constant 0 : i32
        %dma_wait3A_1441 = tpu.memref_slice %arg9[%dma_wait3A, %dma_wait3A_1440] : memref<10112x128xf32, #tpu.memory_space<vmem_shared>> -> memref<10112x128xf32, #tpu.memory_space<vmem_shared>>
        tpu.wait_indirect_dma semaphore(%run_scoped3A : memref<!tpu.dma_semaphore, #tpu.memory_space<semaphore_mem>>) src(%arg8 : memref<128x128xf32, #tpu.memory_space<vmem>>) dst(%dma_wait3A_1441 : memref<10112x128xf32, #tpu.memory_space<vmem_shared>>)
        tpu.yield
      }) : () -> ()
    }
    %scan3A_15 = arith.constant 79 : i32
    %barrier3A_16 = arith.constant 0 : index
    tpu.barrier barrier_id(%barrier3A_16)
    %mul3A_17 = arith.constant 632 : i32
    %mul3A_18 = arith.muli %arg1, %mul3A_17 : i32
    %mul3A_19 = arith.constant 632 : i32
    %mul3A_20 = arith.muli %arg1, %mul3A_19 : i32
    "tpu.region"() ({
      %run_scoped3A = tpu.sem_alloc : memref<!tpu.dma_semaphore, #tpu.memory_space<semaphore_mem>>
      %dma_start3A = arith.constant 0 : i32
      %dma_start3A_21 = tpu.memref_slice %arg5[%arg0, %mul3A_20, %dma_start3A] : memref<2x10112x128xf32, #tpu.memory_space<hbm>> -> memref<1x632x128xf32, #tpu.memory_space<hbm>>
      %dma_start3A_22 = tpu.memref_squeeze %dma_start3A_21 : memref<1x632x128xf32, #tpu.memory_space<hbm>> -> memref<632x128xf32, #tpu.memory_space<hbm>>
      %dma_start3A_23 = arith.constant 0 : i32
      %dma_start3A_24 = tpu.memref_slice %arg9[%mul3A_18, %dma_start3A_23] : memref<10112x128xf32, #tpu.memory_space<vmem_shared>> -> memref<632x128xf32, #tpu.memory_space<vmem_shared>>
      tpu.enqueue_dma source(%dma_start3A_24 : memref<632x128xf32, #tpu.memory_space<vmem_shared>>) target(%dma_start3A_22 : memref<632x128xf32, #tpu.memory_space<hbm>>) target_semaphore(%run_scoped3A : memref<!tpu.dma_semaphore, #tpu.memory_space<semaphore_mem>>)
      %dma_wait3A = arith.constant 0 : i32
      %dma_wait3A_25 = tpu.memref_slice %arg5[%arg0, %mul3A_20, %dma_wait3A] : memref<2x10112x128xf32, #tpu.memory_space<hbm>> -> memref<1x632x128xf32, #tpu.memory_space<hbm>>
      %dma_wait3A_26 = tpu.memref_squeeze %dma_wait3A_25 : memref<1x632x128xf32, #tpu.memory_space<hbm>> -> memref<632x128xf32, #tpu.memory_space<hbm>>
      %dma_wait3A_27 = arith.constant 0 : i32
      %dma_wait3A_28 = tpu.memref_slice %arg9[%mul3A_18, %dma_wait3A_27] : memref<10112x128xf32, #tpu.memory_space<vmem_shared>> -> memref<632x128xf32, #tpu.memory_space<vmem_shared>>
      tpu.wait_dma2 semaphore(%run_scoped3A : memref<!tpu.dma_semaphore, #tpu.memory_space<semaphore_mem>>) src(%dma_wait3A_28 : memref<632x128xf32, #tpu.memory_space<vmem_shared>>) dst(%dma_wait3A_26 : memref<632x128xf32, #tpu.memory_space<hbm>>)
      tpu.yield
    }) : () -> ()
    return
  }
}

module attributes {stable_mosaic.version = 14 : i64} {
  func.func @body(%arg0: i32, %arg1: memref<400x128xf32, #tpu.memory_space<vmem>>, %arg2: memref<2x400x128xf32, #tpu.memory_space<vmem>>, %arg3: memref<2x400x128xf32, #tpu.memory_space<vmem>>, %arg4: memref<1x1x400xi32, #tpu.memory_space<vmem>>, %arg5: memref<128x128xf32, #tpu.memory_space<vmem>>, %arg6: memref<128x128xf32, #tpu.memory_space<vmem>>, %arg7: memref<128x128xf32, #tpu.memory_space<vmem>>, %arg8: memref<1x128xf32, #tpu.memory_space<vmem>>, %arg9: memref<1x128xf32, #tpu.memory_space<vmem>>, %arg10: memref<1x128xf32, #tpu.memory_space<vmem>>, %arg11: memref<64x128xf32, #tpu.memory_space<vmem>>, %arg12: memref<64x128xf32, #tpu.memory_space<vmem>>, %arg13: memref<64x1xf32, #tpu.memory_space<vmem>>) attributes {dimension_semantics = [#tpu.dimension_semantics<arbitrary>], iteration_bounds = array<i64: 25>, scalar_prefetch = 0 : i64, scratch_operands = 2 : i64, tpu.core_type = #tpu.core_type<tc>, window_params = [{transform_indices = @transform_0, window_bounds = array<i64: 400, 128>}, {transform_indices = @transform_1, window_bounds = array<i64: 2, 400, 128>}, {transform_indices = @transform_2, window_bounds = array<i64: 2, 400, 128>}, {transform_indices = @transform_3, window_bounds = array<i64: 1, 1, 400>}, {pipeline_mode = #tpu.pipeline_mode<synchronous>, transform_indices = @transform_4, window_bounds = array<i64: 128, 128>}, {pipeline_mode = #tpu.pipeline_mode<synchronous>, transform_indices = @transform_5, window_bounds = array<i64: 128, 128>}, {pipeline_mode = #tpu.pipeline_mode<synchronous>, transform_indices = @transform_6, window_bounds = array<i64: 128, 128>}, {pipeline_mode = #tpu.pipeline_mode<synchronous>, transform_indices = @transform_7, window_bounds = array<i64: 1, 128>}, {pipeline_mode = #tpu.pipeline_mode<synchronous>, transform_indices = @transform_8, window_bounds = array<i64: 1, 128>}, {pipeline_mode = #tpu.pipeline_mode<synchronous>, transform_indices = @transform_9, window_bounds = array<i64: 1, 128>}, {pipeline_mode = #tpu.pipeline_mode<synchronous>, transform_indices = @transform_10, window_bounds = array<i64: 64, 128>}]} {
    %eq3A = arith.constant 0 : i32
    %eq3A_0 = arith.cmpi eq, %arg0, %eq3A : i32
    %convert_element_type3A = arith.extui %eq3A_0 : i1 to i32
    %cond3A = arith.constant 0 : i32
    %cond3A_1 = arith.cmpi ne, %convert_element_type3A, %cond3A : i32
    scf.if %cond3A_1 {
      %broadcast_in_dim3A_102 = arith.constant 0.000000e+00 : f32
      %broadcast_in_dim3A_103 = vector.broadcast %broadcast_in_dim3A_102 : f32 to vector<64x128xf32>
      %swap3A_104 = arith.constant 0 : index
      %swap3A_105 = arith.constant 0 : index
      %swap3A_106 = vector.load %arg12[%swap3A_104, %swap3A_105] : memref<64x128xf32, #tpu.memory_space<vmem>>, vector<64x128xf32>
      tpu.vector_store %arg12[%swap3A_104, %swap3A_105], %broadcast_in_dim3A_103 {strides = array<i32>} : memref<64x128xf32, #tpu.memory_space<vmem>>, vector<64x128xf32>,
      %broadcast_in_dim3A_107 = arith.constant 0.000000e+00 : f32
      %broadcast_in_dim3A_108 = vector.broadcast %broadcast_in_dim3A_107 : f32 to vector<64x1xf32>
      %swap3A_109 = arith.constant 0 : index
      %swap3A_110 = arith.constant 0 : index
      %swap3A_111 = vector.load %arg13[%swap3A_109, %swap3A_110] : memref<64x1xf32, #tpu.memory_space<vmem>>, vector<64x1xf32>
      tpu.vector_store %arg13[%swap3A_109, %swap3A_110], %broadcast_in_dim3A_108 {strides = array<i32>} : memref<64x1xf32, #tpu.memory_space<vmem>>, vector<64x1xf32>,
    } else {
    }
    %get3A = arith.constant 0 : index
    %get3A_2 = arith.constant 0 : index
    %get3A_3 = vector.load %arg1[%get3A, %get3A_2] : memref<400x128xf32, #tpu.memory_space<vmem>>, vector<400x128xf32>
    %get3A_4 = arith.constant 0 : index
    %get3A_5 = arith.constant 0 : index
    %get3A_6 = arith.constant 0 : index
    %get3A_7 = vector.load %arg2[%get3A_4, %get3A_5, %get3A_6] : memref<2x400x128xf32, #tpu.memory_space<vmem>>, vector<1x400x128xf32>
    %get3A_8 = vector.shape_cast %get3A_7 : vector<1x400x128xf32> to vector<400x128xf32>
    %get3A_9 = arith.constant 1 : index
    %get3A_10 = arith.constant 0 : index
    %get3A_11 = arith.constant 0 : index
    %get3A_12 = vector.load %arg2[%get3A_9, %get3A_10, %get3A_11] : memref<2x400x128xf32, #tpu.memory_space<vmem>>, vector<1x400x128xf32>
    %get3A_13 = vector.shape_cast %get3A_12 : vector<1x400x128xf32> to vector<400x128xf32>
    %add3A = arith.addf %get3A_8, %get3A_13 : vector<400x128xf32>
    %get3A_14 = arith.constant 0 : index
    %get3A_15 = arith.constant 0 : index
    %get3A_16 = arith.constant 0 : index
    %get3A_17 = vector.load %arg3[%get3A_14, %get3A_15, %get3A_16] : memref<2x400x128xf32, #tpu.memory_space<vmem>>, vector<1x400x128xf32>
    %get3A_18 = vector.shape_cast %get3A_17 : vector<1x400x128xf32> to vector<400x128xf32>
    %get3A_19 = arith.constant 1 : index
    %get3A_20 = arith.constant 0 : index
    %get3A_21 = arith.constant 0 : index
    %get3A_22 = vector.load %arg3[%get3A_19, %get3A_20, %get3A_21] : memref<2x400x128xf32, #tpu.memory_space<vmem>>, vector<1x400x128xf32>
    %get3A_23 = vector.shape_cast %get3A_22 : vector<1x400x128xf32> to vector<400x128xf32>
    %add3A_24 = arith.addf %get3A_18, %get3A_23 : vector<400x128xf32>
    %get3A_25 = arith.constant 0 : index
    %get3A_26 = arith.constant 0 : index
    %get3A_27 = vector.load %arg5[%get3A_25, %get3A_26] : memref<128x128xf32, #tpu.memory_space<vmem>>, vector<128x128xf32>
    %dot_general3A = arith.constant dense<0.000000e+00> : vector<400x128xf32>
    %dot_general3A_28 = tpu.matmul %get3A_3, %get3A_27, %dot_general3A {dimension_numbers = #tpu.dot_dimension_numbers<[1], [0], [0], [1], [0, 0, 1, 1], [], []>, transpose_lhs_hint = false} : vector<400x128xf32>, vector<128x128xf32>, vector<400x128xf32> -> vector<400x128xf32>
    %convert_element_type3A_29 = arith.truncf %add3A : vector<400x128xf32> to vector<400x128xbf16>
    %convert_element_type3A_30 = arith.extf %convert_element_type3A_29 : vector<400x128xbf16> to vector<400x128xf32>
    %get3A_31 = arith.constant 0 : index
    %get3A_32 = arith.constant 0 : index
    %get3A_33 = vector.load %arg6[%get3A_31, %get3A_32] : memref<128x128xf32, #tpu.memory_space<vmem>>, vector<128x128xf32>
    %dot_general3A_34 = arith.constant dense<0.000000e+00> : vector<400x128xf32>
    %dot_general3A_35 = tpu.matmul %convert_element_type3A_30, %get3A_33, %dot_general3A_34 {dimension_numbers = #tpu.dot_dimension_numbers<[1], [0], [0], [1], [0, 0, 1, 1], [], []>, transpose_lhs_hint = false} : vector<400x128xf32>, vector<128x128xf32>, vector<400x128xf32> -> vector<400x128xf32>
    %sub3A = arith.subf %add3A, %convert_element_type3A_30 : vector<400x128xf32>
    %get3A_36 = arith.constant 0 : index
    %get3A_37 = arith.constant 0 : index
    %get3A_38 = vector.load %arg6[%get3A_36, %get3A_37] : memref<128x128xf32, #tpu.memory_space<vmem>>, vector<128x128xf32>
    %dot_general3A_39 = arith.constant dense<0.000000e+00> : vector<400x128xf32>
    %dot_general3A_40 = tpu.matmul %sub3A, %get3A_38, %dot_general3A_39 {dimension_numbers = #tpu.dot_dimension_numbers<[1], [0], [0], [1], [0, 0, 1, 1], [], []>, transpose_lhs_hint = false} : vector<400x128xf32>, vector<128x128xf32>, vector<400x128xf32> -> vector<400x128xf32>
    %add3A_41 = arith.addf %dot_general3A_35, %dot_general3A_40 : vector<400x128xf32>
    %add3A_42 = arith.addf %dot_general3A_28, %add3A_41 : vector<400x128xf32>
    %convert_element_type3A_43 = arith.truncf %add3A_24 : vector<400x128xf32> to vector<400x128xbf16>
    %convert_element_type3A_44 = arith.extf %convert_element_type3A_43 : vector<400x128xbf16> to vector<400x128xf32>
    %get3A_45 = arith.constant 0 : index
    %get3A_46 = arith.constant 0 : index
    %get3A_47 = vector.load %arg7[%get3A_45, %get3A_46] : memref<128x128xf32, #tpu.memory_space<vmem>>, vector<128x128xf32>
    %dot_general3A_48 = arith.constant dense<0.000000e+00> : vector<400x128xf32>
    %dot_general3A_49 = tpu.matmul %convert_element_type3A_44, %get3A_47, %dot_general3A_48 {dimension_numbers = #tpu.dot_dimension_numbers<[1], [0], [0], [1], [0, 0, 1, 1], [], []>, transpose_lhs_hint = false} : vector<400x128xf32>, vector<128x128xf32>, vector<400x128xf32> -> vector<400x128xf32>
    %sub3A_50 = arith.subf %add3A_24, %convert_element_type3A_44 : vector<400x128xf32>
    %get3A_51 = arith.constant 0 : index
    %get3A_52 = arith.constant 0 : index
    %get3A_53 = vector.load %arg7[%get3A_51, %get3A_52] : memref<128x128xf32, #tpu.memory_space<vmem>>, vector<128x128xf32>
    %dot_general3A_54 = arith.constant dense<0.000000e+00> : vector<400x128xf32>
    %dot_general3A_55 = tpu.matmul %sub3A_50, %get3A_53, %dot_general3A_54 {dimension_numbers = #tpu.dot_dimension_numbers<[1], [0], [0], [1], [0, 0, 1, 1], [], []>, transpose_lhs_hint = false} : vector<400x128xf32>, vector<128x128xf32>, vector<400x128xf32> -> vector<400x128xf32>
    %add3A_56 = arith.addf %dot_general3A_49, %dot_general3A_55 : vector<400x128xf32>
    %add3A_57 = arith.addf %add3A_42, %add3A_56 : vector<400x128xf32>
    %get3A_58 = arith.constant 0 : index
    %get3A_59 = arith.constant 0 : index
    %get3A_60 = vector.load %arg8[%get3A_58, %get3A_59] : memref<1x128xf32, #tpu.memory_space<vmem>>, vector<1x128xf32>
    %add3A_61 = vector.broadcast %get3A_60 : vector<1x128xf32> to vector<400x128xf32>
    %add3A_62 = arith.addf %add3A_57, %add3A_61 : vector<400x128xf32>
    %gt3A = arith.constant 0.000000e+00 : f32
    %gt3A_63 = vector.broadcast %gt3A : f32 to vector<400x128xf32>
    %gt3A_64 = arith.cmpf ogt, %add3A_62, %gt3A_63 : vector<400x128xf32>
    %mul3A = arith.constant 0.00999999977 : f32
    %mul3A_65 = vector.broadcast %mul3A : f32 to vector<400x128xf32>
    %mul3A_66 = arith.mulf %mul3A_65, %add3A_62 : vector<400x128xf32>
    %select_n3A = arith.select %gt3A_64, %add3A_62, %mul3A_66 : vector<400x128xi1>, vector<400x128xf32>
    %get3A_67 = arith.constant 0 : index
    %get3A_68 = arith.constant 0 : index
    %get3A_69 = arith.constant 0 : index
    %get3A_70 = vector.load %arg4[%get3A_67, %get3A_68, %get3A_69] : memref<1x1x400xi32, #tpu.memory_space<vmem>>, vector<1x1x400xi32>
    %reshape3A = vector.shape_cast %get3A_70 : vector<1x1x400xi32> to vector<1x400xi32>
    %iota3A = tpu.iota {dimensions = array<i32: 0>} : vector<64x400xi32>
    %eq3A_71 = vector.broadcast %reshape3A : vector<1x400xi32> to vector<64x400xi32>
    %eq3A_72 = arith.cmpi eq, %iota3A, %eq3A_71 : vector<64x400xi32>
    %convert_element_type3A_73 = arith.extui %eq3A_72 : vector<64x400xi1> to vector<64x400xi32>
    %convert_element_type3A_74 = arith.sitofp %convert_element_type3A_73 : vector<64x400xi32> to vector<64x400xf32>
    %convert_element_type3A_75 = arith.truncf %select_n3A : vector<400x128xf32> to vector<400x128xbf16>
    %convert_element_type3A_76 = arith.extf %convert_element_type3A_75 : vector<400x128xbf16> to vector<400x128xf32>
    %sub3A_77 = arith.subf %select_n3A, %convert_element_type3A_76 : vector<400x128xf32>
    %get3A_78 = arith.constant 0 : index
    %get3A_79 = arith.constant 0 : index
    %get3A_80 = vector.load %arg12[%get3A_78, %get3A_79] : memref<64x128xf32, #tpu.memory_space<vmem>>, vector<64x128xf32>
    %dot_general3A_81 = arith.constant dense<0.000000e+00> : vector<64x128xf32>
    %dot_general3A_82 = tpu.matmul %convert_element_type3A_74, %convert_element_type3A_76, %dot_general3A_81 {dimension_numbers = #tpu.dot_dimension_numbers<[1], [0], [0], [1], [0, 0, 1, 1], [], []>, transpose_lhs_hint = false} : vector<64x400xf32>, vector<400x128xf32>, vector<64x128xf32> -> vector<64x128xf32>
    %dot_general3A_83 = arith.constant dense<0.000000e+00> : vector<64x128xf32>
    %dot_general3A_84 = tpu.matmul %convert_element_type3A_74, %sub3A_77, %dot_general3A_83 {dimension_numbers = #tpu.dot_dimension_numbers<[1], [0], [0], [1], [0, 0, 1, 1], [], []>, transpose_lhs_hint = false} : vector<64x400xf32>, vector<400x128xf32>, vector<64x128xf32> -> vector<64x128xf32>
    %add3A_85 = arith.addf %dot_general3A_82, %dot_general3A_84 : vector<64x128xf32>
    %add3A_86 = arith.addf %get3A_80, %add3A_85 : vector<64x128xf32>
    %swap3A = arith.constant 0 : index
    %swap3A_87 = arith.constant 0 : index
    %swap3A_88 = vector.load %arg12[%swap3A, %swap3A_87] : memref<64x128xf32, #tpu.memory_space<vmem>>, vector<64x128xf32>
    tpu.vector_store %arg12[%swap3A, %swap3A_87], %add3A_86 {strides = array<i32>} : memref<64x128xf32, #tpu.memory_space<vmem>>, vector<64x128xf32>,
    %get3A_89 = arith.constant 0 : index
    %get3A_90 = arith.constant 0 : index
    %get3A_91 = vector.load %arg13[%get3A_89, %get3A_90] : memref<64x1xf32, #tpu.memory_space<vmem>>, vector<64x1xf32>
    %reduce_sum3A = arith.constant dense<0.000000e+00> : vector<64xf32>
    %reduce_sum3A_92 = vector.multi_reduction <add>, %convert_element_type3A_74, %reduce_sum3A [1] : vector<64x400xf32> to vector<64xf32>
    %broadcast_in_dim3A = vector.shape_cast %reduce_sum3A_92 : vector<64xf32> to vector<64x1xf32>
    %add3A_93 = arith.addf %get3A_91, %broadcast_in_dim3A : vector<64x1xf32>
    %swap3A_94 = arith.constant 0 : index
    %swap3A_95 = arith.constant 0 : index
    %swap3A_96 = vector.load %arg13[%swap3A_94, %swap3A_95] : memref<64x1xf32, #tpu.memory_space<vmem>>, vector<64x1xf32>
    tpu.vector_store %arg13[%swap3A_94, %swap3A_95], %add3A_93 {strides = array<i32>} : memref<64x1xf32, #tpu.memory_space<vmem>>, vector<64x1xf32>,
    %eq3A_97 = arith.constant 24 : i32
    %eq3A_98 = arith.cmpi eq, %arg0, %eq3A_97 : i32
    %convert_element_type3A_99 = arith.extui %eq3A_98 : i1 to i32
    %cond3A_100 = arith.constant 0 : i32
    %cond3A_101 = arith.cmpi ne, %convert_element_type3A_99, %cond3A_100 : i32
    scf.if %cond3A_101 {
      %get3A_102 = arith.constant 0 : index
      %get3A_103 = arith.constant 0 : index
      %get3A_104 = vector.load %arg12[%get3A_102, %get3A_103] : memref<64x128xf32, #tpu.memory_space<vmem>>, vector<64x128xf32>
      %get3A_105 = arith.constant 0 : index
      %get3A_106 = arith.constant 0 : index
      %get3A_107 = vector.load %arg13[%get3A_105, %get3A_106] : memref<64x1xf32, #tpu.memory_space<vmem>>, vector<64x1xf32>
      %max3A = arith.constant 1.000000e+00 : f32
      %max3A_108 = vector.broadcast %max3A : f32 to vector<64x1xf32>
      %max3A_109 = arith.maximumf %get3A_107, %max3A_108 : vector<64x1xf32>
      %div3A = vector.broadcast %max3A_109 : vector<64x1xf32> to vector<64x128xf32>
      %div3A_110 = arith.divf %get3A_104, %div3A : vector<64x128xf32>
      %mul3A_111 = arith.mulf %div3A_110, %div3A_110 : vector<64x128xf32>
      %reduce_sum3A_112 = arith.constant dense<0.000000e+00> : vector<64xf32>
      %reduce_sum3A_113 = vector.multi_reduction <add>, %mul3A_111, %reduce_sum3A_112 [1] : vector<64x128xf32> to vector<64xf32>
      %broadcast_in_dim3A_114 = vector.shape_cast %reduce_sum3A_113 : vector<64xf32> to vector<64x1xf32>
      %sqrt3A = math.sqrt %broadcast_in_dim3A_114 : vector<64x1xf32>
      %max3A_115 = arith.constant 9.99999996E-13 : f32
      %max3A_116 = vector.broadcast %max3A_115 : f32 to vector<64x1xf32>
      %max3A_117 = arith.maximumf %sqrt3A, %max3A_116 : vector<64x1xf32>
      %div3A_118 = vector.broadcast %max3A_117 : vector<64x1xf32> to vector<64x128xf32>
      %div3A_119 = arith.divf %div3A_110, %div3A_118 : vector<64x128xf32>
      %convert_element_type3A_120 = arith.truncf %div3A_119 : vector<64x128xf32> to vector<64x128xbf16>
      %convert_element_type3A_121 = arith.extf %convert_element_type3A_120 : vector<64x128xbf16> to vector<64x128xf32>
      %get3A_122 = arith.constant 0 : index
      %get3A_123 = arith.constant 0 : index
      %get3A_124 = vector.load %arg9[%get3A_122, %get3A_123] : memref<1x128xf32, #tpu.memory_space<vmem>>, vector<1x128xf32>
      %convert_element_type3A_125 = arith.truncf %get3A_124 : vector<1x128xf32> to vector<1x128xbf16>
      %convert_element_type3A_126 = arith.extf %convert_element_type3A_125 : vector<1x128xbf16> to vector<1x128xf32>
      %mul3A_127 = vector.broadcast %convert_element_type3A_126 : vector<1x128xf32> to vector<64x128xf32>
      %mul3A_128 = arith.mulf %convert_element_type3A_121, %mul3A_127 : vector<64x128xf32>
      %reduce_sum3A_129 = arith.constant dense<0.000000e+00> : vector<64xf32>
      %reduce_sum3A_130 = vector.multi_reduction <add>, %mul3A_128, %reduce_sum3A_129 [1] : vector<64x128xf32> to vector<64xf32>
      %broadcast_in_dim3A_131 = vector.shape_cast %reduce_sum3A_130 : vector<64xf32> to vector<64x1xf32>
      %get3A_132 = arith.constant 0 : index
      %get3A_133 = arith.constant 0 : index
      %get3A_134 = vector.load %arg10[%get3A_132, %get3A_133] : memref<1x128xf32, #tpu.memory_space<vmem>>, vector<1x128xf32>
      %add3A_135 = vector.broadcast %broadcast_in_dim3A_131 : vector<64x1xf32> to vector<64x128xf32>
      %add3A_136 = vector.broadcast %get3A_134 : vector<1x128xf32> to vector<64x128xf32>
      %add3A_137 = arith.addf %add3A_135, %add3A_136 : vector<64x128xf32>
      %swap3A_138 = arith.constant 0 : index
      %swap3A_139 = arith.constant 0 : index
      %swap3A_140 = vector.load %arg11[%swap3A_138, %swap3A_139] : memref<64x128xf32, #tpu.memory_space<vmem>>, vector<64x128xf32>
      tpu.vector_store %arg11[%swap3A_138, %swap3A_139], %add3A_137 {strides = array<i32>} : memref<64x128xf32, #tpu.memory_space<vmem>>, vector<64x128xf32>,
    } else {
    }
    return
  }
  func.func @transform_0(%arg0: i32) -> (i32, i32) {
    %c0_i32 = arith.constant 0 : i32
    %c0_i32_0 = arith.constant 0 : i32
    return %arg0, %c0_i32 : i32, i32
  }
  func.func @transform_1(%arg0: i32) -> (i32, i32, i32) {
    %c0_i32 = arith.constant 0 : i32
    %c0_i32_0 = arith.constant 0 : i32
    %c0_i32_1 = arith.constant 0 : i32
    return %c0_i32, %arg0, %c0_i32_0 : i32, i32, i32
  }
  func.func @transform_2(%arg0: i32) -> (i32, i32, i32) {
    %c0_i32 = arith.constant 0 : i32
    %c0_i32_0 = arith.constant 0 : i32
    %c0_i32_1 = arith.constant 0 : i32
    return %c0_i32, %arg0, %c0_i32_0 : i32, i32, i32
  }
  func.func @transform_3(%arg0: i32) -> (i32, i32, i32) {
    %c0_i32 = arith.constant 0 : i32
    %c0_i32_0 = arith.constant 0 : i32
    %c0_i32_1 = arith.constant 0 : i32
    return %arg0, %c0_i32, %c0_i32_0 : i32, i32, i32
  }
  func.func @transform_4(%arg0: i32) -> (i32, i32) {
    %c0_i32 = arith.constant 0 : i32
    %c0_i32_0 = arith.constant 0 : i32
    %c0_i32_1 = arith.constant 0 : i32
    return %c0_i32, %c0_i32_0 : i32, i32
  }
  func.func @transform_5(%arg0: i32) -> (i32, i32) {
    %c0_i32 = arith.constant 0 : i32
    %c0_i32_0 = arith.constant 0 : i32
    %c0_i32_1 = arith.constant 0 : i32
    return %c0_i32, %c0_i32_0 : i32, i32
  }
  func.func @transform_6(%arg0: i32) -> (i32, i32) {
    %c0_i32 = arith.constant 0 : i32
    %c0_i32_0 = arith.constant 0 : i32
    %c0_i32_1 = arith.constant 0 : i32
    return %c0_i32, %c0_i32_0 : i32, i32
  }
  func.func @transform_7(%arg0: i32) -> (i32, i32) {
    %c0_i32 = arith.constant 0 : i32
    %c0_i32_0 = arith.constant 0 : i32
    %c0_i32_1 = arith.constant 0 : i32
    return %c0_i32, %c0_i32_0 : i32, i32
  }
  func.func @transform_8(%arg0: i32) -> (i32, i32) {
    %c0_i32 = arith.constant 0 : i32
    %c0_i32_0 = arith.constant 0 : i32
    %c0_i32_1 = arith.constant 0 : i32
    return %c0_i32, %c0_i32_0 : i32, i32
  }
  func.func @transform_9(%arg0: i32) -> (i32, i32) {
    %c0_i32 = arith.constant 0 : i32
    %c0_i32_0 = arith.constant 0 : i32
    %c0_i32_1 = arith.constant 0 : i32
    return %c0_i32, %c0_i32_0 : i32, i32
  }
  func.func @transform_10(%arg0: i32) -> (i32, i32) {
    %c0_i32 = arith.constant 0 : i32
    %c0_i32_0 = arith.constant 0 : i32
    %c0_i32_1 = arith.constant 0 : i32
    return %c0_i32, %c0_i32_0 : i32, i32
  }
}

</mosaic_0001>

<sc_bundles>
// kernel: kernel.5.cloned.1.call-start
scs
__scs_entry_jumppad:
0x0: {  	(pc) =	sbr.rel $0x88, $3  }
0x1: {  	(tag) =	ssettag $0x0;
	lr =	simm.s32 $0x1  }
0x2: {  	[smem:$0x3F97] =	sst lr;
	_ =	strace $0xD0000000  }
0x3: {  	_ = 	snop  }
0x4: {  	_ = 	snop  }
0x5: {  	_ = 	snop  }
0x6: {  	_ = 	snop  }
0x7: {  	_ = 	snop  }
__scs_overlays_trampoline_lowered:
0x8: {  	[smem:$0x3FA6] =	sst s0  }
0x9: {  	[smem:$0x3FA7] =	sst s1  }
0xa: {  	[smem:$0x3FA8] =	sst s2  }
0xb: {  	[smem:$0x3FA9] =	sst s3  }
0xc: {  	[smem:$0x3FAA] =	sst s4  }
0xd: {  	[smem:$0x3FAB] =	sst s5  }
0xe: {  	[smem:$0x3FAC] =	sst s6  }
0xf: {  	[smem:$0x3FAD] =	sst s7  }
0x10: {  	[smem:$0x3FAE] =	sst s8  }
0x11: {  	[smem:$0x3FAF] =	sst s9;
	s0 =	simm.s32 @!p0 $0x0  }
0x12: {  	s1 =	sld [smem:$0x3F95];
	s0 =	simm.s32 @p0 $0x1  }
0x13: {  	[smem:$0x3FB0] =	sst s0;
	s0 =	simm.s32 @!p1 $0x0  }
0x14: {  	s2 =	sld [smem:$0x3F94];
	s0 =	simm.s32 @p1 $0x1  }
0x15: {  	[smem:$0x3FB1] =	sst s0;
	s0 =	simm.s32 @!p2 $0x0  }
0x16: {  	s3 =	sld [smem:$0x3FDB];
	s0 =	simm.s32 @p2 $0x1  }
0x17: {  	s4 =	simm.s32 $0x1BF5;
	[smem:$0x3FB3] =	sst s0  }
0x18: {  	s0 =	sld [smem:$0x3F96];
	_ =	swait.ge [sflag:s4], $0x0  }
0x19: {  	s7 =	sld [smem:$0x3F97]  }
0x1a: {  	s8 =	sadd.s32 $0xFFFFE003, lr  }
0x1b: {  	s9 =	sadd.s32 $0xFFFFFEF7, lr;
	s5 =	simm.s32 $0xFFFFFFFF;
	p2 =	slt.u32 s8, $0xFFFFF086  }
0x1c: {  	p1 =	slt.u32 s9, $0xF7A;
	s5 =	simm.s32 @!p2 $0x0  }
0x1d: {  	s5 =	simm.s32 @p1 $0x1;
	p0 =	seq.s32 s7, s2  }
0x1e: {  	s7 =	smul.u32 @!p0 $0xF7A, s2;
	p2 =	seq.s32 @!p0 s5, $0x0  }
0x1f: {  	s9 =	smul.u32 $0xF7A, s1;
	s8 =	simm.s32 @!p0 $0x1BF5;
	p2 =	por !p2, p0  }
0x20: {  	[sflag:s8] =	ssyncset.s32 @!p0 $0xFFFFF086;
	s6 =	sadd.s32 @!p0 s3, s7;
	s7 =	simm.s32 @!p0 $0x108  }
0x21: {  	s3 =	sadd.s32 s3, s9;
	s6 =	sadd.s32 @!p0 $0x88, s6;
	s7 =	simm.s32 @p2 $0x1082  }
0x22: {  	[simem:s7], [sflag:s8] =	dma.local @!p0 [hbm:s6], $0xF7A  }
0x23: {  	s9 =	sor.u32 $0xD0000000, s2;
	s6 =	simm.s32 $0x108;
	_ =	swait.ge @!p0 [sflag:s8], $0x0  }
0x24: {  	s3 =	sadd.s32 $0x88, s3;
	s6 =	simm.s32 @!p1 $0x1082;
	[sflag:s4] =	ssyncset.s32 $0xFFFFF086  }
0x25: {  	[simem:s6], [sflag:s4] =	dma.local [hbm:s3], $0xF7A  }
0x26: {  	[smem:$0x3F97] =	sst s1;
	(tag) =	ssettag s2;
	_ =	strace s9  }
0x27: {  	s1 =	sld [smem:$0x3FA7]  }
0x28: {  	s2 =	sld [smem:$0x3FA8]  }
0x29: {  	s4 =	sld [smem:$0x3FAA]  }
0x2a: {  	p0 =	seq.s32 s5, $0x0;
	s5 =	sld [smem:$0x3FAB]  }
0x2b: {  	s6 =	sld [smem:$0x3FAC]  }
0x2c: {  	s7 =	sld [smem:$0x3FAD]  }
0x2d: {  	s3 =	simm.s32 $0x108;
	s8 =	sld [smem:$0x3FAE]  }
0x2e: {  	s3 =	simm.s32 @!p0 $0x1082;
	s9 =	sld [smem:$0x3FAF]  }
0x2f: {  	lr =	sadd.s32 s0, s3;
	s0 =	sld [smem:$0x3FA6]  }
0x30: {  	s3 =	sld [smem:$0x3FA9]  }
0x31: {  	[smem:$0x3FB2] =	sst s10  }
0x32: {  	s10 =	sld [smem:$0x3FB0];
	_ =	sdelay $0x3  }
0x33: {  	p0 =	seq.s32 s10, $0x1;
	s10 =	sld [smem:$0x3FB2];
	_ =	sdelay $0x3  }
0x34: {  	[smem:$0x3FB2] =	sst s10  }
0x35: {  	s10 =	sld [smem:$0x3FB1];
	_ =	sdelay $0x3  }
0x36: {  	p1 =	seq.s32 s10, $0x1;
	s10 =	sld [smem:$0x3FB2];
	_ =	sdelay $0x3  }
0x37: {  	[smem:$0x3FB2] =	sst s10  }
0x38: {  	s10 =	sld [smem:$0x3FB3]  }
0x39: {  	_ = 	snop;
	(pc) =	sbr.ind lr, $3  }
0x3a: {  	_ = 	snop  }
0x3b: {  	_ = 	snop  }
0x3c: {  	p2 =	seq.s32 s10, $0x1;
	s10 =	sld [smem:$0x3FB2]  }
0x3d: {  	_ =	shalt  }
0x3e: {  	_ =	shalt  }
0x3f: {  	_ =	shalt  }
0x40: {  	_ =	shalt  }
0x41: {  	_ =	shalt  }
0x42: {  	_ =	shalt  }
0x43: {  	_ =	shalt  }
0x44: {  	_ =	shalt  }
0x45: {  	_ =	shalt  }
0x46: {  	_ =	shalt  }
0x47: {  	_ =	shalt  }
0x48: {  	_ =	shalt  }
0x49: {  	_ =	shalt  }
0x4a: {  	_ =	shalt  }
0x4b: {  	_ =	shalt  }
0x4c: {  	_ =	shalt  }
0x4d: {  	_ =	shalt  }
0x4e: {  	_ =	shalt  }
0x4f: {  	_ =	shalt  }
0x50: {  	_ =	shalt  }
0x51: {  	_ =	shalt  }
0x52: {  	_ =	shalt  }
0x53: {  	_ =	shalt  }
0x54: {  	_ =	shalt  }
0x55: {  	_ =	shalt  }
0x56: {  	_ =	shalt  }
0x57: {  	_ =	shalt  }
0x58: {  	_ =	shalt  }
0x59: {  	_ =	shalt  }
0x5a: {  	_ =	shalt  }
0x5b: {  	_ =	shalt  }
0x5c: {  	_ =	shalt  }
0x5d: {  	_ =	shalt  }
0x5e: {  	_ =	shalt  }
0x5f: {  	_ =	shalt  }
0x60: {  	_ =	shalt  }
0x61: {  	_ =	shalt  }
0x62: {  	_ =	shalt  }
0x63: {  	_ =	shalt  }
0x64: {  	_ =	shalt  }
0x65: {  	_ =	shalt  }
0x66: {  	_ =	shalt  }
0x67: {  	_ =	shalt  }
0x68: {  	_ =	shalt  }
0x69: {  	_ =	shalt  }
0x6a: {  	_ =	shalt  }
0x6b: {  	_ =	shalt  }
0x6c: {  	_ =	shalt  }
0x6d: {  	_ =	shalt  }
0x6e: {  	_ =	shalt  }
0x6f: {  	_ =	shalt  }
0x70: {  	_ =	shalt  }
0x71: {  	_ =	shalt  }
0x72: {  	_ =	shalt  }
0x73: {  	_ =	shalt  }
0x74: {  	_ =	shalt  }
0x75: {  	_ =	shalt  }
0x76: {  	_ =	shalt  }
0x77: {  	_ =	shalt  }
0x78: {  	_ =	shalt  }
0x79: {  	_ =	shalt  }
0x7a: {  	_ =	shalt  }
0x7b: {  	_ =	shalt  }
0x7c: {  	_ =	shalt  }
0x7d: {  	_ =	shalt  }
0x7e: {  	_ =	shalt  }
0x7f: {  	_ =	shalt  }
0x80: {  	_ =	shalt  }
0x81: {  	_ =	shalt  }
0x82: {  	_ =	shalt  }
0x83: {  	_ =	shalt  }
0x84: {  	_ =	shalt  }
0x85: {  	_ =	shalt  }
0x86: {  	_ =	shalt  }
0x87: {  	_ =	shalt  }
.Lfunc_end0:
.L_simem_size_0:
called_computation_lowered:
.L_overlay_start_0:
0x88: {  	s2 =	sld [smem:$0x3FD9]  }
0x89: {  	s3 =	sld [smem:$0x3FFE];
	_ =	sdelay $0x1  }
0x8a: {  	s1 =	srdreg.scid  }
0x8b: {  	s0 =	sand.u32 $0x1, s1  }
0x8c: {  	s16 =	sshll.u32 s0, $0xA;
	s2 =	sadd.s32 s3, s2  }
0x8d: {  	s2 =	sadd.s32 s2, s16  }
0x8e: {  	[smem:$0x3FBE] =	sst s2  }
0x8f: {  	_ = 	snop  }
0x90: {  	(tm) =	ssettm $0x1  }
0x91: {  	s17 =	sld [smem:$0x3FFB];
	_ =	sdelay $0x3  }
0x92: {  	_ =	strace s17  }
0x93: {  	s2 =	sld [smem:$0x3FFC];
	_ =	sdelay $0x3  }
0x94: {  	_ =	strace s2  }
0x95: {  	s2 =	sld [smem:$0x3FFD];
	_ =	sdelay $0x3  }
0x96: {  	_ =	strace s2  }
0x97: {  	_ =	strace $0x8FFFFFFF  }
0x98: {  	s18 =	sld [smem:$0x3FDB];
	_ =	sdelay $0x1  }
0x99: {  	s19 =	simm.s32 $_scs_section_size  }
0x9a: {  	s4 =	simm.s32 $_size__tile_overlayer_lowered;
	s5 =	simm.s32 $_tile_overlayer_lowered  }
0x9b: {  	s22 =	simm.s32 $0x1BFF;
	s21 =	sshll.u32 s5, $0x1;
	s2 =	sadd.s32 s19, s18  }
0x9c: {  	s6 =	simm.s32 $0x0;
	s20 =	sshll.u32 s4, $0x1;
	s4 =	sadd.s32 s21, s2  }
0x9d: {  	[timem:s6], [sflag:s22] =	dma.local [hbm:s4], s20  }
0x9e: {  	_ =	swait.ge [sflag:s22], s20  }
0x9f: {  	s3 =	ssub.s32 $0x0, s20;
	[sflag:s22] =	ssyncset.done $0x0  }
0xa0: {  	[sflag:s22] =	ssyncadd.s32 s3;
	_ =	sdelay $0x1  }
0xa1: {  	s23 =	simm.s32 $0x1B8B  }
0xa2: {  	_ =	swait.ge [sflag:s23], $0x1  }
0xa3: {  	[sflag:s23] =	ssyncset.done $0x0  }
0xa4: {  	s25 =	simm.s32 $0x1B8E;
	s24 =	sld [smem:$0x3FFE];
	[sflag:s23] =	ssyncadd.s32 $0xFFFFFFFF  }
0xa5: {  	s26 =	simm.s32 $execute0_lowered;
	[smem:$0x3FD2] =	sst s25  }
0xa6: {  	s4 =	sshll.u32 s26, $0x1;
	_ =	strace $0x80000046;
	[dreg:$0x1] =	wrdreg $0xFFFFFFFF  }
0xa7: {  	s28 =	simm.s32 $_size_execute0_lowered;
	s2 =	sadd.s32 s2, s4;
	[dreg:$0x0] =	wrdreg $0x0  }
0xa8: {  	s4 =	sshll.u32 s28, $0x1;
	[dreg:$0x2] =	wrdreg s2  }
0xa9: {  	[dreg:$0x3] =	wrdreg s4  }
0xaa: {  	[dreg:$0x4] =	wrdreg $0xC0  }
0xab: {  	_ =	task [dreg:s6], $0x5FFFF  }
0xac: {  	[dreg:$0x1] =	wrdreg $0xFFFFFFFF  }
0xad: {  	[dreg:$0x0] =	wrdreg $0x60  }
0xae: {  	[dreg:$0x2] =	wrdreg s24  }
0xaf: {  	[dreg:$0x3] =	wrdreg $0x41000  }
0xb0: {  	[dreg:$0x4] =	wrdreg $0x9  }
0xb1: {  	_ =	task.clear_ibuf [dreg:s6], $0x5FFFF;
	_ =	strace $0x90000046  }
0xb2: {  	s29 =	simm.s32 $0x9;
	_ =	strace $0x80000048  }
0xb3: {  	_ =	swait.ge [sflag:s29], $0x1  }
0xb4: {  	[sflag:s29] =	ssyncadd.s32 $0xFFFFFFFF  }
0xb5: {  	_ =	strace $0x90000048  }
0xb6: {  	_ =	sfence  }
0xb7: {  	s30 =	sld [smem:$0x0];
	_ =	sdelay $0x2  }
0xb8: {  	s31 =	sshll.u32 s1, $0xD;
	s1 =	sshrl.u32 s1, $0x2  }
0xb9: {  	s3 =	sand.u32 $0x4000, s31;
	s1 =	sadd.s32 s1, s30  }
0xba: {  	s0 =	sor.u32 s3, s0;
	s1 =	sshll.u32 s1, $0x11  }
0xbb: {  	s0 =	sor.u32 s1, s0  }
0xbc: {  	s0 =	sadd.s32 $0x8F2B, s0  }
0xbd: {  	[sflag:s0] =	ssyncadd.remote.s32 $0x1  }
0xbe: {  	_ =	sfence.sel $0xFFFF  }
0xbf: {  	[dreg:$0x0] =	wrdreg $0xFFFFFFFF;
	(pc) =	sbr.abs _section_cstart, $3  }
0xc0: {  	[dreg:$0x1] =	wrdreg $0xFFFFFFFF  }
0xc1: {  	_ =	task.clear_ibuf [dreg:s6], $0x2FFFF;
	_ =	strace $0x9FFFFFFF  }
0xc2: {  	(tm) =	ssettm $0x7FFFFFFF  }
0xc3: {  	_ =	shalt  }
tec
execute0_lowered:
.L_overlay_start_1:
0x0: {  	(tag) =	ssettag $0x1  }
0x1: {  	s5 =	rddreg [dreg:$0x0];
	s0 =	srdreg.scid  }
0x2: {  	s2 =	rddreg [dreg:$0x1];
	s1 =	stileid.u32  }
0x3: {  	s3 =	simm.s32 $0x0;
	s13 =	simm.s32 $0x80;
	s8 =	smul.u32 $0x13C00, s1  }
0x4: {  	s14 =	simm.s32 $0x100;
	s15 =	simm.s32 $0x1;
	s26 =	smul.u32 $0x4F000, s1  }
0x5: {  	s6 =	sand.u32 $0x1, s0;
	s0 =	rddreg [dreg:$0x2];
	s30 =	smul.u32 $0x4F0, s1  }
0x6: {  	s16 =	simm.s32 $0x0;
	[smem:$0x7FF] =	sst s3;
	s7 =	smul.u32 $0x4F00, s6  }
0x7: {  	s4 =	sadd.s32 $0x2C00, s5;
	s31 =	sshll.u32 s1, $0x6;
	s9 =	smul.u32 $0x13C000, s6  }
0x8: {  	_ =	strace $0x80000047;
	s6 =	ssub.s32 $0x2, s6;
	s25 =	sshrl.u32 s8, $0x3  }
0x9: {  	s28 =	sshrl.u32 s6, $0x1;
	s29 =	sshrl.u32 s26, $0x2;
	s10 =	sadd.s32 s7, s5  }
0xa: {  	s8 =	sadd.s32 s8, s9;
	s7 =	sadd.s32 s25, s5;
	s11 =	ssub.s32 s6, s28  }
0xb: {  	s12 =	sadd.s32 s29, s2;
	s6 =	sor.u32 $0x1C02, s31;
	s8 =	sshrl.u32 s8, $0x3  }
0xc: {  	s10 =	sadd.s32 s30, s10;
	s8 =	sadd.s32 s8, s5;
	s5 =	sadd.s32 $0x3DA00, s7  }
0xd: {  	s9 =	sadd.s32 $0x29E00, s10;
	s10 =	sadd.s32 $0x33C00, s10;
	s7 =	sadd.s32 $0x65200, s8  }
0xe: {  	s8 =	smax.u32 s11, $0x1;
	s11 =	sshrl.u32 s12, $0x3;
	s12 =	simm.s32 $0x2  }
.LBB2_1:
0xf: {  	[spmem:s11], [sflag:s6] =	dma.local [hbm:s5], $0x2780  }
0x10: {  	_ =	swait.ge [sflag:s12], $0x2780  }
0x11: {  	[sflag:s12] =	ssyncset.done $0x0  }
0x12: {  	[sflag:s12] =	ssyncadd.s32 $0xFFFFD880  }
0x13: {  	s17 =	sadd.s32 $0x0, s10;
	[bflag:$0x0] =	sbarrier.arrive $0xFFFF  }
0x14: {  	[tilespmem:s3], [sflag:$0x2] =	stream.linear.gather [hbm4b:s17+s3], $0x80, $0x38;
	[tilespmem:$0x17D00] =	vst v63  }
0x15: {  	_ =	swait.ge [sflag:s12], $0x80  }
0x16: {  	[sflag:s12] =	ssyncset.done $0x0  }
0x17: {  	s31 =	sadd.s32 $0x0, s9;
	[sflag:s12] =	ssyncadd.s32 $0xFFFFFF80  }
0x18: {  	[tilespmem:s13], [sflag:$0x2] =	stream.linear.gather [hbm4b:s31+s3], $0x80, $0x38;
	[tilespmem:$0x17D00] =	vst v63  }
0x19: {  	_ =	swait.ge [sflag:s12], $0x80  }
0x1a: {  	[sflag:s12] =	ssyncset.done $0x0  }
0x1b: {  	[sflag:s12] =	ssyncadd.s32 $0xFFFFFF80  }
0x1c: {  	[tilespmem:s14], [sflag:$0x1] =	stream.indirect.gather [hbm4b:s4+s13], $0x80, s3, s13, $0xb8;
	[tilespmem:$0x17D00] =	vst v63  }
0x1d: {  	_ =	swait.ge [sflag:s15], $0x4000  }
0x1e: {  	[sflag:s15] =	ssyncset.done $0x0  }
0x1f: {  	[sflag:s15] =	ssyncadd.s32 $0xFFFFC000  }
0x20: {  	[spmem:s2] =	stream.indirect.scatter.add.f32 [tilespmem:s14], [sflag:$0x2], $0x80, s13, s13, $0xb8;
	[tilespmem:$0x17D00] =	vst v63  }
0x21: {  	_ =	swait.ge [sflag:s12], $0x4000  }
0x22: {  	s18 =	simm.s32 $0x20;
	s17 =	simm.s32 $0x10;
	[sflag:s12] =	ssyncset.done $0x0  }
.LBB2_2:
0x23: {  	s19 =	sadd.s32 s17, s10  }
0x24: {  	[sflag:s12] =	ssyncadd.s32 $0xFFFFC000;
	s20 =	smov.u32 s18;
	s21 =	sadd.s32 $0x10, s18  }
0x25: {  	[tilespmem:s3], [sflag:$0x2] =	stream.linear.gather [hbm4b:s19+s3], $0x80, $0x38;
	[tilespmem:$0x17D00] =	vst v63  }
0x26: {  	p0 =	sne.s32 s18, $0x4E0;
	_ =	swait.ge [sflag:s12], $0x80  }
0x27: {  	[sflag:s12] =	ssyncset.done $0x0  }
0x28: {  	s18 =	sadd.s32 s17, s9;
	s17 =	smov.u32 s20;
	[sflag:s12] =	ssyncadd.s32 $0xFFFFFF80  }
0x29: {  	[tilespmem:s13], [sflag:$0x2] =	stream.linear.gather [hbm4b:s18+s3], $0x80, $0x38;
	[tilespmem:$0x17D00] =	vst v63  }
0x2a: {  	_ =	swait.ge [sflag:s12], $0x80  }
0x2b: {  	[sflag:s12] =	ssyncset.done $0x0  }
0x2c: {  	[sflag:s12] =	ssyncadd.s32 $0xFFFFFF80  }
0x2d: {  	[tilespmem:s14], [sflag:$0x1] =	stream.indirect.gather [hbm4b:s4+s13], $0x80, s3, s13, $0xb8;
	[tilespmem:$0x17D00] =	vst v63  }
0x2e: {  	_ =	swait.ge [sflag:s15], $0x4000  }
.Ltmp0:
0x2f: {  	[sflag:s15] =	ssyncset.done $0x0;
	(pc) =	sbr.rel @p0 .LBB2_2-.Ltmp0, $4  }
0x30: {  	[sflag:s15] =	ssyncadd.s32 $0xFFFFC000  }
0x31: {  	[spmem:s2] =	stream.indirect.scatter.add.f32 [tilespmem:s14], [sflag:$0x2], $0x80, s13, s13, $0xb8;
	[tilespmem:$0x17D00] =	vst v63  }
0x32: {  	_ =	swait.ge [sflag:s12], $0x4000  }
0x33: {  	s18 =	smov.u32 s21;
	[sflag:s12] =	ssyncset.done $0x0  }
0x34: {  	s18 =	sadd.s32 s17, s10;
	[sflag:s12] =	ssyncadd.s32 $0xFFFFC000  }
0x35: {  	[tilespmem:s3], [sflag:$0x2] =	stream.linear.gather [hbm4b:s18+s3], $0x80, $0x38;
	[tilespmem:$0x17D00] =	vst v63  }
0x36: {  	_ =	swait.ge [sflag:s12], $0x80  }
0x37: {  	[sflag:s12] =	ssyncset.done $0x0  }
0x38: {  	s31 =	sadd.s32 s17, s9;
	[sflag:s12] =	ssyncadd.s32 $0xFFFFFF80  }
0x39: {  	[tilespmem:s13], [sflag:$0x2] =	stream.linear.gather [hbm4b:s31+s3], $0x80, $0x38;
	[tilespmem:$0x17D00] =	vst v63  }
0x3a: {  	_ =	swait.ge [sflag:s12], $0x80  }
0x3b: {  	[sflag:s12] =	ssyncset.done $0x0  }
0x3c: {  	[sflag:s12] =	ssyncadd.s32 $0xFFFFFF80  }
0x3d: {  	[tilespmem:s14], [sflag:$0x1] =	stream.indirect.gather [hbm4b:s4+s13], $0x80, s3, s13, $0xb8;
	[tilespmem:$0x17D00] =	vst v63  }
0x3e: {  	_ =	swait.ge [sflag:s15], $0x4000  }
0x3f: {  	[sflag:s15] =	ssyncset.done $0x0  }
0x40: {  	[sflag:s15] =	ssyncadd.s32 $0xFFFFC000  }
0x41: {  	[spmem:s2] =	stream.indirect.scatter.add.f32 [tilespmem:s14], [sflag:$0x2], $0x80, s13, s13, $0xb8;
	[tilespmem:$0x17D00] =	vst v63  }
0x42: {  	_ =	swait.ge [sflag:s12], $0x4000  }
0x43: {  	s16 =	sadd.s32 $0x1, s16;
	[sflag:s12] =	ssyncset.done $0x0  }
0x44: {  	p0 =	sne.s32 s16, s8;
	[sflag:s12] =	ssyncadd.s32 $0xFFFFC000  }
.Ltmp1:
0x45: {  	[bflag:$0x0] =	sbarrier.arrive $0xFFFF;
	(pc) =	sbr.rel @p0 .LBB2_1-.Ltmp1, $4  }
0x46: {  	[hbm:s7], [sflag:s6] =	dma.local [spmem:s11], $0x2780  }
0x47: {  	_ =	swait.ge [sflag:s12], $0x2780  }
0x48: {  	[sflag:s12] =	ssyncset.done $0x0  }
0x49: {  	[sflag:s12] =	ssyncadd.s32 $0xFFFFD880  }
0x4a: {  	_ =	sfence.sel $0x180000  }
0x4b: {  	[bflag:$0x0] =	sbarrier.arrive $0xFFFF  }
0x4c: {  	p0 =	sne.s32 s1, $0x0;
	_ =	strace $0x90000047  }
0x4d: {  	s0 =	sadd.s32 @!p0 $0x100000, s0;
	[bflag:$0x2] =	sbarrier.arrive $0xFFFF  }
0x4e: {  	[sflag:s0] =	ssyncadd.tile.s32 @!p0 $0x1;
	_ =	shalt  }
.Lfunc_end2:
_tile_overlayer_lowered:
.L_overlay_start_2:
0x4f: {  	(tag) =	ssettag $0x2  }
0x50: {  	s0 =	rddreg [dreg:$0x0];
	s2 =	stileid.u32  }
0x51: {  	s1 =	rddreg [dreg:$0x1];
	p0 =	sne.s32 s2, $0x0  }
0x52: {  	s3 =	rddreg [dreg:$0x2];
	[bflag:$0x3] =	sbarrier.arrive $0xFFFF;
	s2 =	simm.s32 @!p0 $0x1C02  }
0x53: {  	[timem:s3], [sflag:s2] =	dma.local @!p0 [hbm:s0], s1  }
0x54: {  	s0 =	simm.s32 @!p0 $0x2  }
0x55: {  	_ =	swait.ge @!p0 [sflag:s0], s1  }
0x56: {  	s1 =	ssub.s32 @!p0 $0x0, s1;
	[sflag:s0] =	ssyncset.done @!p0 $0x0  }
0x57: {  	[sflag:s0] =	ssyncadd.s32 @!p0 s1  }
0x58: {  	[bflag:$0x3] =	sbarrier.arrive $0xFFFF  }
0x59: {  	_ =	shalt  }

// kernel: kernel.8.cloned.1.call-start
scs
__scs_entry_jumppad:
0x0: {  	(pc) =	sbr.rel $0x88, $3  }
0x1: {  	(tag) =	ssettag $0x0;
	lr =	simm.s32 $0x1  }
0x2: {  	[smem:$0x3F97] =	sst lr;
	_ =	strace $0xD0000000  }
0x3: {  	_ = 	snop  }
0x4: {  	_ = 	snop  }
0x5: {  	_ = 	snop  }
0x6: {  	_ = 	snop  }
0x7: {  	_ = 	snop  }
__scs_overlays_trampoline_lowered:
0x8: {  	[smem:$0x3FA6] =	sst s0  }
0x9: {  	[smem:$0x3FA7] =	sst s1  }
0xa: {  	[smem:$0x3FA8] =	sst s2  }
0xb: {  	[smem:$0x3FA9] =	sst s3  }
0xc: {  	[smem:$0x3FAA] =	sst s4  }
0xd: {  	[smem:$0x3FAB] =	sst s5  }
0xe: {  	[smem:$0x3FAC] =	sst s6  }
0xf: {  	[smem:$0x3FAD] =	sst s7  }
0x10: {  	[smem:$0x3FAE] =	sst s8  }
0x11: {  	[smem:$0x3FAF] =	sst s9;
	s0 =	simm.s32 @!p0 $0x0  }
0x12: {  	s1 =	sld [smem:$0x3F95];
	s0 =	simm.s32 @p0 $0x1  }
0x13: {  	[smem:$0x3FB0] =	sst s0;
	s0 =	simm.s32 @!p1 $0x0  }
0x14: {  	s2 =	sld [smem:$0x3F94];
	s0 =	simm.s32 @p1 $0x1  }
0x15: {  	[smem:$0x3FB1] =	sst s0;
	s0 =	simm.s32 @!p2 $0x0  }
0x16: {  	s3 =	sld [smem:$0x3FDB];
	s0 =	simm.s32 @p2 $0x1  }
0x17: {  	s4 =	simm.s32 $0x1BF5;
	[smem:$0x3FB3] =	sst s0  }
0x18: {  	s0 =	sld [smem:$0x3F96];
	_ =	swait.ge [sflag:s4], $0x0  }
0x19: {  	s7 =	sld [smem:$0x3F97]  }
0x1a: {  	s8 =	sadd.s32 $0xFFFFE003, lr  }
0x1b: {  	s9 =	sadd.s32 $0xFFFFFEF7, lr;
	s5 =	simm.s32 $0xFFFFFFFF;
	p2 =	slt.u32 s8, $0xFFFFF086  }
0x1c: {  	p1 =	slt.u32 s9, $0xF7A;
	s5 =	simm.s32 @!p2 $0x0  }
0x1d: {  	s5 =	simm.s32 @p1 $0x1;
	p0 =	seq.s32 s7, s2  }
0x1e: {  	s7 =	smul.u32 @!p0 $0xF7A, s2;
	p2 =	seq.s32 @!p0 s5, $0x0  }
0x1f: {  	s9 =	smul.u32 $0xF7A, s1;
	s8 =	simm.s32 @!p0 $0x1BF5;
	p2 =	por !p2, p0  }
0x20: {  	[sflag:s8] =	ssyncset.s32 @!p0 $0xFFFFF086;
	s6 =	sadd.s32 @!p0 s3, s7;
	s7 =	simm.s32 @!p0 $0x108  }
0x21: {  	s3 =	sadd.s32 s3, s9;
	s6 =	sadd.s32 @!p0 $0x88, s6;
	s7 =	simm.s32 @p2 $0x1082  }
0x22: {  	[simem:s7], [sflag:s8] =	dma.local @!p0 [hbm:s6], $0xF7A  }
0x23: {  	s9 =	sor.u32 $0xD0000000, s2;
	s6 =	simm.s32 $0x108;
	_ =	swait.ge @!p0 [sflag:s8], $0x0  }
0x24: {  	s3 =	sadd.s32 $0x88, s3;
	s6 =	simm.s32 @!p1 $0x1082;
	[sflag:s4] =	ssyncset.s32 $0xFFFFF086  }
0x25: {  	[simem:s6], [sflag:s4] =	dma.local [hbm:s3], $0xF7A  }
0x26: {  	[smem:$0x3F97] =	sst s1;
	(tag) =	ssettag s2;
	_ =	strace s9  }
0x27: {  	s1 =	sld [smem:$0x3FA7]  }
0x28: {  	s2 =	sld [smem:$0x3FA8]  }
0x29: {  	s4 =	sld [smem:$0x3FAA]  }
0x2a: {  	p0 =	seq.s32 s5, $0x0;
	s5 =	sld [smem:$0x3FAB]  }
0x2b: {  	s6 =	sld [smem:$0x3FAC]  }
0x2c: {  	s7 =	sld [smem:$0x3FAD]  }
0x2d: {  	s3 =	simm.s32 $0x108;
	s8 =	sld [smem:$0x3FAE]  }
0x2e: {  	s3 =	simm.s32 @!p0 $0x1082;
	s9 =	sld [smem:$0x3FAF]  }
0x2f: {  	lr =	sadd.s32 s0, s3;
	s0 =	sld [smem:$0x3FA6]  }
0x30: {  	s3 =	sld [smem:$0x3FA9]  }
0x31: {  	[smem:$0x3FB2] =	sst s10  }
0x32: {  	s10 =	sld [smem:$0x3FB0];
	_ =	sdelay $0x3  }
0x33: {  	p0 =	seq.s32 s10, $0x1;
	s10 =	sld [smem:$0x3FB2];
	_ =	sdelay $0x3  }
0x34: {  	[smem:$0x3FB2] =	sst s10  }
0x35: {  	s10 =	sld [smem:$0x3FB1];
	_ =	sdelay $0x3  }
0x36: {  	p1 =	seq.s32 s10, $0x1;
	s10 =	sld [smem:$0x3FB2];
	_ =	sdelay $0x3  }
0x37: {  	[smem:$0x3FB2] =	sst s10  }
0x38: {  	s10 =	sld [smem:$0x3FB3]  }
0x39: {  	_ = 	snop;
	(pc) =	sbr.ind lr, $3  }
0x3a: {  	_ = 	snop  }
0x3b: {  	_ = 	snop  }
0x3c: {  	p2 =	seq.s32 s10, $0x1;
	s10 =	sld [smem:$0x3FB2]  }
0x3d: {  	_ =	shalt  }
0x3e: {  	_ =	shalt  }
0x3f: {  	_ =	shalt  }
0x40: {  	_ =	shalt  }
0x41: {  	_ =	shalt  }
0x42: {  	_ =	shalt  }
0x43: {  	_ =	shalt  }
0x44: {  	_ =	shalt  }
0x45: {  	_ =	shalt  }
0x46: {  	_ =	shalt  }
0x47: {  	_ =	shalt  }
0x48: {  	_ =	shalt  }
0x49: {  	_ =	shalt  }
0x4a: {  	_ =	shalt  }
0x4b: {  	_ =	shalt  }
0x4c: {  	_ =	shalt  }
0x4d: {  	_ =	shalt  }
0x4e: {  	_ =	shalt  }
0x4f: {  	_ =	shalt  }
0x50: {  	_ =	shalt  }
0x51: {  	_ =	shalt  }
0x52: {  	_ =	shalt  }
0x53: {  	_ =	shalt  }
0x54: {  	_ =	shalt  }
0x55: {  	_ =	shalt  }
0x56: {  	_ =	shalt  }
0x57: {  	_ =	shalt  }
0x58: {  	_ =	shalt  }
0x59: {  	_ =	shalt  }
0x5a: {  	_ =	shalt  }
0x5b: {  	_ =	shalt  }
0x5c: {  	_ =	shalt  }
0x5d: {  	_ =	shalt  }
0x5e: {  	_ =	shalt  }
0x5f: {  	_ =	shalt  }
0x60: {  	_ =	shalt  }
0x61: {  	_ =	shalt  }
0x62: {  	_ =	shalt  }
0x63: {  	_ =	shalt  }
0x64: {  	_ =	shalt  }
0x65: {  	_ =	shalt  }
0x66: {  	_ =	shalt  }
0x67: {  	_ =	shalt  }
0x68: {  	_ =	shalt  }
0x69: {  	_ =	shalt  }
0x6a: {  	_ =	shalt  }
0x6b: {  	_ =	shalt  }
0x6c: {  	_ =	shalt  }
0x6d: {  	_ =	shalt  }
0x6e: {  	_ =	shalt  }
0x6f: {  	_ =	shalt  }
0x70: {  	_ =	shalt  }
0x71: {  	_ =	shalt  }
0x72: {  	_ =	shalt  }
0x73: {  	_ =	shalt  }
0x74: {  	_ =	shalt  }
0x75: {  	_ =	shalt  }
0x76: {  	_ =	shalt  }
0x77: {  	_ =	shalt  }
0x78: {  	_ =	shalt  }
0x79: {  	_ =	shalt  }
0x7a: {  	_ =	shalt  }
0x7b: {  	_ =	shalt  }
0x7c: {  	_ =	shalt  }
0x7d: {  	_ =	shalt  }
0x7e: {  	_ =	shalt  }
0x7f: {  	_ =	shalt  }
0x80: {  	_ =	shalt  }
0x81: {  	_ =	shalt  }
0x82: {  	_ =	shalt  }
0x83: {  	_ =	shalt  }
0x84: {  	_ =	shalt  }
0x85: {  	_ =	shalt  }
0x86: {  	_ =	shalt  }
0x87: {  	_ =	shalt  }
.Lfunc_end0:
.L_simem_size_0:
called_computation.1_lowered:
.L_overlay_start_0:
0x88: {  	s2 =	sld [smem:$0x3FD9]  }
0x89: {  	s3 =	sld [smem:$0x3FFE];
	_ =	sdelay $0x1  }
0x8a: {  	s1 =	srdreg.scid  }
0x8b: {  	s0 =	sand.u32 $0x1, s1  }
0x8c: {  	s17 =	sshll.u32 s0, $0xA;
	s2 =	sadd.s32 s3, s2  }
0x8d: {  	s2 =	sadd.s32 s2, s17  }
0x8e: {  	[smem:$0x3FBE] =	sst s2  }
0x8f: {  	_ = 	snop  }
0x90: {  	(tm) =	ssettm $0x1  }
0x91: {  	s18 =	sld [smem:$0x3FFB];
	_ =	sdelay $0x3  }
0x92: {  	_ =	strace s18  }
0x93: {  	s2 =	sld [smem:$0x3FFC];
	_ =	sdelay $0x3  }
0x94: {  	_ =	strace s2  }
0x95: {  	s2 =	sld [smem:$0x3FFD];
	_ =	sdelay $0x3  }
0x96: {  	_ =	strace s2  }
0x97: {  	_ =	strace $0x8FFFFFFF  }
0x98: {  	s19 =	sld [smem:$0x3FDB];
	_ =	sdelay $0x1  }
0x99: {  	s20 =	simm.s32 $_scs_section_size  }
0x9a: {  	s4 =	simm.s32 $_size__tile_overlayer_lowered;
	s5 =	simm.s32 $_tile_overlayer_lowered  }
0x9b: {  	s6 =	simm.s32 $0x1BFF;
	s21 =	sshll.u32 s5, $0x1;
	s3 =	sadd.s32 s20, s19  }
0x9c: {  	s22 =	simm.s32 $0x0;
	s4 =	sshll.u32 s4, $0x1;
	s5 =	sadd.s32 s21, s3  }
0x9d: {  	[timem:s22], [sflag:s6] =	dma.local [hbm:s5], s4  }
0x9e: {  	_ =	swait.ge [sflag:s6], s4  }
0x9f: {  	s4 =	ssub.s32 $0x0, s4;
	[sflag:s6] =	ssyncset.done $0x0  }
0xa0: {  	[sflag:s6] =	ssyncadd.s32 s4;
	_ =	sdelay $0x1  }
0xa1: {  	s23 =	simm.s32 $0x1B8B  }
0xa2: {  	_ =	swait.ge [sflag:s23], $0x1  }
0xa3: {  	[sflag:s23] =	ssyncset.done $0x0  }
0xa4: {  	[sflag:s23] =	ssyncadd.s32 $0xFFFFFFFF  }
0xa5: {  	s4 =	sld [smem:$0x0]  }
0xa6: {  	s5 =	sand.u32 $0xFFFFFFFE, s1  }
0xa7: {  	p0 =	sne.s32 s1, s5  }
0xa8: {  	s5 =	sshll.u32 @p0 s5, $0xE  }
0xa9: {  	s5 =	sadd.s32 @p0 $0x11B8D, s5;
	s6 =	sshll.u32 @p0 s4, $0x11  }
0xaa: {  	s5 =	sor.u32 @p0 s6, s5  }
0xab: {  	[sflag:s5] =	ssyncadd.remote.s32 @p0 $0x1;
	_ =	sdelay $0x1  }
0xac: {  	s5 =	simm.s32 @p0 $0x1B8D  }
0xad: {  	_ =	swait.eq @p0 [sflag:s5], $0x1  }
0xae: {  	[sflag:s5] =	ssyncadd.s32 @p0 $0xFFFFFFFF  }
0xaf: {  	s6 =	sshll.u32 @!p0 s1, $0xE  }
0xb0: {  	s6 =	sor.u32 @!p0 $0x4000, s6;
	s5 =	simm.s32 @!p0 $0x1B8D  }
0xb1: {  	s4 =	sshll.u32 @!p0 s4, $0x11;
	s6 =	sadd.s32 @!p0 $0x11B8D, s6;
	_ =	swait.eq @!p0 [sflag:s5], $0x1  }
0xb2: {  	s4 =	sor.u32 @!p0 s4, s6;
	[sflag:s5] =	ssyncadd.s32 @!p0 $0xFFFFFFFF  }
0xb3: {  	s25 =	simm.s32 $0x1B8E;
	s24 =	sld [smem:$0x3FFE];
	[sflag:s4] =	ssyncadd.remote.s32 @!p0 $0x1  }
0xb4: {  	s26 =	simm.s32 $execute0_lowered;
	[smem:$0x3FD2] =	sst s25  }
0xb5: {  	s5 =	sshll.u32 s26, $0x1;
	_ =	strace $0x80000049;
	[dreg:$0x1] =	wrdreg $0xFFFFFFFF  }
0xb6: {  	s28 =	simm.s32 $_size_execute0_lowered;
	s3 =	sadd.s32 s3, s5;
	[dreg:$0x0] =	wrdreg $0x0  }
0xb7: {  	s5 =	sshll.u32 s28, $0x1;
	[dreg:$0x2] =	wrdreg s3  }
0xb8: {  	[dreg:$0x3] =	wrdreg s5  }
0xb9: {  	[dreg:$0x4] =	wrdreg $0xC0  }
0xba: {  	_ =	task [dreg:s22], $0x5FFFF  }
0xbb: {  	[dreg:$0x1] =	wrdreg $0xFFFFFFFF  }
0xbc: {  	[dreg:$0x0] =	wrdreg $0x60  }
0xbd: {  	[dreg:$0x2] =	wrdreg s24  }
0xbe: {  	[dreg:$0x3] =	wrdreg $0x48800  }
0xbf: {  	[dreg:$0x4] =	wrdreg $0xA  }
0xc0: {  	_ =	task.clear_ibuf [dreg:s22], $0x5FFFF;
	_ =	strace $0x90000049  }
0xc1: {  	s29 =	simm.s32 $0xA;
	_ =	strace $0x8000004B  }
0xc2: {  	_ =	swait.ge [sflag:s29], $0x1  }
0xc3: {  	[sflag:s29] =	ssyncadd.s32 $0xFFFFFFFF  }
0xc4: {  	_ =	strace $0x9000004B  }
0xc5: {  	_ =	sfence  }
0xc6: {  	s30 =	sld [smem:$0x0];
	_ =	sdelay $0x2  }
0xc7: {  	s31 =	sshll.u32 s1, $0xD;
	s1 =	sshrl.u32 s1, $0x2  }
0xc8: {  	s4 =	sand.u32 $0x4000, s31;
	s1 =	sadd.s32 s1, s30  }
0xc9: {  	s0 =	sor.u32 s4, s0;
	s1 =	sshll.u32 s1, $0x11  }
0xca: {  	s0 =	sor.u32 s1, s0  }
0xcb: {  	s0 =	sadd.s32 $0x8F2B, s0  }
0xcc: {  	[sflag:s0] =	ssyncadd.remote.s32 $0x1  }
0xcd: {  	_ =	sfence.sel $0xFFFF  }
0xce: {  	[dreg:$0x0] =	wrdreg $0xFFFFFFFF;
	(pc) =	sbr.abs _section_cstart, $3  }
0xcf: {  	[dreg:$0x1] =	wrdreg $0xFFFFFFFF  }
0xd0: {  	_ =	task.clear_ibuf [dreg:s22], $0x2FFFF;
	_ =	strace $0x9FFFFFFF  }
0xd1: {  	(tm) =	ssettm $0x7FFFFFFF  }
tec
execute0_lowered:
.L_overlay_start_1:
0x0: {  	(tag) =	ssettag $0x1  }
0x1: {  	s0 =	srdreg.scid  }
0x2: {  	s5 =	sand.u32 $0x1, s0  }
0x3: {  	s0 =	stileid.u32;
	s6 =	smul.u32 $0x278000, s5  }
0x4: {  	s4 =	rddreg [dreg:$0x0];
	s7 =	smul.u32 $0x27800, s0  }
0x5: {  	s2 =	rddreg [dreg:$0x1];
	s8 =	smul.u32 $0x4F00, s5  }
0x6: {  	s1 =	rddreg [dreg:$0x2];
	s3 =	simm.s32 $0x0;
	s24 =	smul.u32 $0x13C00, s0  }
0x7: {  	[smem:$0x7FF] =	sst s3;
	s9 =	smul.u32 $0x13C000, s5  }
0x8: {  	s14 =	simm.s32 $0x0;
	_ =	strace $0x8000004A;
	s26 =	smul.u32 $0x4F000, s0  }
0x9: {  	s5 =	ssub.s32 $0x2, s5;
	s30 =	sshll.u32 s0, $0x6;
	s13 =	smul.u32 $0x4F0, s0  }
0xa: {  	s28 =	sshrl.u32 s5, $0x1;
	s6 =	sadd.s32 s7, s6;
	s11 =	sadd.s32 s8, s4  }
0xb: {  	s25 =	sshrl.u32 s24, $0x3;
	s7 =	sadd.s32 s24, s9;
	s9 =	ssub.s32 s5, s28  }
0xc: {  	s29 =	sshrl.u32 s26, $0x2;
	s5 =	sor.u32 $0x1C01, s30;
	s6 =	sshrl.u32 s6, $0x3  }
0xd: {  	s7 =	sshrl.u32 s7, $0x3;
	s12 =	sadd.s32 s29, s2;
	s31 =	sadd.s32 s13, s11  }
0xe: {  	s11 =	simm.s32 $0x1;
	s10 =	sadd.s32 s6, s4;
	s6 =	sadd.s32 s25, s4  }
0xf: {  	s13 =	simm.s32 $0x880;
	s7 =	sadd.s32 s7, s4;
	s4 =	sadd.s32 $0x3DA00, s6  }
0x10: {  	s6 =	sadd.s32 $0xB4200, s7;
	s7 =	smax.u32 s9, $0x1;
	s8 =	sadd.s32 $0x5A4200, s10  }
0x11: {  	v0 =	vimm.f32 $0.0e+00;
	s9 =	sadd.s32 $0x29E00, s31;
	s10 =	sshrl.u32 s12, $0x3;
	s12 =	simm.s32 $0x80  }
.LBB2_1:
0x12: {  	s15 =	simm.s32 $0x0;
	s16 =	simm.s32 $0x200  }
.LBB2_2:
0x13: {  	p0 =	sne.s32 s16, $0xFE00;
	[tilespmem:s15+$0x8F0] =	vst v0  }
0x14: {  	[tilespmem:s15+$0x880] =	vst v0  }
0x15: {  	[tilespmem:s15+$0x890] =	vst v0  }
.Ltmp0:
0x16: {  	[tilespmem:s15+$0x8A0] =	vst v0;
	(pc) =	sbr.rel @p0 .LBB2_2-.Ltmp0, $4  }
0x17: {  	[tilespmem:s15+$0x8B0] =	vst v0  }
0x18: {  	[tilespmem:s15+$0x8C0] =	vst v0  }
0x19: {  	[tilespmem:s15+$0x8D0] =	vst v0  }
0x1a: {  	[tilespmem:s15+$0x8E0] =	vst v0;
	s15 =	sshra.s32 s16, $0x2;
	s16 =	sadd.s32 $0x200, s16  }
0x1b: {  	[tilespmem:s15+$0x8F0] =	vst v0  }
0x1c: {  	[tilespmem:s15+$0x880] =	vst v0  }
0x1d: {  	[tilespmem:s15+$0x890] =	vst v0  }
0x1e: {  	[tilespmem:s15+$0x8A0] =	vst v0  }
0x1f: {  	[tilespmem:s15+$0x8B0] =	vst v0  }
0x20: {  	[tilespmem:s15+$0x8C0] =	vst v0  }
0x21: {  	[tilespmem:s15+$0x8D0] =	vst v0  }
0x22: {  	[tilespmem:s15+$0x8E0] =	vst v0  }
0x23: {  	[spmem:s10], [sflag:s5] =	dma.local [hbm:s4], $0x2780  }
0x24: {  	_ =	swait.ge [sflag:s11], $0x2780  }
0x25: {  	[sflag:s11] =	ssyncset.done $0x0  }
0x26: {  	[sflag:s11] =	ssyncadd.s32 $0xFFFFD880  }
0x27: {  	s15 =	simm.s32 $0x0;
	s16 =	smov.u32 s8;
	[bflag:$0x0] =	sbarrier.arrive $0xFFFF  }
.LBB2_4:
0x28: {  	s17 =	sadd.s32 s15, s9  }
0x29: {  	[tilespmem:s3], [sflag:$0x1] =	stream.linear.gather [hbm4b:s17+s3], $0x80, $0x38;
	[tilespmem:$0x18480] =	vst v63  }
0x2a: {  	_ =	swait.ge [sflag:s11], $0x80  }
0x2b: {  	[sflag:s11] =	ssyncset.done $0x0  }
0x2c: {  	[sflag:s11] =	ssyncadd.s32 $0xFFFFFF80  }
0x2d: {  	[tilespmem:s12], [sflag:$0x1] =	stream.linear.gather [hbm4b:s16+s3], $0x800, $0x38;
	[tilespmem:$0x18480] =	vst v63  }
0x2e: {  	_ =	swait.ge [sflag:s11], $0x800  }
0x2f: {  	[sflag:s11] =	ssyncset.done $0x0  }
0x30: {  	[sflag:s11] =	ssyncadd.s32 $0xFFFFF800  }
0x31: {  	v1 =	vld [tilespmem:$0x80]  }
0x32: {  	v2 =	vld [tilespmem:$0x90]  }
0x33: {  	v3 =	vld [tilespmem:$0xA0]  }
0x34: {  	v4 =	vld [tilespmem:$0xB0]  }
0x35: {  	v5 =	vld [tilespmem:$0xC0]  }
0x36: {  	[tilespmem:$0x880] =	vst v1;
	v1 =	vld [tilespmem:$0xD0]  }
0x37: {  	[tilespmem:$0x900] =	vst v2;
	v2 =	vld [tilespmem:$0xE0]  }
0x38: {  	[tilespmem:$0x980] =	vst v3;
	v3 =	vld [tilespmem:$0xF0]  }
0x39: {  	v16 =	vld [tilespmem:$0x100];
	[tilespmem:$0xA00] =	vst v4  }
0x3a: {  	v17 =	vld [tilespmem:$0x110];
	[tilespmem:$0xA80] =	vst v5  }
0x3b: {  	[tilespmem:$0xB00] =	vst v1;
	v1 =	vld [tilespmem:$0x120]  }
0x3c: {  	[tilespmem:$0xB80] =	vst v2;
	v2 =	vld [tilespmem:$0x130]  }
0x3d: {  	[tilespmem:$0xC00] =	vst v3;
	v3 =	vld [tilespmem:$0x140]  }
0x3e: {  	v18 =	vld [tilespmem:$0x150];
	[tilespmem:$0xC80] =	vst v16  }
0x3f: {  	v19 =	vld [tilespmem:$0x160];
	[tilespmem:$0xD00] =	vst v17  }
0x40: {  	[tilespmem:$0xD80] =	vst v1;
	v1 =	vld [tilespmem:$0x170]  }
0x41: {  	[tilespmem:$0xE00] =	vst v2;
	v2 =	vld [tilespmem:$0x180]  }
0x42: {  	[tilespmem:$0xE80] =	vst v3;
	v3 =	vld [tilespmem:$0x190]  }
0x43: {  	v20 =	vld [tilespmem:$0x1A0];
	[tilespmem:$0xF00] =	vst v18  }
0x44: {  	v21 =	vld [tilespmem:$0x1B0];
	[tilespmem:$0xF80] =	vst v19  }
0x45: {  	[tilespmem:$0x1000] =	vst v1;
	v1 =	vld [tilespmem:$0x1C0]  }
0x46: {  	[tilespmem:$0x1080] =	vst v2;
	v2 =	vld [tilespmem:$0x1D0]  }
0x47: {  	[tilespmem:$0x1100] =	vst v3;
	v3 =	vld [tilespmem:$0x1E0]  }
0x48: {  	v22 =	vld [tilespmem:$0x1F0];
	[tilespmem:$0x1180] =	vst v20  }
0x49: {  	v23 =	vld [tilespmem:$0x200];
	[tilespmem:$0x1200] =	vst v21  }
0x4a: {  	[tilespmem:$0x1280] =	vst v1;
	v1 =	vld [tilespmem:$0x210]  }
0x4b: {  	[tilespmem:$0x1300] =	vst v2;
	v2 =	vld [tilespmem:$0x220]  }
0x4c: {  	[tilespmem:$0x1380] =	vst v3;
	v3 =	vld [tilespmem:$0x230]  }
0x4d: {  	v24 =	vld [tilespmem:$0x240];
	[tilespmem:$0x1400] =	vst v22  }
0x4e: {  	v25 =	vld [tilespmem:$0x250];
	[tilespmem:$0x1480] =	vst v23  }
0x4f: {  	[tilespmem:$0x1500] =	vst v1;
	v1 =	vld [tilespmem:$0x260]  }
0x50: {  	[tilespmem:$0x1580] =	vst v2;
	v2 =	vld [tilespmem:$0x270]  }
0x51: {  	[tilespmem:$0x1600] =	vst v3;
	v3 =	vld [tilespmem:$0x280]  }
0x52: {  	v26 =	vld [tilespmem:$0x290];
	[tilespmem:$0x1680] =	vst v24  }
0x53: {  	v27 =	vld [tilespmem:$0x2A0];
	[tilespmem:$0x1700] =	vst v25  }
0x54: {  	[tilespmem:$0x1780] =	vst v1;
	v1 =	vld [tilespmem:$0x2B0]  }
0x55: {  	[tilespmem:$0x1800] =	vst v2;
	v2 =	vld [tilespmem:$0x2C0]  }
0x56: {  	[tilespmem:$0x1880] =	vst v3;
	v3 =	vld [tilespmem:$0x2D0]  }
0x57: {  	v28 =	vld [tilespmem:$0x2E0];
	[tilespmem:$0x1900] =	vst v26  }
0x58: {  	v29 =	vld [tilespmem:$0x2F0];
	[tilespmem:$0x1980] =	vst v27  }
0x59: {  	[tilespmem:$0x1A00] =	vst v1;
	v1 =	vld [tilespmem:$0x300]  }
0x5a: {  	[tilespmem:$0x1A80] =	vst v2;
	v2 =	vld [tilespmem:$0x310]  }
0x5b: {  	[tilespmem:$0x1B00] =	vst v3;
	v3 =	vld [tilespmem:$0x320]  }
0x5c: {  	v30 =	vld [tilespmem:$0x330];
	[tilespmem:$0x1B80] =	vst v28  }
0x5d: {  	v31 =	vld [tilespmem:$0x340];
	[tilespmem:$0x1C00] =	vst v29  }
0x5e: {  	[tilespmem:$0x1C80] =	vst v1;
	v1 =	vld [tilespmem:$0x350]  }
0x5f: {  	[tilespmem:$0x1D00] =	vst v2;
	v2 =	vld [tilespmem:$0x360]  }
0x60: {  	[tilespmem:$0x1D80] =	vst v3;
	v3 =	vld [tilespmem:$0x370]  }
0x61: {  	v32 =	vld [tilespmem:$0x380];
	[tilespmem:$0x1E00] =	vst v30  }
0x62: {  	v33 =	vld [tilespmem:$0x390];
	[tilespmem:$0x1E80] =	vst v31  }
0x63: {  	[tilespmem:$0x1F00] =	vst v1;
	v1 =	vld [tilespmem:$0x3A0]  }
0x64: {  	[tilespmem:$0x1F80] =	vst v2;
	v2 =	vld [tilespmem:$0x3B0]  }
0x65: {  	[tilespmem:$0x2000] =	vst v3;
	v3 =	vld [tilespmem:$0x3C0]  }
0x66: {  	v34 =	vld [tilespmem:$0x3D0];
	[tilespmem:$0x2080] =	vst v32  }
0x67: {  	v35 =	vld [tilespmem:$0x3E0];
	[tilespmem:$0x2100] =	vst v33  }
0x68: {  	[tilespmem:$0x2180] =	vst v1;
	v1 =	vld [tilespmem:$0x3F0]  }
0x69: {  	[tilespmem:$0x2200] =	vst v2;
	v2 =	vld [tilespmem:$0x400]  }
0x6a: {  	[tilespmem:$0x2280] =	vst v3;
	v3 =	vld [tilespmem:$0x410]  }
0x6b: {  	v36 =	vld [tilespmem:$0x420];
	[tilespmem:$0x2300] =	vst v34  }
0x6c: {  	v37 =	vld [tilespmem:$0x430];
	[tilespmem:$0x2380] =	vst v35  }
0x6d: {  	[tilespmem:$0x2400] =	vst v1;
	v1 =	vld [tilespmem:$0x440]  }
0x6e: {  	[tilespmem:$0x2480] =	vst v2;
	v2 =	vld [tilespmem:$0x450]  }
0x6f: {  	[tilespmem:$0x2500] =	vst v3;
	v3 =	vld [tilespmem:$0x460]  }
0x70: {  	v38 =	vld [tilespmem:$0x470];
	[tilespmem:$0x2580] =	vst v36  }
0x71: {  	v39 =	vld [tilespmem:$0x480];
	[tilespmem:$0x2600] =	vst v37  }
0x72: {  	[tilespmem:$0x2680] =	vst v1;
	v1 =	vld [tilespmem:$0x490]  }
0x73: {  	[tilespmem:$0x2700] =	vst v2;
	v2 =	vld [tilespmem:$0x4A0]  }
0x74: {  	[tilespmem:$0x2780] =	vst v3;
	v3 =	vld [tilespmem:$0x4B0]  }
0x75: {  	v40 =	vld [tilespmem:$0x4C0];
	[tilespmem:$0x2800] =	vst v38  }
0x76: {  	v41 =	vld [tilespmem:$0x4D0];
	[tilespmem:$0x2880] =	vst v39  }
0x77: {  	[tilespmem:$0x2900] =	vst v1;
	v1 =	vld [tilespmem:$0x4E0]  }
0x78: {  	[tilespmem:$0x2980] =	vst v2;
	v2 =	vld [tilespmem:$0x4F0]  }
0x79: {  	[tilespmem:$0x2A00] =	vst v3;
	v3 =	vld [tilespmem:$0x500]  }
0x7a: {  	v42 =	vld [tilespmem:$0x510];
	[tilespmem:$0x2A80] =	vst v40  }
0x7b: {  	v43 =	vld [tilespmem:$0x520];
	[tilespmem:$0x2B00] =	vst v41  }
0x7c: {  	[tilespmem:$0x2B80] =	vst v1;
	v1 =	vld [tilespmem:$0x530]  }
0x7d: {  	[tilespmem:$0x2C00] =	vst v2;
	v2 =	vld [tilespmem:$0x540]  }
0x7e: {  	[tilespmem:$0x2C80] =	vst v3;
	v3 =	vld [tilespmem:$0x550]  }
0x7f: {  	v44 =	vld [tilespmem:$0x560];
	[tilespmem:$0x2D00] =	vst v42  }
0x80: {  	v45 =	vld [tilespmem:$0x570];
	[tilespmem:$0x2D80] =	vst v43  }
0x81: {  	[tilespmem:$0x2E00] =	vst v1;
	v1 =	vld [tilespmem:$0x580]  }
0x82: {  	[tilespmem:$0x2E80] =	vst v2;
	v2 =	vld [tilespmem:$0x590]  }
0x83: {  	[tilespmem:$0x2F00] =	vst v3;
	v3 =	vld [tilespmem:$0x5A0]  }
0x84: {  	v46 =	vld [tilespmem:$0x5B0];
	[tilespmem:$0x2F80] =	vst v44  }
0x85: {  	v47 =	vld [tilespmem:$0x5C0];
	[tilespmem:$0x3000] =	vst v45  }
0x86: {  	[tilespmem:$0x3080] =	vst v1;
	v1 =	vld [tilespmem:$0x5D0]  }
0x87: {  	[tilespmem:$0x3100] =	vst v2;
	v2 =	vld [tilespmem:$0x5E0]  }
0x88: {  	[tilespmem:$0x3180] =	vst v3;
	v3 =	vld [tilespmem:$0x5F0]  }
0x89: {  	v48 =	vld [tilespmem:$0x600];
	[tilespmem:$0x3200] =	vst v46  }
0x8a: {  	v49 =	vld [tilespmem:$0x610];
	[tilespmem:$0x3280] =	vst v47  }
0x8b: {  	[tilespmem:$0x3300] =	vst v1;
	v1 =	vld [tilespmem:$0x620]  }
0x8c: {  	[tilespmem:$0x3380] =	vst v2;
	v2 =	vld [tilespmem:$0x630]  }
0x8d: {  	[tilespmem:$0x3400] =	vst v3;
	v3 =	vld [tilespmem:$0x640]  }
0x8e: {  	v50 =	vld [tilespmem:$0x650];
	[tilespmem:$0x3480] =	vst v48  }
0x8f: {  	v51 =	vld [tilespmem:$0x660];
	[tilespmem:$0x3500] =	vst v49  }
0x90: {  	[tilespmem:$0x3580] =	vst v1;
	v1 =	vld [tilespmem:$0x670]  }
0x91: {  	[tilespmem:$0x3600] =	vst v2;
	v2 =	vld [tilespmem:$0x680]  }
0x92: {  	[tilespmem:$0x3680] =	vst v3;
	v3 =	vld [tilespmem:$0x690]  }
0x93: {  	v52 =	vld [tilespmem:$0x6A0];
	[tilespmem:$0x3700] =	vst v50  }
0x94: {  	v53 =	vld [tilespmem:$0x6B0];
	[tilespmem:$0x3780] =	vst v51  }
0x95: {  	[tilespmem:$0x3800] =	vst v1;
	v1 =	vld [tilespmem:$0x6C0]  }
0x96: {  	[tilespmem:$0x3880] =	vst v2;
	v2 =	vld [tilespmem:$0x6D0]  }
0x97: {  	[tilespmem:$0x3900] =	vst v3;
	v3 =	vld [tilespmem:$0x6E0]  }
0x98: {  	v54 =	vld [tilespmem:$0x6F0];
	[tilespmem:$0x3980] =	vst v52  }
0x99: {  	v55 =	vld [tilespmem:$0x700];
	[tilespmem:$0x3A00] =	vst v53  }
0x9a: {  	[tilespmem:$0x3A80] =	vst v1;
	v1 =	vld [tilespmem:$0x710]  }
0x9b: {  	[tilespmem:$0x3B00] =	vst v2;
	v2 =	vld [tilespmem:$0x720]  }
0x9c: {  	[tilespmem:$0x3B80] =	vst v3;
	v3 =	vld [tilespmem:$0x730]  }
0x9d: {  	v56 =	vld [tilespmem:$0x740];
	[tilespmem:$0x3C00] =	vst v54  }
0x9e: {  	v57 =	vld [tilespmem:$0x750];
	[tilespmem:$0x3C80] =	vst v55  }
0x9f: {  	[tilespmem:$0x3D00] =	vst v1;
	v1 =	vld [tilespmem:$0x760]  }
0xa0: {  	[tilespmem:$0x3D80] =	vst v2;
	v2 =	vld [tilespmem:$0x770]  }
0xa1: {  	[tilespmem:$0x3E00] =	vst v3;
	v3 =	vld [tilespmem:$0x780]  }
0xa2: {  	v58 =	vld [tilespmem:$0x790];
	[tilespmem:$0x3E80] =	vst v56  }
0xa3: {  	v59 =	vld [tilespmem:$0x7A0];
	[tilespmem:$0x3F00] =	vst v57  }
0xa4: {  	[tilespmem:$0x3F80] =	vst v1;
	v1 =	vld [tilespmem:$0x7B0]  }
0xa5: {  	[tilespmem:$0x4000] =	vst v2;
	v2 =	vld [tilespmem:$0x7C0]  }
0xa6: {  	[tilespmem:$0x4080] =	vst v3;
	v3 =	vld [tilespmem:$0x7D0]  }
0xa7: {  	v60 =	vld [tilespmem:$0x7E0];
	[tilespmem:$0x4100] =	vst v58  }
0xa8: {  	v61 =	vld [tilespmem:$0x7F0];
	[tilespmem:$0x4180] =	vst v59  }
0xa9: {  	[tilespmem:$0x4200] =	vst v1;
	v1 =	vld [tilespmem:$0x800]  }
0xaa: {  	[tilespmem:$0x4280] =	vst v2;
	v2 =	vld [tilespmem:$0x810]  }
0xab: {  	[tilespmem:$0x4300] =	vst v3;
	v3 =	vld [tilespmem:$0x820]  }
0xac: {  	v62 =	vld [tilespmem:$0x830];
	[tilespmem:$0x4380] =	vst v60  }
0xad: {  	v63 =	vld [tilespmem:$0x840];
	[tilespmem:$0x4400] =	vst v61  }
0xae: {  	[tilespmem:$0x4480] =	vst v1;
	v1 =	vld [tilespmem:$0x850]  }
0xaf: {  	[tilespmem:$0x4500] =	vst v2;
	v2 =	vld [tilespmem:$0x860]  }
0xb0: {  	[tilespmem:$0x4580] =	vst v3;
	v3 =	vld [tilespmem:$0x870]  }
0xb1: {  	[tilespmem:$0x4600] =	vst v62  }
0xb2: {  	[tilespmem:$0x4680] =	vst v63  }
0xb3: {  	[tilespmem:$0x4700] =	vst v1  }
0xb4: {  	p0 =	sne.s32 s15, $0x4E0;
	[tilespmem:$0x4780] =	vst v2  }
.Ltmp1:
0xb5: {  	[tilespmem:$0x4800] =	vst v3;
	(pc) =	sbr.rel @p0 .LBB2_4-.Ltmp1, $4  }
0xb6: {  	[spmem:s2] =	stream.indirect.scatter.add.f32 [tilespmem:s13], [sflag:$0x1], $0x80, s3, s12, $0xb8;
	[tilespmem:$0x18480] =	vst v63  }
0xb7: {  	_ =	swait.ge [sflag:s11], $0x4000  }
0xb8: {  	[sflag:s11] =	ssyncset.done $0x0  }
0xb9: {  	s15 =	sadd.s32 $0x10, s15;
	s16 =	sadd.s32 $0x100, s16;
	[sflag:s11] =	ssyncadd.s32 $0xFFFFC000  }
0xba: {  	s14 =	sadd.s32 $0x1, s14  }
0xbb: {  	p0 =	sne.s32 s14, s7  }
.Ltmp2:
0xbc: {  	[bflag:$0x0] =	sbarrier.arrive $0xFFFF;
	(pc) =	sbr.rel @p0 .LBB2_1-.Ltmp2, $4  }
0xbd: {  	[hbm:s6], [sflag:s5] =	dma.local [spmem:s10], $0x2780  }
0xbe: {  	_ =	swait.ge [sflag:s11], $0x2780  }
0xbf: {  	[sflag:s11] =	ssyncset.done $0x0  }
0xc0: {  	[sflag:s11] =	ssyncadd.s32 $0xFFFFD880  }
0xc1: {  	_ =	sfence.sel $0x180000  }
0xc2: {  	[bflag:$0x0] =	sbarrier.arrive $0xFFFF  }
0xc3: {  	p0 =	sne.s32 s0, $0x0;
	_ =	strace $0x9000004A  }
0xc4: {  	s0 =	sadd.s32 @!p0 $0x100000, s1;
	[bflag:$0x2] =	sbarrier.arrive $0xFFFF  }
0xc5: {  	[sflag:s0] =	ssyncadd.tile.s32 @!p0 $0x1;
	_ =	shalt  }
.Lfunc_end2:
_tile_overlayer_lowered:
.L_overlay_start_2:
0xc6: {  	(tag) =	ssettag $0x2  }
0xc7: {  	s0 =	rddreg [dreg:$0x0];
	s2 =	stileid.u32  }
0xc8: {  	s1 =	rddreg [dreg:$0x1];
	p0 =	sne.s32 s2, $0x0  }
0xc9: {  	s3 =	rddreg [dreg:$0x2];
	[bflag:$0x3] =	sbarrier.arrive $0xFFFF;
	s2 =	simm.s32 @!p0 $0x1C01  }
0xca: {  	[timem:s3], [sflag:s2] =	dma.local @!p0 [hbm:s0], s1  }
0xcb: {  	s0 =	simm.s32 @!p0 $0x1  }
0xcc: {  	_ =	swait.ge @!p0 [sflag:s0], s1  }
0xcd: {  	s1 =	ssub.s32 @!p0 $0x0, s1;
	[sflag:s0] =	ssyncset.done @!p0 $0x0  }
0xce: {  	[sflag:s0] =	ssyncadd.s32 @!p0 s1  }
0xcf: {  	[bflag:$0x3] =	sbarrier.arrive $0xFFFF  }
0xd0: {  	_ =	shalt  }

</sc_bundles>
